<compile_context>
chip_gen: v7x
topology: tpu7x:2x2x1
jax: 0.10.2.dev20260603
libtpu: 0.0.44.dev20260713+nightly
codegen_flags: <defaults>
</compile_context>

<pallas_src>
import functools
import jax
import jax.numpy as jnp
import numpy as np
from jax import lax
from jax.experimental import pallas as pl
from jax.experimental.pallas import tpu as pltpu
from jax.experimental.pallas import tpu_sc as plsc

DIM = 33
CSIZE = DIM * DIM * DIM
NC, NS, L = 2, 16, 16
NW = NC * NS
INV_BINSIZE = np.float32((DIM - 1) / 1.000001)
P = 1024


def _lut3d_sc(x_flat, lut0, lut1, lut2, n_pix, plane):
    per_w = n_pix // NW
    n_blk = per_w // P
    n_pair = n_blk // 2

    mesh = plsc.VectorSubcoreMesh(
        core_axis_name="c", subcore_axis_name="s",
        num_cores=NC, num_subcores=NS)

    vbuf = lambda: pltpu.VMEM((P,), jnp.float32)

    @functools.partial(
        pl.kernel,
        out_type=jax.ShapeDtypeStruct((3 * n_pix,), jnp.float32),
        mesh=mesh,
        compiler_params=pltpu.CompilerParams(needs_layout_passes=False),
        scratch_types=[
            pltpu.VMEM((CSIZE,), jnp.float32),
            pltpu.VMEM((CSIZE,), jnp.float32),
            pltpu.VMEM((CSIZE,), jnp.float32),
            vbuf(), vbuf(), vbuf(), vbuf(), vbuf(), vbuf(),
            vbuf(), vbuf(), vbuf(), vbuf(), vbuf(), vbuf(),
            pltpu.SemaphoreType.DMA, pltpu.SemaphoreType.DMA,
            pltpu.SemaphoreType.DMA, pltpu.SemaphoreType.DMA,
        ],
    )
    def lut_kernel(x_hbm, l0_hbm, l1_hbm, l2_hbm, out_hbm,
                   l0, l1, l2,
                   i0r, i0g, i0b, i1r, i1g, i1b,
                   o0r, o0g, o0b, o1r, o1g, o1b,
                   s_in0, s_in1, s_out0, s_out1):
        wid = lax.axis_index("s") * NC + lax.axis_index("c")
        img = wid // 2
        col0 = (wid % 2) * per_w
        bases = tuple((img * 3 + c) * plane + col0 for c in range(3))
        in0, in1 = (i0r, i0g, i0b), (i1r, i1g, i1b)
        out0, out1 = (o0r, o0g, o0b), (o1r, o1g, o1b)

        pltpu.sync_copy(l0_hbm, l0)
        pltpu.sync_copy(l1_hbm, l1)
        pltpu.sync_copy(l2_hbm, l2)

        def in_descs(blk, bufs, sem):
            off = blk * P
            return [pltpu.make_async_copy(
                x_hbm.at[pl.ds(bases[c] + off, P)], bufs[c], sem)
                for c in range(3)]

        def out_descs(blk, bufs, sem):
            off = blk * P
            return [pltpu.make_async_copy(
                bufs[c], out_hbm.at[pl.ds(bases[c] + off, P)], sem)
                for c in range(3)]

        def start(descs):
            for d in descs:
                d.start()

        def wait(descs):
            for d in descs:
                d.wait()

        def compute(src, dst):
            @plsc.parallel_loop(0, P // L, 1, unroll=2)
            def vec_body(i):
                s = i * L
                r = src[0][pl.ds(s, L)]
                g = src[1][pl.ds(s, L)]
                b = src[2][pl.ds(s, L)]
                rf = r * INV_BINSIZE
                gf = g * INV_BINSIZE
                bf = b * INV_BINSIZE
                rid = jnp.clip(rf.astype(jnp.int32), 0, DIM - 2)
                gid = jnp.clip(gf.astype(jnp.int32), 0, DIM - 2)
                bid = jnp.clip(bf.astype(jnp.int32), 0, DIM - 2)
                rd = rf - rid.astype(jnp.float32)
                gd = gf - gid.astype(jnp.float32)
                bd = bf - bid.astype(jnp.float32)
                tr = 1.0 - rd
                tg = 1.0 - gd
                tb = 1.0 - bd
                p00 = tg * tb
                p10 = gd * tb
                p01 = tg * bd
                p11 = gd * bd
                w000 = tr * p00
                w100 = rd * p00
                w010 = tr * p10
                w110 = rd * p10
                w001 = tr * p01
                w101 = rd * p01
                w011 = tr * p11
                w111 = rd * p11

                i000 = rid + gid * DIM + bid * (DIM * DIM)
                i100 = i000 + 1
                i010 = i000 + DIM
                i110 = i000 + (DIM + 1)
                i001 = i000 + DIM * DIM
                i101 = i000 + (DIM * DIM + 1)
                i011 = i000 + (DIM * DIM + DIM)
                i111 = i000 + (DIM * DIM + DIM + 1)

                def interp(lv):
                    return (w000 * plsc.load_gather(lv, [i000])
                            + w100 * plsc.load_gather(lv, [i100])
                            + w010 * plsc.load_gather(lv, [i010])
                            + w110 * plsc.load_gather(lv, [i110])
                            + w001 * plsc.load_gather(lv, [i001])
                            + w101 * plsc.load_gather(lv, [i101])
                            + w011 * plsc.load_gather(lv, [i011])
                            + w111 * plsc.load_gather(lv, [i111]))

                dst[0][pl.ds(s, L)] = interp(l0)
                dst[1][pl.ds(s, L)] = interp(l1)
                dst[2][pl.ds(s, L)] = interp(l2)

        start(in_descs(0, in0, s_in0))

        def pair_body(p, _):
            b0 = 2 * p
            b1 = b0 + 1
            start(in_descs(b1, in1, s_in1))
            wait(in_descs(b0, in0, s_in0))

            @pl.when(p >= 1)
            def _():
                wait(out_descs(b0 - 2, out0, s_out0))

            compute(in0, out0)
            start(out_descs(b0, out0, s_out0))

            @pl.when(p + 1 < n_pair)
            def _():
                start(in_descs(b0 + 2, in0, s_in0))

            wait(in_descs(b1, in1, s_in1))

            @pl.when(p >= 1)
            def _():
                wait(out_descs(b1 - 2, out1, s_out1))

            compute(in1, out1)
            start(out_descs(b1, out1, s_out1))
            return 0

        lax.fori_loop(0, n_pair, pair_body, 0)
        wait(out_descs(n_blk - 2, out0, s_out0))
        wait(out_descs(n_blk - 1, out1, s_out1))

    return lut_kernel(x_flat, lut0, lut1, lut2)


def kernel(x, LUT):
    B, C, H, W = x.shape
    plane = H * W
    lut_flat = LUT.reshape(3, CSIZE)
    out_flat = _lut3d_sc(x.reshape(-1),
                         lut_flat[0], lut_flat[1], lut_flat[2],
                         B * plane, plane)
    return out_flat.reshape(B, C, H, W)

# --- scband reference (transcript-rebuilt; emitter-appended) ---
"""Pipeline reference for scband-get3-dlut-identity-21191368639341 (READ-ONLY COPY).

The authoritative reference and input builder live on the scoring server;
editing this copy changes nothing except your own understanding.
"""

import jax, jax.numpy as jnp
import numpy as np

DIM = 33

def _identity_lut(dim):
    coords = np.arange(dim, dtype=np.float32) / (dim - 1)
    lut = np.zeros((3, dim, dim, dim), dtype=np.float32)
    lut[0] = coords[None, None, :]
    lut[1] = coords[None, :, None]
    lut[2] = coords[:, None, None]
    return jnp.asarray(lut)

def _trilinear(lut, x):
    dim = lut.shape[-1]
    binsize = 1.000001 / (dim - 1)
    r = x[:, 0]; g = x[:, 1]; b = x[:, 2]
    rf = r / binsize; gf = g / binsize; bf = b / binsize
    rid = jnp.clip(jnp.floor(rf).astype(jnp.int32), 0, dim - 2)
    gid = jnp.clip(jnp.floor(gf).astype(jnp.int32), 0, dim - 2)
    bid = jnp.clip(jnp.floor(bf).astype(jnp.int32), 0, dim - 2)
    rd = rf - rid.astype(x.dtype)
    gd = gf - gid.astype(x.dtype)
    bd = bf - bid.astype(x.dtype)
    lut_flat = lut.reshape(3, dim * dim * dim)
    def fetch(ri, gi, bi):
        idx = ri + gi * dim + bi * dim * dim
        return jnp.take(lut_flat, idx, axis=1)  # (3, B, W, H)
    w000 = ((1 - rd) * (1 - gd) * (1 - bd))[None]
    w100 = (rd * (1 - gd) * (1 - bd))[None]
    w010 = ((1 - rd) * gd * (1 - bd))[None]
    w110 = (rd * gd * (1 - bd))[None]
    w001 = ((1 - rd) * (1 - gd) * bd)[None]
    w101 = (rd * (1 - gd) * bd)[None]
    w011 = ((1 - rd) * gd * bd)[None]
    w111 = (rd * gd * bd)[None]
    out = (w000 * fetch(rid, gid, bid)
         + w100 * fetch(rid + 1, gid, bid)
         + w010 * fetch(rid, gid + 1, bid)
         + w110 * fetch(rid + 1, gid + 1, bid)
         + w001 * fetch(rid, gid, bid + 1)
         + w101 * fetch(rid + 1, gid, bid + 1)
         + w011 * fetch(rid, gid + 1, bid + 1)
         + w111 * fetch(rid + 1, gid + 1, bid + 1))
    return jnp.transpose(out, (1, 0, 2, 3))

def setup_inputs(seed: int = 0) -> dict:
    key = jax.random.key(seed)
    x = jax.random.uniform(key, (16, 3, 512, 512), dtype=jnp.float32)
    LUT = _identity_lut(DIM)
    return {"x": x, "LUT": LUT}

def reference(x, LUT):
    return _trilinear(LUT, x)

if __name__ == "__main__":
    import jax
    _d = setup_inputs()
    print(jax.jit(kernel)(*tuple(_d.values())))

</pallas_src>

<mosaic_0001>
#map = affine_map<(d0, d1) -> (0)>
module attributes {stable_mosaic.version = 14 : i64} {
  func.func @lut_kernel(%arg0: i32, %arg1: i32, %arg2: memref<12582912xf32, #tpu.memory_space<hbm>>, %arg3: memref<35937xf32, #tpu.memory_space<hbm>>, %arg4: memref<35937xf32, #tpu.memory_space<hbm>>, %arg5: memref<35937xf32, #tpu.memory_space<hbm>>, %arg6: memref<12582912xf32, #tpu.memory_space<hbm>>, %arg7: memref<35937xf32, #tpu.memory_space<vmem>>, %arg8: memref<35937xf32, #tpu.memory_space<vmem>>, %arg9: memref<35937xf32, #tpu.memory_space<vmem>>, %arg10: memref<1024xf32, #tpu.memory_space<vmem>>, %arg11: memref<1024xf32, #tpu.memory_space<vmem>>, %arg12: memref<1024xf32, #tpu.memory_space<vmem>>, %arg13: memref<1024xf32, #tpu.memory_space<vmem>>, %arg14: memref<1024xf32, #tpu.memory_space<vmem>>, %arg15: memref<1024xf32, #tpu.memory_space<vmem>>, %arg16: memref<1024xf32, #tpu.memory_space<vmem>>, %arg17: memref<1024xf32, #tpu.memory_space<vmem>>, %arg18: memref<1024xf32, #tpu.memory_space<vmem>>, %arg19: memref<1024xf32, #tpu.memory_space<vmem>>, %arg20: memref<1024xf32, #tpu.memory_space<vmem>>, %arg21: memref<1024xf32, #tpu.memory_space<vmem>>, %arg22: memref<!tpu.dma_semaphore, #tpu.memory_space<semaphore_mem>>, %arg23: memref<!tpu.dma_semaphore, #tpu.memory_space<semaphore_mem>>, %arg24: memref<!tpu.dma_semaphore, #tpu.memory_space<semaphore_mem>>, %arg25: memref<!tpu.dma_semaphore, #tpu.memory_space<semaphore_mem>>) attributes {dimension_semantics = [#tpu.dimension_semantics<core_parallel>, #tpu.dimension_semantics<subcore_parallel>], iteration_bounds = array<i64: 2, 16>, scalar_prefetch = 0 : i64, scratch_operands = 19 : i64, tpu.core_type = #tpu.core_type<sc_vector_subcore>, window_params = [{transform_indices = #map}, {transform_indices = #map}, {transform_indices = #map}, {transform_indices = #map}, {transform_indices = #map}]} {
    %mul3A = arith.constant 2 : i32
    %mul3A_0 = arith.muli %arg1, %mul3A : i32
    %add3A = arith.addi %mul3A_0, %arg0 : i32
    %jit3A = arith.constant 2 : i32
    %div3A = arith.divsi %add3A, %jit3A : i32
    %sign3A = arith.constant 0 : i32
    %sign3A_1 = arith.cmpi sgt, %add3A, %sign3A : i32
    %sign3A_2 = arith.extui %sign3A_1 : i1 to i32
    %sign3A_3 = arith.constant 0 : i32
    %sign3A_4 = arith.cmpi slt, %add3A, %sign3A_3 : i32
    %sign3A_5 = arith.extui %sign3A_4 : i1 to i32
    %sign3A_6 = arith.subi %sign3A_2, %sign3A_5 : i32
    %sign3A_7 = arith.constant 0 : i32
    %sign3A_8 = arith.cmpi sgt, %jit3A, %sign3A_7 : i32
    %sign3A_9 = arith.extui %sign3A_8 : i1 to i32
    %sign3A_10 = arith.constant 0 : i32
    %sign3A_11 = arith.cmpi slt, %jit3A, %sign3A_10 : i32
    %sign3A_12 = arith.extui %sign3A_11 : i1 to i32
    %sign3A_13 = arith.subi %sign3A_9, %sign3A_12 : i32
    %ne3A = arith.cmpi ne, %sign3A_6, %sign3A_13 : i32
    %rem3A = arith.remsi %add3A, %jit3A : i32
    %ne3A_14 = arith.constant 0 : i32
    %ne3A_15 = arith.cmpi ne, %rem3A, %ne3A_14 : i32
    %and3A = arith.andi %ne3A, %ne3A_15 : i1
    %sub3A = arith.constant 1 : i32
    %sub3A_16 = arith.subi %div3A, %sub3A : i32
    %select_n3A = arith.select %and3A, %sub3A_16, %div3A : i32
    %jit3A_17 = arith.constant 2 : i32
    %eq3A = arith.constant 0 : i32
    %eq3A_18 = arith.cmpi eq, %jit3A_17, %eq3A : i32
    %jit3A_19 = arith.constant 1 : i32
    %select_n3A_20 = arith.select %eq3A_18, %jit3A_19, %jit3A_17 : i32
    %rem3A_21 = arith.remsi %add3A, %select_n3A_20 : i32
    %ne3A_22 = arith.constant 0 : i32
    %ne3A_23 = arith.cmpi ne, %rem3A_21, %ne3A_22 : i32
    %lt3A = arith.constant 0 : i32
    %lt3A_24 = arith.cmpi slt, %rem3A_21, %lt3A : i32
    %lt3A_25 = arith.constant 0 : i32
    %lt3A_26 = arith.cmpi slt, %select_n3A_20, %lt3A_25 : i32
    %ne3A_27 = arith.xori %lt3A_24, %lt3A_26 : i1
    %and3A_28 = arith.andi %ne3A_27, %ne3A_23 : i1
    %add3A_29 = arith.addi %rem3A_21, %select_n3A_20 : i32
    %select_n3A_30 = arith.select %and3A_28, %add3A_29, %rem3A_21 : i32
    %mul3A_31 = arith.constant 131072 : i32
    %mul3A_32 = arith.muli %select_n3A_30, %mul3A_31 : i32
    %mul3A_33 = arith.constant 3 : i32
    %mul3A_34 = arith.muli %select_n3A, %mul3A_33 : i32
    %add3A_35 = arith.constant 0 : i32
    %add3A_36 = arith.addi %mul3A_34, %add3A_35 : i32
    %mul3A_37 = arith.constant 262144 : i32
    %mul3A_38 = arith.muli %add3A_36, %mul3A_37 : i32
    %add3A_39 = arith.addi %mul3A_38, %mul3A_32 : i32
    %mul3A_40 = arith.constant 3 : i32
    %mul3A_41 = arith.muli %select_n3A, %mul3A_40 : i32
    %add3A_42 = arith.constant 1 : i32
    %add3A_43 = arith.addi %mul3A_41, %add3A_42 : i32
    %mul3A_44 = arith.constant 262144 : i32
    %mul3A_45 = arith.muli %add3A_43, %mul3A_44 : i32
    %add3A_46 = arith.addi %mul3A_45, %mul3A_32 : i32
    %mul3A_47 = arith.constant 3 : i32
    %mul3A_48 = arith.muli %select_n3A, %mul3A_47 : i32
    %add3A_49 = arith.constant 2 : i32
    %add3A_50 = arith.addi %mul3A_48, %add3A_49 : i32
    %mul3A_51 = arith.constant 262144 : i32
    %mul3A_52 = arith.muli %add3A_50, %mul3A_51 : i32
    %add3A_53 = arith.addi %mul3A_52, %mul3A_32 : i32
    "tpu.region"() ({
      %run_scoped3A = tpu.sem_alloc : memref<!tpu.dma_semaphore, #tpu.memory_space<semaphore_mem>>
      tpu.enqueue_dma source(%arg3 : memref<35937xf32, #tpu.memory_space<hbm>>) target(%arg7 : memref<35937xf32, #tpu.memory_space<vmem>>) target_semaphore(%run_scoped3A : memref<!tpu.dma_semaphore, #tpu.memory_space<semaphore_mem>>)
      tpu.wait_dma2 semaphore(%run_scoped3A : memref<!tpu.dma_semaphore, #tpu.memory_space<semaphore_mem>>) src(%arg3 : memref<35937xf32, #tpu.memory_space<hbm>>) dst(%arg7 : memref<35937xf32, #tpu.memory_space<vmem>>)
      tpu.yield
    }) : () -> ()
    "tpu.region"() ({
      %run_scoped3A = tpu.sem_alloc : memref<!tpu.dma_semaphore, #tpu.memory_space<semaphore_mem>>
      tpu.enqueue_dma source(%arg4 : memref<35937xf32, #tpu.memory_space<hbm>>) target(%arg8 : memref<35937xf32, #tpu.memory_space<vmem>>) target_semaphore(%run_scoped3A : memref<!tpu.dma_semaphore, #tpu.memory_space<semaphore_mem>>)
      tpu.wait_dma2 semaphore(%run_scoped3A : memref<!tpu.dma_semaphore, #tpu.memory_space<semaphore_mem>>) src(%arg4 : memref<35937xf32, #tpu.memory_space<hbm>>) dst(%arg8 : memref<35937xf32, #tpu.memory_space<vmem>>)
      tpu.yield
    }) : () -> ()
    "tpu.region"() ({
      %run_scoped3A = tpu.sem_alloc : memref<!tpu.dma_semaphore, #tpu.memory_space<semaphore_mem>>
      tpu.enqueue_dma source(%arg5 : memref<35937xf32, #tpu.memory_space<hbm>>) target(%arg9 : memref<35937xf32, #tpu.memory_space<vmem>>) target_semaphore(%run_scoped3A : memref<!tpu.dma_semaphore, #tpu.memory_space<semaphore_mem>>)
      tpu.wait_dma2 semaphore(%run_scoped3A : memref<!tpu.dma_semaphore, #tpu.memory_space<semaphore_mem>>) src(%arg5 : memref<35937xf32, #tpu.memory_space<hbm>>) dst(%arg9 : memref<35937xf32, #tpu.memory_space<vmem>>)
      tpu.yield
    }) : () -> ()
    %add3A_54 = arith.constant 0 : i32
    %add3A_55 = arith.addi %add3A_39, %add3A_54 : i32
    %add3A_56 = arith.constant 0 : i32
    %add3A_57 = arith.addi %add3A_46, %add3A_56 : i32
    %add3A_58 = arith.constant 0 : i32
    %add3A_59 = arith.addi %add3A_53, %add3A_58 : i32
    %dma_start3A = tpu.memref_slice %arg2[%add3A_55] : memref<12582912xf32, #tpu.memory_space<hbm>> -> memref<1024xf32, #tpu.memory_space<hbm>>
    %dma_start3A_60 = tpu.memref_slice %arg2[%add3A_55] : memref<12582912xf32, #tpu.memory_space<hbm>> -> memref<1024xf32, #tpu.memory_space<hbm>>
    tpu.enqueue_dma source(%dma_start3A_60 : memref<1024xf32, #tpu.memory_space<hbm>>) target(%arg10 : memref<1024xf32, #tpu.memory_space<vmem>>) target_semaphore(%arg22 : memref<!tpu.dma_semaphore, #tpu.memory_space<semaphore_mem>>)
    %dma_start3A_61 = tpu.memref_slice %arg2[%add3A_57] : memref<12582912xf32, #tpu.memory_space<hbm>> -> memref<1024xf32, #tpu.memory_space<hbm>>
    %dma_start3A_62 = tpu.memref_slice %arg2[%add3A_57] : memref<12582912xf32, #tpu.memory_space<hbm>> -> memref<1024xf32, #tpu.memory_space<hbm>>
    tpu.enqueue_dma source(%dma_start3A_62 : memref<1024xf32, #tpu.memory_space<hbm>>) target(%arg11 : memref<1024xf32, #tpu.memory_space<vmem>>) target_semaphore(%arg22 : memref<!tpu.dma_semaphore, #tpu.memory_space<semaphore_mem>>)
    %dma_start3A_63 = tpu.memref_slice %arg2[%add3A_59] : memref<12582912xf32, #tpu.memory_space<hbm>> -> memref<1024xf32, #tpu.memory_space<hbm>>
    %dma_start3A_64 = tpu.memref_slice %arg2[%add3A_59] : memref<12582912xf32, #tpu.memory_space<hbm>> -> memref<1024xf32, #tpu.memory_space<hbm>>
    tpu.enqueue_dma source(%dma_start3A_64 : memref<1024xf32, #tpu.memory_space<hbm>>) target(%arg12 : memref<1024xf32, #tpu.memory_space<vmem>>) target_semaphore(%arg22 : memref<!tpu.dma_semaphore, #tpu.memory_space<semaphore_mem>>)
    %scan3A = arith.constant 0 : i32
    %scan3A_65 = arith.constant 0 : i32
    %scan3A_66 = arith.constant 64 : i32
    %scan3A_67 = arith.addi %scan3A_65, %scan3A_66 : i32
    %scan3A_68 = arith.constant 1 : i32
    %scan3A_69 = scf.for %scan3A_94 = %scan3A_65 to %scan3A_67 step %scan3A_68 iter_args(%scan3A_95 = %scan3A) -> (i32)  : i32 {
      %mul3A_96 = arith.constant 2 : i32
      %mul3A_97 = arith.muli %mul3A_96, %scan3A_94 : i32
      %add3A_98 = arith.constant 1 : i32
      %add3A_99 = arith.addi %mul3A_97, %add3A_98 : i32
      %mul3A_100 = arith.constant 1024 : i32
      %mul3A_101 = arith.muli %add3A_99, %mul3A_100 : i32
      %add3A_102 = arith.addi %add3A_39, %mul3A_101 : i32
      %add3A_103 = arith.addi %add3A_46, %mul3A_101 : i32
      %add3A_104 = arith.addi %add3A_53, %mul3A_101 : i32
      %dma_start3A_105 = tpu.memref_slice %arg2[%add3A_102] : memref<12582912xf32, #tpu.memory_space<hbm>> -> memref<1024xf32, #tpu.memory_space<hbm>>
      %dma_start3A_106 = tpu.memref_slice %arg2[%add3A_102] : memref<12582912xf32, #tpu.memory_space<hbm>> -> memref<1024xf32, #tpu.memory_space<hbm>>
      tpu.enqueue_dma source(%dma_start3A_106 : memref<1024xf32, #tpu.memory_space<hbm>>) target(%arg13 : memref<1024xf32, #tpu.memory_space<vmem>>) target_semaphore(%arg23 : memref<!tpu.dma_semaphore, #tpu.memory_space<semaphore_mem>>)
      %dma_start3A_107 = tpu.memref_slice %arg2[%add3A_103] : memref<12582912xf32, #tpu.memory_space<hbm>> -> memref<1024xf32, #tpu.memory_space<hbm>>
      %dma_start3A_108 = tpu.memref_slice %arg2[%add3A_103] : memref<12582912xf32, #tpu.memory_space<hbm>> -> memref<1024xf32, #tpu.memory_space<hbm>>
      tpu.enqueue_dma source(%dma_start3A_108 : memref<1024xf32, #tpu.memory_space<hbm>>) target(%arg14 : memref<1024xf32, #tpu.memory_space<vmem>>) target_semaphore(%arg23 : memref<!tpu.dma_semaphore, #tpu.memory_space<semaphore_mem>>)
      %dma_start3A_109 = tpu.memref_slice %arg2[%add3A_104] : memref<12582912xf32, #tpu.memory_space<hbm>> -> memref<1024xf32, #tpu.memory_space<hbm>>
      %dma_start3A_110 = tpu.memref_slice %arg2[%add3A_104] : memref<12582912xf32, #tpu.memory_space<hbm>> -> memref<1024xf32, #tpu.memory_space<hbm>>
      tpu.enqueue_dma source(%dma_start3A_110 : memref<1024xf32, #tpu.memory_space<hbm>>) target(%arg15 : memref<1024xf32, #tpu.memory_space<vmem>>) target_semaphore(%arg23 : memref<!tpu.dma_semaphore, #tpu.memory_space<semaphore_mem>>)
      %mul3A_111 = arith.constant 1024 : i32
      %mul3A_112 = arith.muli %mul3A_97, %mul3A_111 : i32
      %add3A_113 = arith.addi %add3A_39, %mul3A_112 : i32
      %add3A_114 = arith.addi %add3A_46, %mul3A_112 : i32
      %add3A_115 = arith.addi %add3A_53, %mul3A_112 : i32
      %dma_wait3A_116 = tpu.memref_slice %arg2[%add3A_113] : memref<12582912xf32, #tpu.memory_space<hbm>> -> memref<1024xf32, #tpu.memory_space<hbm>>
      %dma_wait3A_117 = tpu.memref_slice %arg2[%add3A_113] : memref<12582912xf32, #tpu.memory_space<hbm>> -> memref<1024xf32, #tpu.memory_space<hbm>>
      tpu.wait_dma2 semaphore(%arg22 : memref<!tpu.dma_semaphore, #tpu.memory_space<semaphore_mem>>) src(%dma_wait3A_117 : memref<1024xf32, #tpu.memory_space<hbm>>) dst(%arg10 : memref<1024xf32, #tpu.memory_space<vmem>>)
      %dma_wait3A_118 = tpu.memref_slice %arg2[%add3A_114] : memref<12582912xf32, #tpu.memory_space<hbm>> -> memref<1024xf32, #tpu.memory_space<hbm>>
      %dma_wait3A_119 = tpu.memref_slice %arg2[%add3A_114] : memref<12582912xf32, #tpu.memory_space<hbm>> -> memref<1024xf32, #tpu.memory_space<hbm>>
      tpu.wait_dma2 semaphore(%arg22 : memref<!tpu.dma_semaphore, #tpu.memory_space<semaphore_mem>>) src(%dma_wait3A_119 : memref<1024xf32, #tpu.memory_space<hbm>>) dst(%arg11 : memref<1024xf32, #tpu.memory_space<vmem>>)
      %dma_wait3A_120 = tpu.memref_slice %arg2[%add3A_115] : memref<12582912xf32, #tpu.memory_space<hbm>> -> memref<1024xf32, #tpu.memory_space<hbm>>
      %dma_wait3A_121 = tpu.memref_slice %arg2[%add3A_115] : memref<12582912xf32, #tpu.memory_space<hbm>> -> memref<1024xf32, #tpu.memory_space<hbm>>
      tpu.wait_dma2 semaphore(%arg22 : memref<!tpu.dma_semaphore, #tpu.memory_space<semaphore_mem>>) src(%dma_wait3A_121 : memref<1024xf32, #tpu.memory_space<hbm>>) dst(%arg12 : memref<1024xf32, #tpu.memory_space<vmem>>)
      %ge3A = arith.constant 1 : i32
      %ge3A_122 = arith.cmpi sge, %scan3A_94, %ge3A : i32
      %convert_element_type3A = arith.extui %ge3A_122 : i1 to i32
      %cond3A = arith.constant 0 : i32
      %cond3A_123 = arith.cmpi ne, %convert_element_type3A, %cond3A : i32
      scf.if %cond3A_123 {
        %sub3A_175 = arith.constant 2 : i32
        %sub3A_176 = arith.subi %mul3A_97, %sub3A_175 : i32
        %mul3A_177 = arith.constant 1024 : i32
        %mul3A_178 = arith.muli %sub3A_176, %mul3A_177 : i32
        %add3A_179 = arith.addi %add3A_39, %mul3A_178 : i32
        %add3A_180 = arith.addi %add3A_46, %mul3A_178 : i32
        %add3A_181 = arith.addi %add3A_53, %mul3A_178 : i32
        %dma_wait3A_182 = tpu.memref_slice %arg6[%add3A_179] : memref<12582912xf32, #tpu.memory_space<hbm>> -> memref<1024xf32, #tpu.memory_space<hbm>>
        %dma_wait3A_183 = tpu.memref_slice %arg6[%add3A_179] : memref<12582912xf32, #tpu.memory_space<hbm>> -> memref<1024xf32, #tpu.memory_space<hbm>>
        tpu.wait_dma2 semaphore(%arg24 : memref<!tpu.dma_semaphore, #tpu.memory_space<semaphore_mem>>) src(%arg16 : memref<1024xf32, #tpu.memory_space<vmem>>) dst(%dma_wait3A_183 : memref<1024xf32, #tpu.memory_space<hbm>>)
        %dma_wait3A_184 = tpu.memref_slice %arg6[%add3A_180] : memref<12582912xf32, #tpu.memory_space<hbm>> -> memref<1024xf32, #tpu.memory_space<hbm>>
        %dma_wait3A_185 = tpu.memref_slice %arg6[%add3A_180] : memref<12582912xf32, #tpu.memory_space<hbm>> -> memref<1024xf32, #tpu.memory_space<hbm>>
        tpu.wait_dma2 semaphore(%arg24 : memref<!tpu.dma_semaphore, #tpu.memory_space<semaphore_mem>>) src(%arg17 : memref<1024xf32, #tpu.memory_space<vmem>>) dst(%dma_wait3A_185 : memref<1024xf32, #tpu.memory_space<hbm>>)
        %dma_wait3A_186 = tpu.memref_slice %arg6[%add3A_181] : memref<12582912xf32, #tpu.memory_space<hbm>> -> memref<1024xf32, #tpu.memory_space<hbm>>
        %dma_wait3A_187 = tpu.memref_slice %arg6[%add3A_181] : memref<12582912xf32, #tpu.memory_space<hbm>> -> memref<1024xf32, #tpu.memory_space<hbm>>
        tpu.wait_dma2 semaphore(%arg24 : memref<!tpu.dma_semaphore, #tpu.memory_space<semaphore_mem>>) src(%arg18 : memref<1024xf32, #tpu.memory_space<vmem>>) dst(%dma_wait3A_187 : memref<1024xf32, #tpu.memory_space<hbm>>)
      } else {
      }
      %parallel_loop3A = arith.constant 0 : i32
      %parallel_loop3A_124 = arith.constant 64 : i32
      %parallel_loop3A_125 = arith.constant 1 : i32
      scf.for %parallel_loop3A_175 = %parallel_loop3A to %parallel_loop3A_124 step %parallel_loop3A_125  : i32 {
        %parallel_loop3A_176 = arith.constant 16 : i32
        %parallel_loop3A_177 = arith.muli %parallel_loop3A_175, %parallel_loop3A_176 : i32
        %parallel_loop3A_178 = arith.index_cast %parallel_loop3A_177 : i32 to index
        %parallel_loop3A_179 = tpu.vector_load %arg10[%parallel_loop3A_178] {strides = array<i32>} : memref<1024xf32, #tpu.memory_space<vmem>>, vector<16xf32>,
        %parallel_loop3A_180 = arith.index_cast %parallel_loop3A_177 : i32 to index
        %parallel_loop3A_181 = tpu.vector_load %arg11[%parallel_loop3A_180] {strides = array<i32>} : memref<1024xf32, #tpu.memory_space<vmem>>, vector<16xf32>,
        %parallel_loop3A_182 = arith.index_cast %parallel_loop3A_177 : i32 to index
        %parallel_loop3A_183 = tpu.vector_load %arg12[%parallel_loop3A_182] {strides = array<i32>} : memref<1024xf32, #tpu.memory_space<vmem>>, vector<16xf32>,
        %parallel_loop3A_184 = arith.constant 31.9999676 : f32
        %parallel_loop3A_185 = vector.broadcast %parallel_loop3A_184 : f32 to vector<16xf32>
        %parallel_loop3A_186 = arith.mulf %parallel_loop3A_179, %parallel_loop3A_185 : vector<16xf32>
        %parallel_loop3A_187 = arith.constant 31.9999676 : f32
        %parallel_loop3A_188 = vector.broadcast %parallel_loop3A_187 : f32 to vector<16xf32>
        %parallel_loop3A_189 = arith.mulf %parallel_loop3A_181, %parallel_loop3A_188 : vector<16xf32>
        %parallel_loop3A_190 = arith.constant 31.9999676 : f32
        %parallel_loop3A_191 = vector.broadcast %parallel_loop3A_190 : f32 to vector<16xf32>
        %parallel_loop3A_192 = arith.mulf %parallel_loop3A_183, %parallel_loop3A_191 : vector<16xf32>
        %parallel_loop3A_193 = arith.fptosi %parallel_loop3A_186 : vector<16xf32> to vector<16xi32>
        %parallel_loop3A_194 = arith.constant 0 : i32
        %parallel_loop3A_195 = arith.constant 31 : i32
        %parallel_loop3A_196 = vector.broadcast %parallel_loop3A_194 : i32 to vector<16xi32>
        %parallel_loop3A_197 = arith.maxsi %parallel_loop3A_196, %parallel_loop3A_193 : vector<16xi32>
        %parallel_loop3A_198 = vector.broadcast %parallel_loop3A_195 : i32 to vector<16xi32>
        %parallel_loop3A_199 = arith.minsi %parallel_loop3A_198, %parallel_loop3A_197 : vector<16xi32>
        %parallel_loop3A_200 = arith.fptosi %parallel_loop3A_189 : vector<16xf32> to vector<16xi32>
        %parallel_loop3A_201 = arith.constant 0 : i32
        %parallel_loop3A_202 = arith.constant 31 : i32
        %parallel_loop3A_203 = vector.broadcast %parallel_loop3A_201 : i32 to vector<16xi32>
        %parallel_loop3A_204 = arith.maxsi %parallel_loop3A_203, %parallel_loop3A_200 : vector<16xi32>
        %parallel_loop3A_205 = vector.broadcast %parallel_loop3A_202 : i32 to vector<16xi32>
        %parallel_loop3A_206 = arith.minsi %parallel_loop3A_205, %parallel_loop3A_204 : vector<16xi32>
        %parallel_loop3A_207 = arith.fptosi %parallel_loop3A_192 : vector<16xf32> to vector<16xi32>
        %parallel_loop3A_208 = arith.constant 0 : i32
        %parallel_loop3A_209 = arith.constant 31 : i32
        %parallel_loop3A_210 = vector.broadcast %parallel_loop3A_208 : i32 to vector<16xi32>
        %parallel_loop3A_211 = arith.maxsi %parallel_loop3A_210, %parallel_loop3A_207 : vector<16xi32>
        %parallel_loop3A_212 = vector.broadcast %parallel_loop3A_209 : i32 to vector<16xi32>
        %parallel_loop3A_213 = arith.minsi %parallel_loop3A_212, %parallel_loop3A_211 : vector<16xi32>
        %parallel_loop3A_214 = arith.sitofp %parallel_loop3A_199 : vector<16xi32> to vector<16xf32>
        %parallel_loop3A_215 = arith.subf %parallel_loop3A_186, %parallel_loop3A_214 : vector<16xf32>
        %parallel_loop3A_216 = arith.sitofp %parallel_loop3A_206 : vector<16xi32> to vector<16xf32>
        %parallel_loop3A_217 = arith.subf %parallel_loop3A_189, %parallel_loop3A_216 : vector<16xf32>
        %parallel_loop3A_218 = arith.sitofp %parallel_loop3A_213 : vector<16xi32> to vector<16xf32>
        %parallel_loop3A_219 = arith.subf %parallel_loop3A_192, %parallel_loop3A_218 : vector<16xf32>
        %parallel_loop3A_220 = arith.constant 1.000000e+00 : f32
        %parallel_loop3A_221 = vector.broadcast %parallel_loop3A_220 : f32 to vector<16xf32>
        %parallel_loop3A_222 = arith.subf %parallel_loop3A_221, %parallel_loop3A_215 : vector<16xf32>
        %parallel_loop3A_223 = arith.constant 1.000000e+00 : f32
        %parallel_loop3A_224 = vector.broadcast %parallel_loop3A_223 : f32 to vector<16xf32>
        %parallel_loop3A_225 = arith.subf %parallel_loop3A_224, %parallel_loop3A_217 : vector<16xf32>
        %parallel_loop3A_226 = arith.constant 1.000000e+00 : f32
        %parallel_loop3A_227 = vector.broadcast %parallel_loop3A_226 : f32 to vector<16xf32>
        %parallel_loop3A_228 = arith.subf %parallel_loop3A_227, %parallel_loop3A_219 : vector<16xf32>
        %parallel_loop3A_229 = arith.mulf %parallel_loop3A_225, %parallel_loop3A_228 : vector<16xf32>
        %parallel_loop3A_230 = arith.mulf %parallel_loop3A_217, %parallel_loop3A_228 : vector<16xf32>
        %parallel_loop3A_231 = arith.mulf %parallel_loop3A_225, %parallel_loop3A_219 : vector<16xf32>
        %parallel_loop3A_232 = arith.mulf %parallel_loop3A_217, %parallel_loop3A_219 : vector<16xf32>
        %parallel_loop3A_233 = arith.mulf %parallel_loop3A_222, %parallel_loop3A_229 : vector<16xf32>
        %parallel_loop3A_234 = arith.mulf %parallel_loop3A_215, %parallel_loop3A_229 : vector<16xf32>
        %parallel_loop3A_235 = arith.mulf %parallel_loop3A_222, %parallel_loop3A_230 : vector<16xf32>
        %parallel_loop3A_236 = arith.mulf %parallel_loop3A_215, %parallel_loop3A_230 : vector<16xf32>
        %parallel_loop3A_237 = arith.mulf %parallel_loop3A_222, %parallel_loop3A_231 : vector<16xf32>
        %parallel_loop3A_238 = arith.mulf %parallel_loop3A_215, %parallel_loop3A_231 : vector<16xf32>
        %parallel_loop3A_239 = arith.mulf %parallel_loop3A_222, %parallel_loop3A_232 : vector<16xf32>
        %parallel_loop3A_240 = arith.mulf %parallel_loop3A_215, %parallel_loop3A_232 : vector<16xf32>
        %parallel_loop3A_241 = arith.constant 33 : i32
        %parallel_loop3A_242 = vector.broadcast %parallel_loop3A_241 : i32 to vector<16xi32>
        %parallel_loop3A_243 = arith.muli %parallel_loop3A_206, %parallel_loop3A_242 : vector<16xi32>
        %parallel_loop3A_244 = arith.addi %parallel_loop3A_199, %parallel_loop3A_243 : vector<16xi32>
        %parallel_loop3A_245 = arith.constant 1089 : i32
        %parallel_loop3A_246 = vector.broadcast %parallel_loop3A_245 : i32 to vector<16xi32>
        %parallel_loop3A_247 = arith.muli %parallel_loop3A_213, %parallel_loop3A_246 : vector<16xi32>
        %parallel_loop3A_248 = arith.addi %parallel_loop3A_244, %parallel_loop3A_247 : vector<16xi32>
        %parallel_loop3A_249 = arith.constant 1 : i32
        %parallel_loop3A_250 = vector.broadcast %parallel_loop3A_249 : i32 to vector<16xi32>
        %parallel_loop3A_251 = arith.addi %parallel_loop3A_248, %parallel_loop3A_250 : vector<16xi32>
        %parallel_loop3A_252 = arith.constant 33 : i32
        %parallel_loop3A_253 = vector.broadcast %parallel_loop3A_252 : i32 to vector<16xi32>
        %parallel_loop3A_254 = arith.addi %parallel_loop3A_248, %parallel_loop3A_253 : vector<16xi32>
        %parallel_loop3A_255 = arith.constant 34 : i32
        %parallel_loop3A_256 = vector.broadcast %parallel_loop3A_255 : i32 to vector<16xi32>
        %parallel_loop3A_257 = arith.addi %parallel_loop3A_248, %parallel_loop3A_256 : vector<16xi32>
        %parallel_loop3A_258 = arith.constant 1089 : i32
        %parallel_loop3A_259 = vector.broadcast %parallel_loop3A_258 : i32 to vector<16xi32>
        %parallel_loop3A_260 = arith.addi %parallel_loop3A_248, %parallel_loop3A_259 : vector<16xi32>
        %parallel_loop3A_261 = arith.constant 1090 : i32
        %parallel_loop3A_262 = vector.broadcast %parallel_loop3A_261 : i32 to vector<16xi32>
        %parallel_loop3A_263 = arith.addi %parallel_loop3A_248, %parallel_loop3A_262 : vector<16xi32>
        %parallel_loop3A_264 = arith.constant 1122 : i32
        %parallel_loop3A_265 = vector.broadcast %parallel_loop3A_264 : i32 to vector<16xi32>
        %parallel_loop3A_266 = arith.addi %parallel_loop3A_248, %parallel_loop3A_265 : vector<16xi32>
        %parallel_loop3A_267 = arith.constant 1123 : i32
        %parallel_loop3A_268 = vector.broadcast %parallel_loop3A_267 : i32 to vector<16xi32>
        %parallel_loop3A_269 = arith.addi %parallel_loop3A_248, %parallel_loop3A_268 : vector<16xi32>
        %parallel_loop3A_270 = tpu.vector_load_idx %arg7[%parallel_loop3A_248] : memref<35937xf32, #tpu.memory_space<vmem>>[vector<16xi32>], vector<16xf32>,
        %parallel_loop3A_271 = arith.mulf %parallel_loop3A_233, %parallel_loop3A_270 : vector<16xf32>
        %parallel_loop3A_272 = tpu.vector_load_idx %arg7[%parallel_loop3A_251] : memref<35937xf32, #tpu.memory_space<vmem>>[vector<16xi32>], vector<16xf32>,
        %parallel_loop3A_273 = arith.mulf %parallel_loop3A_234, %parallel_loop3A_272 : vector<16xf32>
        %parallel_loop3A_274 = arith.addf %parallel_loop3A_271, %parallel_loop3A_273 : vector<16xf32>
        %parallel_loop3A_275 = tpu.vector_load_idx %arg7[%parallel_loop3A_254] : memref<35937xf32, #tpu.memory_space<vmem>>[vector<16xi32>], vector<16xf32>,
        %parallel_loop3A_276 = arith.mulf %parallel_loop3A_235, %parallel_loop3A_275 : vector<16xf32>
        %parallel_loop3A_277 = arith.addf %parallel_loop3A_274, %parallel_loop3A_276 : vector<16xf32>
        %parallel_loop3A_278 = tpu.vector_load_idx %arg7[%parallel_loop3A_257] : memref<35937xf32, #tpu.memory_space<vmem>>[vector<16xi32>], vector<16xf32>,
        %parallel_loop3A_279 = arith.mulf %parallel_loop3A_236, %parallel_loop3A_278 : vector<16xf32>
        %parallel_loop3A_280 = arith.addf %parallel_loop3A_277, %parallel_loop3A_279 : vector<16xf32>
        %parallel_loop3A_281 = tpu.vector_load_idx %arg7[%parallel_loop3A_260] : memref<35937xf32, #tpu.memory_space<vmem>>[vector<16xi32>], vector<16xf32>,
        %parallel_loop3A_282 = arith.mulf %parallel_loop3A_237, %parallel_loop3A_281 : vector<16xf32>
        %parallel_loop3A_283 = arith.addf %parallel_loop3A_280, %parallel_loop3A_282 : vector<16xf32>
        %parallel_loop3A_284 = tpu.vector_load_idx %arg7[%parallel_loop3A_263] : memref<35937xf32, #tpu.memory_space<vmem>>[vector<16xi32>], vector<16xf32>,
        %parallel_loop3A_285 = arith.mulf %parallel_loop3A_238, %parallel_loop3A_284 : vector<16xf32>
        %parallel_loop3A_286 = arith.addf %parallel_loop3A_283, %parallel_loop3A_285 : vector<16xf32>
        %parallel_loop3A_287 = tpu.vector_load_idx %arg7[%parallel_loop3A_266] : memref<35937xf32, #tpu.memory_space<vmem>>[vector<16xi32>], vector<16xf32>,
        %parallel_loop3A_288 = arith.mulf %parallel_loop3A_239, %parallel_loop3A_287 : vector<16xf32>
        %parallel_loop3A_289 = arith.addf %parallel_loop3A_286, %parallel_loop3A_288 : vector<16xf32>
        %parallel_loop3A_290 = tpu.vector_load_idx %arg7[%parallel_loop3A_269] : memref<35937xf32, #tpu.memory_space<vmem>>[vector<16xi32>], vector<16xf32>,
        %parallel_loop3A_291 = arith.mulf %parallel_loop3A_240, %parallel_loop3A_290 : vector<16xf32>
        %parallel_loop3A_292 = arith.addf %parallel_loop3A_289, %parallel_loop3A_291 : vector<16xf32>
        %parallel_loop3A_293 = arith.index_cast %parallel_loop3A_177 : i32 to index
        %parallel_loop3A_294 = tpu.vector_load %arg16[%parallel_loop3A_293] {strides = array<i32>} : memref<1024xf32, #tpu.memory_space<vmem>>, vector<16xf32>,
        tpu.vector_store %arg16[%parallel_loop3A_293], %parallel_loop3A_292 {strides = array<i32>} : memref<1024xf32, #tpu.memory_space<vmem>>, vector<16xf32>,
        %parallel_loop3A_295 = tpu.vector_load_idx %arg8[%parallel_loop3A_248] : memref<35937xf32, #tpu.memory_space<vmem>>[vector<16xi32>], vector<16xf32>,
        %parallel_loop3A_296 = arith.mulf %parallel_loop3A_233, %parallel_loop3A_295 : vector<16xf32>
        %parallel_loop3A_297 = tpu.vector_load_idx %arg8[%parallel_loop3A_251] : memref<35937xf32, #tpu.memory_space<vmem>>[vector<16xi32>], vector<16xf32>,
        %parallel_loop3A_298 = arith.mulf %parallel_loop3A_234, %parallel_loop3A_297 : vector<16xf32>
        %parallel_loop3A_299 = arith.addf %parallel_loop3A_296, %parallel_loop3A_298 : vector<16xf32>
        %parallel_loop3A_300 = tpu.vector_load_idx %arg8[%parallel_loop3A_254] : memref<35937xf32, #tpu.memory_space<vmem>>[vector<16xi32>], vector<16xf32>,
        %parallel_loop3A_301 = arith.mulf %parallel_loop3A_235, %parallel_loop3A_300 : vector<16xf32>
        %parallel_loop3A_302 = arith.addf %parallel_loop3A_299, %parallel_loop3A_301 : vector<16xf32>
        %parallel_loop3A_303 = tpu.vector_load_idx %arg8[%parallel_loop3A_257] : memref<35937xf32, #tpu.memory_space<vmem>>[vector<16xi32>], vector<16xf32>,
        %parallel_loop3A_304 = arith.mulf %parallel_loop3A_236, %parallel_loop3A_303 : vector<16xf32>
        %parallel_loop3A_305 = arith.addf %parallel_loop3A_302, %parallel_loop3A_304 : vector<16xf32>
        %parallel_loop3A_306 = tpu.vector_load_idx %arg8[%parallel_loop3A_260] : memref<35937xf32, #tpu.memory_space<vmem>>[vector<16xi32>], vector<16xf32>,
        %parallel_loop3A_307 = arith.mulf %parallel_loop3A_237, %parallel_loop3A_306 : vector<16xf32>
        %parallel_loop3A_308 = arith.addf %parallel_loop3A_305, %parallel_loop3A_307 : vector<16xf32>
        %parallel_loop3A_309 = tpu.vector_load_idx %arg8[%parallel_loop3A_263] : memref<35937xf32, #tpu.memory_space<vmem>>[vector<16xi32>], vector<16xf32>,
        %parallel_loop3A_310 = arith.mulf %parallel_loop3A_238, %parallel_loop3A_309 : vector<16xf32>
        %parallel_loop3A_311 = arith.addf %parallel_loop3A_308, %parallel_loop3A_310 : vector<16xf32>
        %parallel_loop3A_312 = tpu.vector_load_idx %arg8[%parallel_loop3A_266] : memref<35937xf32, #tpu.memory_space<vmem>>[vector<16xi32>], vector<16xf32>,
        %parallel_loop3A_313 = arith.mulf %parallel_loop3A_239, %parallel_loop3A_312 : vector<16xf32>
        %parallel_loop3A_314 = arith.addf %parallel_loop3A_311, %parallel_loop3A_313 : vector<16xf32>
        %parallel_loop3A_315 = tpu.vector_load_idx %arg8[%parallel_loop3A_269] : memref<35937xf32, #tpu.memory_space<vmem>>[vector<16xi32>], vector<16xf32>,
        %parallel_loop3A_316 = arith.mulf %parallel_loop3A_240, %parallel_loop3A_315 : vector<16xf32>
        %parallel_loop3A_317 = arith.addf %parallel_loop3A_314, %parallel_loop3A_316 : vector<16xf32>
        %parallel_loop3A_318 = arith.index_cast %parallel_loop3A_177 : i32 to index
        %parallel_loop3A_319 = tpu.vector_load %arg17[%parallel_loop3A_318] {strides = array<i32>} : memref<1024xf32, #tpu.memory_space<vmem>>, vector<16xf32>,
        tpu.vector_store %arg17[%parallel_loop3A_318], %parallel_loop3A_317 {strides = array<i32>} : memref<1024xf32, #tpu.memory_space<vmem>>, vector<16xf32>,
        %parallel_loop3A_320 = tpu.vector_load_idx %arg9[%parallel_loop3A_248] : memref<35937xf32, #tpu.memory_space<vmem>>[vector<16xi32>], vector<16xf32>,
        %parallel_loop3A_321 = arith.mulf %parallel_loop3A_233, %parallel_loop3A_320 : vector<16xf32>
        %parallel_loop3A_322 = tpu.vector_load_idx %arg9[%parallel_loop3A_251] : memref<35937xf32, #tpu.memory_space<vmem>>[vector<16xi32>], vector<16xf32>,
        %parallel_loop3A_323 = arith.mulf %parallel_loop3A_234, %parallel_loop3A_322 : vector<16xf32>
        %parallel_loop3A_324 = arith.addf %parallel_loop3A_321, %parallel_loop3A_323 : vector<16xf32>
        %parallel_loop3A_325 = tpu.vector_load_idx %arg9[%parallel_loop3A_254] : memref<35937xf32, #tpu.memory_space<vmem>>[vector<16xi32>], vector<16xf32>,
        %parallel_loop3A_326 = arith.mulf %parallel_loop3A_235, %parallel_loop3A_325 : vector<16xf32>
        %parallel_loop3A_327 = arith.addf %parallel_loop3A_324, %parallel_loop3A_326 : vector<16xf32>
        %parallel_loop3A_328 = tpu.vector_load_idx %arg9[%parallel_loop3A_257] : memref<35937xf32, #tpu.memory_space<vmem>>[vector<16xi32>], vector<16xf32>,
        %parallel_loop3A_329 = arith.mulf %parallel_loop3A_236, %parallel_loop3A_328 : vector<16xf32>
        %parallel_loop3A_330 = arith.addf %parallel_loop3A_327, %parallel_loop3A_329 : vector<16xf32>
        %parallel_loop3A_331 = tpu.vector_load_idx %arg9[%parallel_loop3A_260] : memref<35937xf32, #tpu.memory_space<vmem>>[vector<16xi32>], vector<16xf32>,
        %parallel_loop3A_332 = arith.mulf %parallel_loop3A_237, %parallel_loop3A_331 : vector<16xf32>
        %parallel_loop3A_333 = arith.addf %parallel_loop3A_330, %parallel_loop3A_332 : vector<16xf32>
        %parallel_loop3A_334 = tpu.vector_load_idx %arg9[%parallel_loop3A_263] : memref<35937xf32, #tpu.memory_space<vmem>>[vector<16xi32>], vector<16xf32>,
        %parallel_loop3A_335 = arith.mulf %parallel_loop3A_238, %parallel_loop3A_334 : vector<16xf32>
        %parallel_loop3A_336 = arith.addf %parallel_loop3A_333, %parallel_loop3A_335 : vector<16xf32>
        %parallel_loop3A_337 = tpu.vector_load_idx %arg9[%parallel_loop3A_266] : memref<35937xf32, #tpu.memory_space<vmem>>[vector<16xi32>], vector<16xf32>,
        %parallel_loop3A_338 = arith.mulf %parallel_loop3A_239, %parallel_loop3A_337 : vector<16xf32>
        %parallel_loop3A_339 = arith.addf %parallel_loop3A_336, %parallel_loop3A_338 : vector<16xf32>
        %parallel_loop3A_340 = tpu.vector_load_idx %arg9[%parallel_loop3A_269] : memref<35937xf32, #tpu.memory_space<vmem>>[vector<16xi32>], vector<16xf32>,
        %parallel_loop3A_341 = arith.mulf %parallel_loop3A_240, %parallel_loop3A_340 : vector<16xf32>
        %parallel_loop3A_342 = arith.addf %parallel_loop3A_339, %parallel_loop3A_341 : vector<16xf32>
        %parallel_loop3A_343 = arith.index_cast %parallel_loop3A_177 : i32 to index
        %parallel_loop3A_344 = tpu.vector_load %arg18[%parallel_loop3A_343] {strides = array<i32>} : memref<1024xf32, #tpu.memory_space<vmem>>, vector<16xf32>,
        tpu.vector_store %arg18[%parallel_loop3A_343], %parallel_loop3A_342 {strides = array<i32>} : memref<1024xf32, #tpu.memory_space<vmem>>, vector<16xf32>,
      } {sc.loop_unroll_factor = 2 : i64, sc.parallel_access}
      %mul3A_126 = arith.constant 1024 : i32
      %mul3A_127 = arith.muli %mul3A_97, %mul3A_126 : i32
      %add3A_128 = arith.addi %add3A_39, %mul3A_127 : i32
      %add3A_129 = arith.addi %add3A_46, %mul3A_127 : i32
      %add3A_130 = arith.addi %add3A_53, %mul3A_127 : i32
      %dma_start3A_131 = tpu.memref_slice %arg6[%add3A_128] : memref<12582912xf32, #tpu.memory_space<hbm>> -> memref<1024xf32, #tpu.memory_space<hbm>>
      %dma_start3A_132 = tpu.memref_slice %arg6[%add3A_128] : memref<12582912xf32, #tpu.memory_space<hbm>> -> memref<1024xf32, #tpu.memory_space<hbm>>
      tpu.enqueue_dma source(%arg16 : memref<1024xf32, #tpu.memory_space<vmem>>) target(%dma_start3A_132 : memref<1024xf32, #tpu.memory_space<hbm>>) target_semaphore(%arg24 : memref<!tpu.dma_semaphore, #tpu.memory_space<semaphore_mem>>)
      %dma_start3A_133 = tpu.memref_slice %arg6[%add3A_129] : memref<12582912xf32, #tpu.memory_space<hbm>> -> memref<1024xf32, #tpu.memory_space<hbm>>
      %dma_start3A_134 = tpu.memref_slice %arg6[%add3A_129] : memref<12582912xf32, #tpu.memory_space<hbm>> -> memref<1024xf32, #tpu.memory_space<hbm>>
      tpu.enqueue_dma source(%arg17 : memref<1024xf32, #tpu.memory_space<vmem>>) target(%dma_start3A_134 : memref<1024xf32, #tpu.memory_space<hbm>>) target_semaphore(%arg24 : memref<!tpu.dma_semaphore, #tpu.memory_space<semaphore_mem>>)
      %dma_start3A_135 = tpu.memref_slice %arg6[%add3A_130] : memref<12582912xf32, #tpu.memory_space<hbm>> -> memref<1024xf32, #tpu.memory_space<hbm>>
      %dma_start3A_136 = tpu.memref_slice %arg6[%add3A_130] : memref<12582912xf32, #tpu.memory_space<hbm>> -> memref<1024xf32, #tpu.memory_space<hbm>>
      tpu.enqueue_dma source(%arg18 : memref<1024xf32, #tpu.memory_space<vmem>>) target(%dma_start3A_136 : memref<1024xf32, #tpu.memory_space<hbm>>) target_semaphore(%arg24 : memref<!tpu.dma_semaphore, #tpu.memory_space<semaphore_mem>>)
      %add3A_137 = arith.constant 1 : i32
      %add3A_138 = arith.addi %scan3A_94, %add3A_137 : i32
      %lt3A_139 = arith.constant 64 : i32
      %lt3A_140 = arith.cmpi slt, %add3A_138, %lt3A_139 : i32
      %convert_element_type3A_141 = arith.extui %lt3A_140 : i1 to i32
      %cond3A_142 = arith.constant 0 : i32
      %cond3A_143 = arith.cmpi ne, %convert_element_type3A_141, %cond3A_142 : i32
      scf.if %cond3A_143 {
        %add3A_175 = arith.constant 2 : i32
        %add3A_176 = arith.addi %mul3A_97, %add3A_175 : i32
        %mul3A_177 = arith.constant 1024 : i32
        %mul3A_178 = arith.muli %add3A_176, %mul3A_177 : i32
        %add3A_179 = arith.addi %add3A_39, %mul3A_178 : i32
        %add3A_180 = arith.addi %add3A_46, %mul3A_178 : i32
        %add3A_181 = arith.addi %add3A_53, %mul3A_178 : i32
        %dma_start3A_182 = tpu.memref_slice %arg2[%add3A_179] : memref<12582912xf32, #tpu.memory_space<hbm>> -> memref<1024xf32, #tpu.memory_space<hbm>>
        %dma_start3A_183 = tpu.memref_slice %arg2[%add3A_179] : memref<12582912xf32, #tpu.memory_space<hbm>> -> memref<1024xf32, #tpu.memory_space<hbm>>
        tpu.enqueue_dma source(%dma_start3A_183 : memref<1024xf32, #tpu.memory_space<hbm>>) target(%arg10 : memref<1024xf32, #tpu.memory_space<vmem>>) target_semaphore(%arg22 : memref<!tpu.dma_semaphore, #tpu.memory_space<semaphore_mem>>)
        %dma_start3A_184 = tpu.memref_slice %arg2[%add3A_180] : memref<12582912xf32, #tpu.memory_space<hbm>> -> memref<1024xf32, #tpu.memory_space<hbm>>
        %dma_start3A_185 = tpu.memref_slice %arg2[%add3A_180] : memref<12582912xf32, #tpu.memory_space<hbm>> -> memref<1024xf32, #tpu.memory_space<hbm>>
        tpu.enqueue_dma source(%dma_start3A_185 : memref<1024xf32, #tpu.memory_space<hbm>>) target(%arg11 : memref<1024xf32, #tpu.memory_space<vmem>>) target_semaphore(%arg22 : memref<!tpu.dma_semaphore, #tpu.memory_space<semaphore_mem>>)
        %dma_start3A_186 = tpu.memref_slice %arg2[%add3A_181] : memref<12582912xf32, #tpu.memory_space<hbm>> -> memref<1024xf32, #tpu.memory_space<hbm>>
        %dma_start3A_187 = tpu.memref_slice %arg2[%add3A_181] : memref<12582912xf32, #tpu.memory_space<hbm>> -> memref<1024xf32, #tpu.memory_space<hbm>>
        tpu.enqueue_dma source(%dma_start3A_187 : memref<1024xf32, #tpu.memory_space<hbm>>) target(%arg12 : memref<1024xf32, #tpu.memory_space<vmem>>) target_semaphore(%arg22 : memref<!tpu.dma_semaphore, #tpu.memory_space<semaphore_mem>>)
      } else {
      }
      %mul3A_144 = arith.constant 1024 : i32
      %mul3A_145 = arith.muli %add3A_99, %mul3A_144 : i32
      %add3A_146 = arith.addi %add3A_39, %mul3A_145 : i32
      %add3A_147 = arith.addi %add3A_46, %mul3A_145 : i32
      %add3A_148 = arith.addi %add3A_53, %mul3A_145 : i32
      %dma_wait3A_149 = tpu.memref_slice %arg2[%add3A_146] : memref<12582912xf32, #tpu.memory_space<hbm>> -> memref<1024xf32, #tpu.memory_space<hbm>>
      %dma_wait3A_150 = tpu.memref_slice %arg2[%add3A_146] : memref<12582912xf32, #tpu.memory_space<hbm>> -> memref<1024xf32, #tpu.memory_space<hbm>>
      tpu.wait_dma2 semaphore(%arg23 : memref<!tpu.dma_semaphore, #tpu.memory_space<semaphore_mem>>) src(%dma_wait3A_150 : memref<1024xf32, #tpu.memory_space<hbm>>) dst(%arg13 : memref<1024xf32, #tpu.memory_space<vmem>>)
      %dma_wait3A_151 = tpu.memref_slice %arg2[%add3A_147] : memref<12582912xf32, #tpu.memory_space<hbm>> -> memref<1024xf32, #tpu.memory_space<hbm>>
      %dma_wait3A_152 = tpu.memref_slice %arg2[%add3A_147] : memref<12582912xf32, #tpu.memory_space<hbm>> -> memref<1024xf32, #tpu.memory_space<hbm>>
      tpu.wait_dma2 semaphore(%arg23 : memref<!tpu.dma_semaphore, #tpu.memory_space<semaphore_mem>>) src(%dma_wait3A_152 : memref<1024xf32, #tpu.memory_space<hbm>>) dst(%arg14 : memref<1024xf32, #tpu.memory_space<vmem>>)
      %dma_wait3A_153 = tpu.memref_slice %arg2[%add3A_148] : memref<12582912xf32, #tpu.memory_space<hbm>> -> memref<1024xf32, #tpu.memory_space<hbm>>
      %dma_wait3A_154 = tpu.memref_slice %arg2[%add3A_148] : memref<12582912xf32, #tpu.memory_space<hbm>> -> memref<1024xf32, #tpu.memory_space<hbm>>
      tpu.wait_dma2 semaphore(%arg23 : memref<!tpu.dma_semaphore, #tpu.memory_space<semaphore_mem>>) src(%dma_wait3A_154 : memref<1024xf32, #tpu.memory_space<hbm>>) dst(%arg15 : memref<1024xf32, #tpu.memory_space<vmem>>)
      %ge3A_155 = arith.constant 1 : i32
      %ge3A_156 = arith.cmpi sge, %scan3A_94, %ge3A_155 : i32
      %convert_element_type3A_157 = arith.extui %ge3A_156 : i1 to i32
      %cond3A_158 = arith.constant 0 : i32
      %cond3A_159 = arith.cmpi ne, %convert_element_type3A_157, %cond3A_158 : i32
      scf.if %cond3A_159 {
        %sub3A_175 = arith.constant 2 : i32
        %sub3A_176 = arith.subi %add3A_99, %sub3A_175 : i32
        %mul3A_177 = arith.constant 1024 : i32
        %mul3A_178 = arith.muli %sub3A_176, %mul3A_177 : i32
        %add3A_179 = arith.addi %add3A_39, %mul3A_178 : i32
        %add3A_180 = arith.addi %add3A_46, %mul3A_178 : i32
        %add3A_181 = arith.addi %add3A_53, %mul3A_178 : i32
        %dma_wait3A_182 = tpu.memref_slice %arg6[%add3A_179] : memref<12582912xf32, #tpu.memory_space<hbm>> -> memref<1024xf32, #tpu.memory_space<hbm>>
        %dma_wait3A_183 = tpu.memref_slice %arg6[%add3A_179] : memref<12582912xf32, #tpu.memory_space<hbm>> -> memref<1024xf32, #tpu.memory_space<hbm>>
        tpu.wait_dma2 semaphore(%arg25 : memref<!tpu.dma_semaphore, #tpu.memory_space<semaphore_mem>>) src(%arg19 : memref<1024xf32, #tpu.memory_space<vmem>>) dst(%dma_wait3A_183 : memref<1024xf32, #tpu.memory_space<hbm>>)
        %dma_wait3A_184 = tpu.memref_slice %arg6[%add3A_180] : memref<12582912xf32, #tpu.memory_space<hbm>> -> memref<1024xf32, #tpu.memory_space<hbm>>
        %dma_wait3A_185 = tpu.memref_slice %arg6[%add3A_180] : memref<12582912xf32, #tpu.memory_space<hbm>> -> memref<1024xf32, #tpu.memory_space<hbm>>
        tpu.wait_dma2 semaphore(%arg25 : memref<!tpu.dma_semaphore, #tpu.memory_space<semaphore_mem>>) src(%arg20 : memref<1024xf32, #tpu.memory_space<vmem>>) dst(%dma_wait3A_185 : memref<1024xf32, #tpu.memory_space<hbm>>)
        %dma_wait3A_186 = tpu.memref_slice %arg6[%add3A_181] : memref<12582912xf32, #tpu.memory_space<hbm>> -> memref<1024xf32, #tpu.memory_space<hbm>>
        %dma_wait3A_187 = tpu.memref_slice %arg6[%add3A_181] : memref<12582912xf32, #tpu.memory_space<hbm>> -> memref<1024xf32, #tpu.memory_space<hbm>>
        tpu.wait_dma2 semaphore(%arg25 : memref<!tpu.dma_semaphore, #tpu.memory_space<semaphore_mem>>) src(%arg21 : memref<1024xf32, #tpu.memory_space<vmem>>) dst(%dma_wait3A_187 : memref<1024xf32, #tpu.memory_space<hbm>>)
      } else {
      }
      %parallel_loop3A_160 = arith.constant 0 : i32
      %parallel_loop3A_161 = arith.constant 64 : i32
      %parallel_loop3A_162 = arith.constant 1 : i32
      scf.for %parallel_loop3A_175 = %parallel_loop3A_160 to %parallel_loop3A_161 step %parallel_loop3A_162  : i32 {
        %parallel_loop3A_176 = arith.constant 16 : i32
        %parallel_loop3A_177 = arith.muli %parallel_loop3A_175, %parallel_loop3A_176 : i32
        %parallel_loop3A_178 = arith.index_cast %parallel_loop3A_177 : i32 to index
        %parallel_loop3A_179 = tpu.vector_load %arg13[%parallel_loop3A_178] {strides = array<i32>} : memref<1024xf32, #tpu.memory_space<vmem>>, vector<16xf32>,
        %parallel_loop3A_180 = arith.index_cast %parallel_loop3A_177 : i32 to index
        %parallel_loop3A_181 = tpu.vector_load %arg14[%parallel_loop3A_180] {strides = array<i32>} : memref<1024xf32, #tpu.memory_space<vmem>>, vector<16xf32>,
        %parallel_loop3A_182 = arith.index_cast %parallel_loop3A_177 : i32 to index
        %parallel_loop3A_183 = tpu.vector_load %arg15[%parallel_loop3A_182] {strides = array<i32>} : memref<1024xf32, #tpu.memory_space<vmem>>, vector<16xf32>,
        %parallel_loop3A_184 = arith.constant 31.9999676 : f32
        %parallel_loop3A_185 = vector.broadcast %parallel_loop3A_184 : f32 to vector<16xf32>
        %parallel_loop3A_186 = arith.mulf %parallel_loop3A_179, %parallel_loop3A_185 : vector<16xf32>
        %parallel_loop3A_187 = arith.constant 31.9999676 : f32
        %parallel_loop3A_188 = vector.broadcast %parallel_loop3A_187 : f32 to vector<16xf32>
        %parallel_loop3A_189 = arith.mulf %parallel_loop3A_181, %parallel_loop3A_188 : vector<16xf32>
        %parallel_loop3A_190 = arith.constant 31.9999676 : f32
        %parallel_loop3A_191 = vector.broadcast %parallel_loop3A_190 : f32 to vector<16xf32>
        %parallel_loop3A_192 = arith.mulf %parallel_loop3A_183, %parallel_loop3A_191 : vector<16xf32>
        %parallel_loop3A_193 = arith.fptosi %parallel_loop3A_186 : vector<16xf32> to vector<16xi32>
        %parallel_loop3A_194 = arith.constant 0 : i32
        %parallel_loop3A_195 = arith.constant 31 : i32
        %parallel_loop3A_196 = vector.broadcast %parallel_loop3A_194 : i32 to vector<16xi32>
        %parallel_loop3A_197 = arith.maxsi %parallel_loop3A_196, %parallel_loop3A_193 : vector<16xi32>
        %parallel_loop3A_198 = vector.broadcast %parallel_loop3A_195 : i32 to vector<16xi32>
        %parallel_loop3A_199 = arith.minsi %parallel_loop3A_198, %parallel_loop3A_197 : vector<16xi32>
        %parallel_loop3A_200 = arith.fptosi %parallel_loop3A_189 : vector<16xf32> to vector<16xi32>
        %parallel_loop3A_201 = arith.constant 0 : i32
        %parallel_loop3A_202 = arith.constant 31 : i32
        %parallel_loop3A_203 = vector.broadcast %parallel_loop3A_201 : i32 to vector<16xi32>
        %parallel_loop3A_204 = arith.maxsi %parallel_loop3A_203, %parallel_loop3A_200 : vector<16xi32>
        %parallel_loop3A_205 = vector.broadcast %parallel_loop3A_202 : i32 to vector<16xi32>
        %parallel_loop3A_206 = arith.minsi %parallel_loop3A_205, %parallel_loop3A_204 : vector<16xi32>
        %parallel_loop3A_207 = arith.fptosi %parallel_loop3A_192 : vector<16xf32> to vector<16xi32>
        %parallel_loop3A_208 = arith.constant 0 : i32
        %parallel_loop3A_209 = arith.constant 31 : i32
        %parallel_loop3A_210 = vector.broadcast %parallel_loop3A_208 : i32 to vector<16xi32>
        %parallel_loop3A_211 = arith.maxsi %parallel_loop3A_210, %parallel_loop3A_207 : vector<16xi32>
        %parallel_loop3A_212 = vector.broadcast %parallel_loop3A_209 : i32 to vector<16xi32>
        %parallel_loop3A_213 = arith.minsi %parallel_loop3A_212, %parallel_loop3A_211 : vector<16xi32>
        %parallel_loop3A_214 = arith.sitofp %parallel_loop3A_199 : vector<16xi32> to vector<16xf32>
        %parallel_loop3A_215 = arith.subf %parallel_loop3A_186, %parallel_loop3A_214 : vector<16xf32>
        %parallel_loop3A_216 = arith.sitofp %parallel_loop3A_206 : vector<16xi32> to vector<16xf32>
        %parallel_loop3A_217 = arith.subf %parallel_loop3A_189, %parallel_loop3A_216 : vector<16xf32>
        %parallel_loop3A_218 = arith.sitofp %parallel_loop3A_213 : vector<16xi32> to vector<16xf32>
        %parallel_loop3A_219 = arith.subf %parallel_loop3A_192, %parallel_loop3A_218 : vector<16xf32>
        %parallel_loop3A_220 = arith.constant 1.000000e+00 : f32
        %parallel_loop3A_221 = vector.broadcast %parallel_loop3A_220 : f32 to vector<16xf32>
        %parallel_loop3A_222 = arith.subf %parallel_loop3A_221, %parallel_loop3A_215 : vector<16xf32>
        %parallel_loop3A_223 = arith.constant 1.000000e+00 : f32
        %parallel_loop3A_224 = vector.broadcast %parallel_loop3A_223 : f32 to vector<16xf32>
        %parallel_loop3A_225 = arith.subf %parallel_loop3A_224, %parallel_loop3A_217 : vector<16xf32>
        %parallel_loop3A_226 = arith.constant 1.000000e+00 : f32
        %parallel_loop3A_227 = vector.broadcast %parallel_loop3A_226 : f32 to vector<16xf32>
        %parallel_loop3A_228 = arith.subf %parallel_loop3A_227, %parallel_loop3A_219 : vector<16xf32>
        %parallel_loop3A_229 = arith.mulf %parallel_loop3A_225, %parallel_loop3A_228 : vector<16xf32>
        %parallel_loop3A_230 = arith.mulf %parallel_loop3A_217, %parallel_loop3A_228 : vector<16xf32>
        %parallel_loop3A_231 = arith.mulf %parallel_loop3A_225, %parallel_loop3A_219 : vector<16xf32>
        %parallel_loop3A_232 = arith.mulf %parallel_loop3A_217, %parallel_loop3A_219 : vector<16xf32>
        %parallel_loop3A_233 = arith.mulf %parallel_loop3A_222, %parallel_loop3A_229 : vector<16xf32>
        %parallel_loop3A_234 = arith.mulf %parallel_loop3A_215, %parallel_loop3A_229 : vector<16xf32>
        %parallel_loop3A_235 = arith.mulf %parallel_loop3A_222, %parallel_loop3A_230 : vector<16xf32>
        %parallel_loop3A_236 = arith.mulf %parallel_loop3A_215, %parallel_loop3A_230 : vector<16xf32>
        %parallel_loop3A_237 = arith.mulf %parallel_loop3A_222, %parallel_loop3A_231 : vector<16xf32>
        %parallel_loop3A_238 = arith.mulf %parallel_loop3A_215, %parallel_loop3A_231 : vector<16xf32>
        %parallel_loop3A_239 = arith.mulf %parallel_loop3A_222, %parallel_loop3A_232 : vector<16xf32>
        %parallel_loop3A_240 = arith.mulf %parallel_loop3A_215, %parallel_loop3A_232 : vector<16xf32>
        %parallel_loop3A_241 = arith.constant 33 : i32
        %parallel_loop3A_242 = vector.broadcast %parallel_loop3A_241 : i32 to vector<16xi32>
        %parallel_loop3A_243 = arith.muli %parallel_loop3A_206, %parallel_loop3A_242 : vector<16xi32>
        %parallel_loop3A_244 = arith.addi %parallel_loop3A_199, %parallel_loop3A_243 : vector<16xi32>
        %parallel_loop3A_245 = arith.constant 1089 : i32
        %parallel_loop3A_246 = vector.broadcast %parallel_loop3A_245 : i32 to vector<16xi32>
        %parallel_loop3A_247 = arith.muli %parallel_loop3A_213, %parallel_loop3A_246 : vector<16xi32>
        %parallel_loop3A_248 = arith.addi %parallel_loop3A_244, %parallel_loop3A_247 : vector<16xi32>
        %parallel_loop3A_249 = arith.constant 1 : i32
        %parallel_loop3A_250 = vector.broadcast %parallel_loop3A_249 : i32 to vector<16xi32>
        %parallel_loop3A_251 = arith.addi %parallel_loop3A_248, %parallel_loop3A_250 : vector<16xi32>
        %parallel_loop3A_252 = arith.constant 33 : i32
        %parallel_loop3A_253 = vector.broadcast %parallel_loop3A_252 : i32 to vector<16xi32>
        %parallel_loop3A_254 = arith.addi %parallel_loop3A_248, %parallel_loop3A_253 : vector<16xi32>
        %parallel_loop3A_255 = arith.constant 34 : i32
        %parallel_loop3A_256 = vector.broadcast %parallel_loop3A_255 : i32 to vector<16xi32>
        %parallel_loop3A_257 = arith.addi %parallel_loop3A_248, %parallel_loop3A_256 : vector<16xi32>
        %parallel_loop3A_258 = arith.constant 1089 : i32
        %parallel_loop3A_259 = vector.broadcast %parallel_loop3A_258 : i32 to vector<16xi32>
        %parallel_loop3A_260 = arith.addi %parallel_loop3A_248, %parallel_loop3A_259 : vector<16xi32>
        %parallel_loop3A_261 = arith.constant 1090 : i32
        %parallel_loop3A_262 = vector.broadcast %parallel_loop3A_261 : i32 to vector<16xi32>
        %parallel_loop3A_263 = arith.addi %parallel_loop3A_248, %parallel_loop3A_262 : vector<16xi32>
        %parallel_loop3A_264 = arith.constant 1122 : i32
        %parallel_loop3A_265 = vector.broadcast %parallel_loop3A_264 : i32 to vector<16xi32>
        %parallel_loop3A_266 = arith.addi %parallel_loop3A_248, %parallel_loop3A_265 : vector<16xi32>
        %parallel_loop3A_267 = arith.constant 1123 : i32
        %parallel_loop3A_268 = vector.broadcast %parallel_loop3A_267 : i32 to vector<16xi32>
        %parallel_loop3A_269 = arith.addi %parallel_loop3A_248, %parallel_loop3A_268 : vector<16xi32>
        %parallel_loop3A_270 = tpu.vector_load_idx %arg7[%parallel_loop3A_248] : memref<35937xf32, #tpu.memory_space<vmem>>[vector<16xi32>], vector<16xf32>,
        %parallel_loop3A_271 = arith.mulf %parallel_loop3A_233, %parallel_loop3A_270 : vector<16xf32>
        %parallel_loop3A_272 = tpu.vector_load_idx %arg7[%parallel_loop3A_251] : memref<35937xf32, #tpu.memory_space<vmem>>[vector<16xi32>], vector<16xf32>,
        %parallel_loop3A_273 = arith.mulf %parallel_loop3A_234, %parallel_loop3A_272 : vector<16xf32>
        %parallel_loop3A_274 = arith.addf %parallel_loop3A_271, %parallel_loop3A_273 : vector<16xf32>
        %parallel_loop3A_275 = tpu.vector_load_idx %arg7[%parallel_loop3A_254] : memref<35937xf32, #tpu.memory_space<vmem>>[vector<16xi32>], vector<16xf32>,
        %parallel_loop3A_276 = arith.mulf %parallel_loop3A_235, %parallel_loop3A_275 : vector<16xf32>
        %parallel_loop3A_277 = arith.addf %parallel_loop3A_274, %parallel_loop3A_276 : vector<16xf32>
        %parallel_loop3A_278 = tpu.vector_load_idx %arg7[%parallel_loop3A_257] : memref<35937xf32, #tpu.memory_space<vmem>>[vector<16xi32>], vector<16xf32>,
        %parallel_loop3A_279 = arith.mulf %parallel_loop3A_236, %parallel_loop3A_278 : vector<16xf32>
        %parallel_loop3A_280 = arith.addf %parallel_loop3A_277, %parallel_loop3A_279 : vector<16xf32>
        %parallel_loop3A_281 = tpu.vector_load_idx %arg7[%parallel_loop3A_260] : memref<35937xf32, #tpu.memory_space<vmem>>[vector<16xi32>], vector<16xf32>,
        %parallel_loop3A_282 = arith.mulf %parallel_loop3A_237, %parallel_loop3A_281 : vector<16xf32>
        %parallel_loop3A_283 = arith.addf %parallel_loop3A_280, %parallel_loop3A_282 : vector<16xf32>
        %parallel_loop3A_284 = tpu.vector_load_idx %arg7[%parallel_loop3A_263] : memref<35937xf32, #tpu.memory_space<vmem>>[vector<16xi32>], vector<16xf32>,
        %parallel_loop3A_285 = arith.mulf %parallel_loop3A_238, %parallel_loop3A_284 : vector<16xf32>
        %parallel_loop3A_286 = arith.addf %parallel_loop3A_283, %parallel_loop3A_285 : vector<16xf32>
        %parallel_loop3A_287 = tpu.vector_load_idx %arg7[%parallel_loop3A_266] : memref<35937xf32, #tpu.memory_space<vmem>>[vector<16xi32>], vector<16xf32>,
        %parallel_loop3A_288 = arith.mulf %parallel_loop3A_239, %parallel_loop3A_287 : vector<16xf32>
        %parallel_loop3A_289 = arith.addf %parallel_loop3A_286, %parallel_loop3A_288 : vector<16xf32>
        %parallel_loop3A_290 = tpu.vector_load_idx %arg7[%parallel_loop3A_269] : memref<35937xf32, #tpu.memory_space<vmem>>[vector<16xi32>], vector<16xf32>,
        %parallel_loop3A_291 = arith.mulf %parallel_loop3A_240, %parallel_loop3A_290 : vector<16xf32>
        %parallel_loop3A_292 = arith.addf %parallel_loop3A_289, %parallel_loop3A_291 : vector<16xf32>
        %parallel_loop3A_293 = arith.index_cast %parallel_loop3A_177 : i32 to index
        %parallel_loop3A_294 = tpu.vector_load %arg19[%parallel_loop3A_293] {strides = array<i32>} : memref<1024xf32, #tpu.memory_space<vmem>>, vector<16xf32>,
        tpu.vector_store %arg19[%parallel_loop3A_293], %parallel_loop3A_292 {strides = array<i32>} : memref<1024xf32, #tpu.memory_space<vmem>>, vector<16xf32>,
        %parallel_loop3A_295 = tpu.vector_load_idx %arg8[%parallel_loop3A_248] : memref<35937xf32, #tpu.memory_space<vmem>>[vector<16xi32>], vector<16xf32>,
        %parallel_loop3A_296 = arith.mulf %parallel_loop3A_233, %parallel_loop3A_295 : vector<16xf32>
        %parallel_loop3A_297 = tpu.vector_load_idx %arg8[%parallel_loop3A_251] : memref<35937xf32, #tpu.memory_space<vmem>>[vector<16xi32>], vector<16xf32>,
        %parallel_loop3A_298 = arith.mulf %parallel_loop3A_234, %parallel_loop3A_297 : vector<16xf32>
        %parallel_loop3A_299 = arith.addf %parallel_loop3A_296, %parallel_loop3A_298 : vector<16xf32>
        %parallel_loop3A_300 = tpu.vector_load_idx %arg8[%parallel_loop3A_254] : memref<35937xf32, #tpu.memory_space<vmem>>[vector<16xi32>], vector<16xf32>,
        %parallel_loop3A_301 = arith.mulf %parallel_loop3A_235, %parallel_loop3A_300 : vector<16xf32>
        %parallel_loop3A_302 = arith.addf %parallel_loop3A_299, %parallel_loop3A_301 : vector<16xf32>
        %parallel_loop3A_303 = tpu.vector_load_idx %arg8[%parallel_loop3A_257] : memref<35937xf32, #tpu.memory_space<vmem>>[vector<16xi32>], vector<16xf32>,
        %parallel_loop3A_304 = arith.mulf %parallel_loop3A_236, %parallel_loop3A_303 : vector<16xf32>
        %parallel_loop3A_305 = arith.addf %parallel_loop3A_302, %parallel_loop3A_304 : vector<16xf32>
        %parallel_loop3A_306 = tpu.vector_load_idx %arg8[%parallel_loop3A_260] : memref<35937xf32, #tpu.memory_space<vmem>>[vector<16xi32>], vector<16xf32>,
        %parallel_loop3A_307 = arith.mulf %parallel_loop3A_237, %parallel_loop3A_306 : vector<16xf32>
        %parallel_loop3A_308 = arith.addf %parallel_loop3A_305, %parallel_loop3A_307 : vector<16xf32>
        %parallel_loop3A_309 = tpu.vector_load_idx %arg8[%parallel_loop3A_263] : memref<35937xf32, #tpu.memory_space<vmem>>[vector<16xi32>], vector<16xf32>,
        %parallel_loop3A_310 = arith.mulf %parallel_loop3A_238, %parallel_loop3A_309 : vector<16xf32>
        %parallel_loop3A_311 = arith.addf %parallel_loop3A_308, %parallel_loop3A_310 : vector<16xf32>
        %parallel_loop3A_312 = tpu.vector_load_idx %arg8[%parallel_loop3A_266] : memref<35937xf32, #tpu.memory_space<vmem>>[vector<16xi32>], vector<16xf32>,
        %parallel_loop3A_313 = arith.mulf %parallel_loop3A_239, %parallel_loop3A_312 : vector<16xf32>
        %parallel_loop3A_314 = arith.addf %parallel_loop3A_311, %parallel_loop3A_313 : vector<16xf32>
        %parallel_loop3A_315 = tpu.vector_load_idx %arg8[%parallel_loop3A_269] : memref<35937xf32, #tpu.memory_space<vmem>>[vector<16xi32>], vector<16xf32>,
        %parallel_loop3A_316 = arith.mulf %parallel_loop3A_240, %parallel_loop3A_315 : vector<16xf32>
        %parallel_loop3A_317 = arith.addf %parallel_loop3A_314, %parallel_loop3A_316 : vector<16xf32>
        %parallel_loop3A_318 = arith.index_cast %parallel_loop3A_177 : i32 to index
        %parallel_loop3A_319 = tpu.vector_load %arg20[%parallel_loop3A_318] {strides = array<i32>} : memref<1024xf32, #tpu.memory_space<vmem>>, vector<16xf32>,
        tpu.vector_store %arg20[%parallel_loop3A_318], %parallel_loop3A_317 {strides = array<i32>} : memref<1024xf32, #tpu.memory_space<vmem>>, vector<16xf32>,
        %parallel_loop3A_320 = tpu.vector_load_idx %arg9[%parallel_loop3A_248] : memref<35937xf32, #tpu.memory_space<vmem>>[vector<16xi32>], vector<16xf32>,
        %parallel_loop3A_321 = arith.mulf %parallel_loop3A_233, %parallel_loop3A_320 : vector<16xf32>
        %parallel_loop3A_322 = tpu.vector_load_idx %arg9[%parallel_loop3A_251] : memref<35937xf32, #tpu.memory_space<vmem>>[vector<16xi32>], vector<16xf32>,
        %parallel_loop3A_323 = arith.mulf %parallel_loop3A_234, %parallel_loop3A_322 : vector<16xf32>
        %parallel_loop3A_324 = arith.addf %parallel_loop3A_321, %parallel_loop3A_323 : vector<16xf32>
        %parallel_loop3A_325 = tpu.vector_load_idx %arg9[%parallel_loop3A_254] : memref<35937xf32, #tpu.memory_space<vmem>>[vector<16xi32>], vector<16xf32>,
        %parallel_loop3A_326 = arith.mulf %parallel_loop3A_235, %parallel_loop3A_325 : vector<16xf32>
        %parallel_loop3A_327 = arith.addf %parallel_loop3A_324, %parallel_loop3A_326 : vector<16xf32>
        %parallel_loop3A_328 = tpu.vector_load_idx %arg9[%parallel_loop3A_257] : memref<35937xf32, #tpu.memory_space<vmem>>[vector<16xi32>], vector<16xf32>,
        %parallel_loop3A_329 = arith.mulf %parallel_loop3A_236, %parallel_loop3A_328 : vector<16xf32>
        %parallel_loop3A_330 = arith.addf %parallel_loop3A_327, %parallel_loop3A_329 : vector<16xf32>
        %parallel_loop3A_331 = tpu.vector_load_idx %arg9[%parallel_loop3A_260] : memref<35937xf32, #tpu.memory_space<vmem>>[vector<16xi32>], vector<16xf32>,
        %parallel_loop3A_332 = arith.mulf %parallel_loop3A_237, %parallel_loop3A_331 : vector<16xf32>
        %parallel_loop3A_333 = arith.addf %parallel_loop3A_330, %parallel_loop3A_332 : vector<16xf32>
        %parallel_loop3A_334 = tpu.vector_load_idx %arg9[%parallel_loop3A_263] : memref<35937xf32, #tpu.memory_space<vmem>>[vector<16xi32>], vector<16xf32>,
        %parallel_loop3A_335 = arith.mulf %parallel_loop3A_238, %parallel_loop3A_334 : vector<16xf32>
        %parallel_loop3A_336 = arith.addf %parallel_loop3A_333, %parallel_loop3A_335 : vector<16xf32>
        %parallel_loop3A_337 = tpu.vector_load_idx %arg9[%parallel_loop3A_266] : memref<35937xf32, #tpu.memory_space<vmem>>[vector<16xi32>], vector<16xf32>,
        %parallel_loop3A_338 = arith.mulf %parallel_loop3A_239, %parallel_loop3A_337 : vector<16xf32>
        %parallel_loop3A_339 = arith.addf %parallel_loop3A_336, %parallel_loop3A_338 : vector<16xf32>
        %parallel_loop3A_340 = tpu.vector_load_idx %arg9[%parallel_loop3A_269] : memref<35937xf32, #tpu.memory_space<vmem>>[vector<16xi32>], vector<16xf32>,
        %parallel_loop3A_341 = arith.mulf %parallel_loop3A_240, %parallel_loop3A_340 : vector<16xf32>
        %parallel_loop3A_342 = arith.addf %parallel_loop3A_339, %parallel_loop3A_341 : vector<16xf32>
        %parallel_loop3A_343 = arith.index_cast %parallel_loop3A_177 : i32 to index
        %parallel_loop3A_344 = tpu.vector_load %arg21[%parallel_loop3A_343] {strides = array<i32>} : memref<1024xf32, #tpu.memory_space<vmem>>, vector<16xf32>,
        tpu.vector_store %arg21[%parallel_loop3A_343], %parallel_loop3A_342 {strides = array<i32>} : memref<1024xf32, #tpu.memory_space<vmem>>, vector<16xf32>,
      } {sc.loop_unroll_factor = 2 : i64, sc.parallel_access}
      %mul3A_163 = arith.constant 1024 : i32
      %mul3A_164 = arith.muli %add3A_99, %mul3A_163 : i32
      %add3A_165 = arith.addi %add3A_39, %mul3A_164 : i32
      %add3A_166 = arith.addi %add3A_46, %mul3A_164 : i32
      %add3A_167 = arith.addi %add3A_53, %mul3A_164 : i32
      %dma_start3A_168 = tpu.memref_slice %arg6[%add3A_165] : memref<12582912xf32, #tpu.memory_space<hbm>> -> memref<1024xf32, #tpu.memory_space<hbm>>
      %dma_start3A_169 = tpu.memref_slice %arg6[%add3A_165] : memref<12582912xf32, #tpu.memory_space<hbm>> -> memref<1024xf32, #tpu.memory_space<hbm>>
      tpu.enqueue_dma source(%arg19 : memref<1024xf32, #tpu.memory_space<vmem>>) target(%dma_start3A_169 : memref<1024xf32, #tpu.memory_space<hbm>>) target_semaphore(%arg25 : memref<!tpu.dma_semaphore, #tpu.memory_space<semaphore_mem>>)
      %dma_start3A_170 = tpu.memref_slice %arg6[%add3A_166] : memref<12582912xf32, #tpu.memory_space<hbm>> -> memref<1024xf32, #tpu.memory_space<hbm>>
      %dma_start3A_171 = tpu.memref_slice %arg6[%add3A_166] : memref<12582912xf32, #tpu.memory_space<hbm>> -> memref<1024xf32, #tpu.memory_space<hbm>>
      tpu.enqueue_dma source(%arg20 : memref<1024xf32, #tpu.memory_space<vmem>>) target(%dma_start3A_171 : memref<1024xf32, #tpu.memory_space<hbm>>) target_semaphore(%arg25 : memref<!tpu.dma_semaphore, #tpu.memory_space<semaphore_mem>>)
      %dma_start3A_172 = tpu.memref_slice %arg6[%add3A_167] : memref<12582912xf32, #tpu.memory_space<hbm>> -> memref<1024xf32, #tpu.memory_space<hbm>>
      %dma_start3A_173 = tpu.memref_slice %arg6[%add3A_167] : memref<12582912xf32, #tpu.memory_space<hbm>> -> memref<1024xf32, #tpu.memory_space<hbm>>
      tpu.enqueue_dma source(%arg21 : memref<1024xf32, #tpu.memory_space<vmem>>) target(%dma_start3A_173 : memref<1024xf32, #tpu.memory_space<hbm>>) target_semaphore(%arg25 : memref<!tpu.dma_semaphore, #tpu.memory_space<semaphore_mem>>)
      %scan3A_174 = arith.constant 0 : i32
      scf.yield %scan3A_174 : i32
    }
    %scan3A_70 = arith.constant 64 : i32
    %add3A_71 = arith.constant 129024 : i32
    %add3A_72 = arith.addi %add3A_39, %add3A_71 : i32
    %add3A_73 = arith.constant 129024 : i32
    %add3A_74 = arith.addi %add3A_46, %add3A_73 : i32
    %add3A_75 = arith.constant 129024 : i32
    %add3A_76 = arith.addi %add3A_53, %add3A_75 : i32
    %dma_wait3A = tpu.memref_slice %arg6[%add3A_72] : memref<12582912xf32, #tpu.memory_space<hbm>> -> memref<1024xf32, #tpu.memory_space<hbm>>
    %dma_wait3A_77 = tpu.memref_slice %arg6[%add3A_72] : memref<12582912xf32, #tpu.memory_space<hbm>> -> memref<1024xf32, #tpu.memory_space<hbm>>
    tpu.wait_dma2 semaphore(%arg24 : memref<!tpu.dma_semaphore, #tpu.memory_space<semaphore_mem>>) src(%arg16 : memref<1024xf32, #tpu.memory_space<vmem>>) dst(%dma_wait3A_77 : memref<1024xf32, #tpu.memory_space<hbm>>)
    %dma_wait3A_78 = tpu.memref_slice %arg6[%add3A_74] : memref<12582912xf32, #tpu.memory_space<hbm>> -> memref<1024xf32, #tpu.memory_space<hbm>>
    %dma_wait3A_79 = tpu.memref_slice %arg6[%add3A_74] : memref<12582912xf32, #tpu.memory_space<hbm>> -> memref<1024xf32, #tpu.memory_space<hbm>>
    tpu.wait_dma2 semaphore(%arg24 : memref<!tpu.dma_semaphore, #tpu.memory_space<semaphore_mem>>) src(%arg17 : memref<1024xf32, #tpu.memory_space<vmem>>) dst(%dma_wait3A_79 : memref<1024xf32, #tpu.memory_space<hbm>>)
    %dma_wait3A_80 = tpu.memref_slice %arg6[%add3A_76] : memref<12582912xf32, #tpu.memory_space<hbm>> -> memref<1024xf32, #tpu.memory_space<hbm>>
    %dma_wait3A_81 = tpu.memref_slice %arg6[%add3A_76] : memref<12582912xf32, #tpu.memory_space<hbm>> -> memref<1024xf32, #tpu.memory_space<hbm>>
    tpu.wait_dma2 semaphore(%arg24 : memref<!tpu.dma_semaphore, #tpu.memory_space<semaphore_mem>>) src(%arg18 : memref<1024xf32, #tpu.memory_space<vmem>>) dst(%dma_wait3A_81 : memref<1024xf32, #tpu.memory_space<hbm>>)
    %add3A_82 = arith.constant 130048 : i32
    %add3A_83 = arith.addi %add3A_39, %add3A_82 : i32
    %add3A_84 = arith.constant 130048 : i32
    %add3A_85 = arith.addi %add3A_46, %add3A_84 : i32
    %add3A_86 = arith.constant 130048 : i32
    %add3A_87 = arith.addi %add3A_53, %add3A_86 : i32
    %dma_wait3A_88 = tpu.memref_slice %arg6[%add3A_83] : memref<12582912xf32, #tpu.memory_space<hbm>> -> memref<1024xf32, #tpu.memory_space<hbm>>
    %dma_wait3A_89 = tpu.memref_slice %arg6[%add3A_83] : memref<12582912xf32, #tpu.memory_space<hbm>> -> memref<1024xf32, #tpu.memory_space<hbm>>
    tpu.wait_dma2 semaphore(%arg25 : memref<!tpu.dma_semaphore, #tpu.memory_space<semaphore_mem>>) src(%arg19 : memref<1024xf32, #tpu.memory_space<vmem>>) dst(%dma_wait3A_89 : memref<1024xf32, #tpu.memory_space<hbm>>)
    %dma_wait3A_90 = tpu.memref_slice %arg6[%add3A_85] : memref<12582912xf32, #tpu.memory_space<hbm>> -> memref<1024xf32, #tpu.memory_space<hbm>>
    %dma_wait3A_91 = tpu.memref_slice %arg6[%add3A_85] : memref<12582912xf32, #tpu.memory_space<hbm>> -> memref<1024xf32, #tpu.memory_space<hbm>>
    tpu.wait_dma2 semaphore(%arg25 : memref<!tpu.dma_semaphore, #tpu.memory_space<semaphore_mem>>) src(%arg20 : memref<1024xf32, #tpu.memory_space<vmem>>) dst(%dma_wait3A_91 : memref<1024xf32, #tpu.memory_space<hbm>>)
    %dma_wait3A_92 = tpu.memref_slice %arg6[%add3A_87] : memref<12582912xf32, #tpu.memory_space<hbm>> -> memref<1024xf32, #tpu.memory_space<hbm>>
    %dma_wait3A_93 = tpu.memref_slice %arg6[%add3A_87] : memref<12582912xf32, #tpu.memory_space<hbm>> -> memref<1024xf32, #tpu.memory_space<hbm>>
    tpu.wait_dma2 semaphore(%arg25 : memref<!tpu.dma_semaphore, #tpu.memory_space<semaphore_mem>>) src(%arg21 : memref<1024xf32, #tpu.memory_space<vmem>>) dst(%dma_wait3A_93 : memref<1024xf32, #tpu.memory_space<hbm>>)
    return
  }
}

</mosaic_0001>

<sc_bundles>
// kernel: kernel.3.cloned.1.call-start
scs
__scs_entry_jumppad:
0x0: {  	(pc) =	sbr.rel $0x88, $3  }
0x1: {  	(tag) =	ssettag $0x0;
	lr =	simm.s32 $0x1  }
0x2: {  	[smem:$0x3F9F] =	sst lr;
	_ =	strace $0xD0000000  }
0x3: {  	_ = 	snop  }
0x4: {  	_ = 	snop  }
0x5: {  	_ = 	snop  }
0x6: {  	_ = 	snop  }
0x7: {  	_ = 	snop  }
__scs_overlays_trampoline_lowered:
0x8: {  	[smem:$0x3FAE] =	sst s0  }
0x9: {  	[smem:$0x3FAF] =	sst s1  }
0xa: {  	[smem:$0x3FB0] =	sst s2  }
0xb: {  	[smem:$0x3FB1] =	sst s3  }
0xc: {  	[smem:$0x3FB2] =	sst s4  }
0xd: {  	[smem:$0x3FB3] =	sst s5  }
0xe: {  	[smem:$0x3FB4] =	sst s6  }
0xf: {  	[smem:$0x3FB5] =	sst s7  }
0x10: {  	[smem:$0x3FB6] =	sst s8  }
0x11: {  	[smem:$0x3FB7] =	sst s9;
	s0 =	simm.s32 @!p0 $0x0  }
0x12: {  	s1 =	sld [smem:$0x3F9D];
	s0 =	simm.s32 @p0 $0x1  }
0x13: {  	[smem:$0x3FB8] =	sst s0;
	s0 =	simm.s32 @!p1 $0x0  }
0x14: {  	s2 =	sld [smem:$0x3F9C];
	s0 =	simm.s32 @p1 $0x1  }
0x15: {  	[smem:$0x3FB9] =	sst s0;
	s0 =	simm.s32 @!p2 $0x0  }
0x16: {  	s3 =	sld [smem:$0x3FDB];
	s0 =	simm.s32 @p2 $0x1  }
0x17: {  	s4 =	simm.s32 $0x1BF5;
	[smem:$0x3FBB] =	sst s0  }
0x18: {  	s0 =	sld [smem:$0x3F9E];
	_ =	swait.ge [sflag:s4], $0x0  }
0x19: {  	s7 =	sld [smem:$0x3F9F]  }
0x1a: {  	s8 =	sadd.s32 $0xFFFFE003, lr  }
0x1b: {  	s9 =	sadd.s32 $0xFFFFFEF7, lr;
	s5 =	simm.s32 $0xFFFFFFFF;
	p2 =	slt.u32 s8, $0xFFFFF086  }
0x1c: {  	p1 =	slt.u32 s9, $0xF7A;
	s5 =	simm.s32 @!p2 $0x0  }
0x1d: {  	s5 =	simm.s32 @p1 $0x1;
	p0 =	seq.s32 s7, s2  }
0x1e: {  	s7 =	smul.u32 @!p0 $0xF7A, s2;
	p2 =	seq.s32 @!p0 s5, $0x0  }
0x1f: {  	s9 =	smul.u32 $0xF7A, s1;
	s8 =	simm.s32 @!p0 $0x1BF5;
	p2 =	por !p2, p0  }
0x20: {  	[sflag:s8] =	ssyncset.s32 @!p0 $0xFFFFF086;
	s6 =	sadd.s32 @!p0 s3, s7;
	s7 =	simm.s32 @!p0 $0x108  }
0x21: {  	s3 =	sadd.s32 s3, s9;
	s6 =	sadd.s32 @!p0 $0x88, s6;
	s7 =	simm.s32 @p2 $0x1082  }
0x22: {  	[simem:s7], [sflag:s8] =	dma.local @!p0 [hbm:s6], $0xF7A  }
0x23: {  	s9 =	sor.u32 $0xD0000000, s2;
	s6 =	simm.s32 $0x108;
	_ =	swait.ge @!p0 [sflag:s8], $0x0  }
0x24: {  	s3 =	sadd.s32 $0x88, s3;
	s6 =	simm.s32 @!p1 $0x1082;
	[sflag:s4] =	ssyncset.s32 $0xFFFFF086  }
0x25: {  	[simem:s6], [sflag:s4] =	dma.local [hbm:s3], $0xF7A  }
0x26: {  	[smem:$0x3F9F] =	sst s1;
	(tag) =	ssettag s2;
	_ =	strace s9  }
0x27: {  	s1 =	sld [smem:$0x3FAF]  }
0x28: {  	s2 =	sld [smem:$0x3FB0]  }
0x29: {  	s4 =	sld [smem:$0x3FB2]  }
0x2a: {  	p0 =	seq.s32 s5, $0x0;
	s5 =	sld [smem:$0x3FB3]  }
0x2b: {  	s6 =	sld [smem:$0x3FB4]  }
0x2c: {  	s7 =	sld [smem:$0x3FB5]  }
0x2d: {  	s3 =	simm.s32 $0x108;
	s8 =	sld [smem:$0x3FB6]  }
0x2e: {  	s3 =	simm.s32 @!p0 $0x1082;
	s9 =	sld [smem:$0x3FB7]  }
0x2f: {  	lr =	sadd.s32 s0, s3;
	s0 =	sld [smem:$0x3FAE]  }
0x30: {  	s3 =	sld [smem:$0x3FB1]  }
0x31: {  	[smem:$0x3FBA] =	sst s10  }
0x32: {  	s10 =	sld [smem:$0x3FB8];
	_ =	sdelay $0x3  }
0x33: {  	p0 =	seq.s32 s10, $0x1;
	s10 =	sld [smem:$0x3FBA];
	_ =	sdelay $0x3  }
0x34: {  	[smem:$0x3FBA] =	sst s10  }
0x35: {  	s10 =	sld [smem:$0x3FB9];
	_ =	sdelay $0x3  }
0x36: {  	p1 =	seq.s32 s10, $0x1;
	s10 =	sld [smem:$0x3FBA];
	_ =	sdelay $0x3  }
0x37: {  	[smem:$0x3FBA] =	sst s10  }
0x38: {  	s10 =	sld [smem:$0x3FBB]  }
0x39: {  	_ = 	snop;
	(pc) =	sbr.ind lr, $3  }
0x3a: {  	_ = 	snop  }
0x3b: {  	_ = 	snop  }
0x3c: {  	p2 =	seq.s32 s10, $0x1;
	s10 =	sld [smem:$0x3FBA]  }
0x3d: {  	_ =	shalt  }
0x3e: {  	_ =	shalt  }
0x3f: {  	_ =	shalt  }
0x40: {  	_ =	shalt  }
0x41: {  	_ =	shalt  }
0x42: {  	_ =	shalt  }
0x43: {  	_ =	shalt  }
0x44: {  	_ =	shalt  }
0x45: {  	_ =	shalt  }
0x46: {  	_ =	shalt  }
0x47: {  	_ =	shalt  }
0x48: {  	_ =	shalt  }
0x49: {  	_ =	shalt  }
0x4a: {  	_ =	shalt  }
0x4b: {  	_ =	shalt  }
0x4c: {  	_ =	shalt  }
0x4d: {  	_ =	shalt  }
0x4e: {  	_ =	shalt  }
0x4f: {  	_ =	shalt  }
0x50: {  	_ =	shalt  }
0x51: {  	_ =	shalt  }
0x52: {  	_ =	shalt  }
0x53: {  	_ =	shalt  }
0x54: {  	_ =	shalt  }
0x55: {  	_ =	shalt  }
0x56: {  	_ =	shalt  }
0x57: {  	_ =	shalt  }
0x58: {  	_ =	shalt  }
0x59: {  	_ =	shalt  }
0x5a: {  	_ =	shalt  }
0x5b: {  	_ =	shalt  }
0x5c: {  	_ =	shalt  }
0x5d: {  	_ =	shalt  }
0x5e: {  	_ =	shalt  }
0x5f: {  	_ =	shalt  }
0x60: {  	_ =	shalt  }
0x61: {  	_ =	shalt  }
0x62: {  	_ =	shalt  }
0x63: {  	_ =	shalt  }
0x64: {  	_ =	shalt  }
0x65: {  	_ =	shalt  }
0x66: {  	_ =	shalt  }
0x67: {  	_ =	shalt  }
0x68: {  	_ =	shalt  }
0x69: {  	_ =	shalt  }
0x6a: {  	_ =	shalt  }
0x6b: {  	_ =	shalt  }
0x6c: {  	_ =	shalt  }
0x6d: {  	_ =	shalt  }
0x6e: {  	_ =	shalt  }
0x6f: {  	_ =	shalt  }
0x70: {  	_ =	shalt  }
0x71: {  	_ =	shalt  }
0x72: {  	_ =	shalt  }
0x73: {  	_ =	shalt  }
0x74: {  	_ =	shalt  }
0x75: {  	_ =	shalt  }
0x76: {  	_ =	shalt  }
0x77: {  	_ =	shalt  }
0x78: {  	_ =	shalt  }
0x79: {  	_ =	shalt  }
0x7a: {  	_ =	shalt  }
0x7b: {  	_ =	shalt  }
0x7c: {  	_ =	shalt  }
0x7d: {  	_ =	shalt  }
0x7e: {  	_ =	shalt  }
0x7f: {  	_ =	shalt  }
0x80: {  	_ =	shalt  }
0x81: {  	_ =	shalt  }
0x82: {  	_ =	shalt  }
0x83: {  	_ =	shalt  }
0x84: {  	_ =	shalt  }
0x85: {  	_ =	shalt  }
0x86: {  	_ =	shalt  }
0x87: {  	_ =	shalt  }
.Lfunc_end0:
.L_simem_size_0:
called_computation.1_lowered:
.L_overlay_start_0:
0x88: {  	s2 =	sld [smem:$0x3FD9]  }
0x89: {  	s3 =	sld [smem:$0x3FFE];
	_ =	sdelay $0x1  }
0x8a: {  	s1 =	srdreg.scid  }
0x8b: {  	s0 =	sand.u32 $0x1, s1  }
0x8c: {  	s17 =	sshll.u32 s0, $0xA;
	s2 =	sadd.s32 s3, s2  }
0x8d: {  	s2 =	sadd.s32 s2, s17  }
0x8e: {  	[smem:$0x3FC6] =	sst s2  }
0x8f: {  	_ = 	snop  }
0x90: {  	s2 =	sld [smem:$0x3FD0];
	(tm) =	ssettm $0x1  }
0x91: {  	s18 =	sld [smem:$0x3FFB];
	_ =	sdelay $0x3  }
0x92: {  	_ =	strace s18  }
0x93: {  	s3 =	sld [smem:$0x3FFC];
	_ =	sdelay $0x3  }
0x94: {  	_ =	strace s3  }
0x95: {  	s3 =	sld [smem:$0x3FFD];
	_ =	sdelay $0x3  }
0x96: {  	_ =	strace s3  }
0x97: {  	_ =	strace $0x8FFFFFFF  }
0x98: {  	s19 =	sld [smem:$0x3FDB];
	_ =	sdelay $0x1  }
0x99: {  	s4 =	simm.s32 $_scs_section_size  }
0x9a: {  	s5 =	simm.s32 $_size__tile_overlayer_lowered;
	s6 =	simm.s32 $_tile_overlayer_lowered  }
0x9b: {  	s22 =	simm.s32 $0x1BFF;
	s21 =	sshll.u32 s6, $0x1;
	s3 =	sadd.s32 s4, s19  }
0x9c: {  	s7 =	simm.s32 $0x0;
	s20 =	sshll.u32 s5, $0x1;
	s5 =	sadd.s32 s21, s3  }
0x9d: {  	[timem:s7], [sflag:s22] =	dma.local [hbm:s5], s20  }
0x9e: {  	_ =	swait.ge [sflag:s22], s20  }
0x9f: {  	s4 =	ssub.s32 $0x0, s20;
	[sflag:s22] =	ssyncset.done $0x0  }
0xa0: {  	[sflag:s22] =	ssyncadd.s32 s4;
	_ =	sdelay $0x1  }
0xa1: {  	s23 =	simm.s32 $0x1B8B  }
0xa2: {  	_ =	swait.ge [sflag:s23], $0x1  }
0xa3: {  	[sflag:s23] =	ssyncset.done $0x0  }
0xa4: {  	s25 =	simm.s32 $0x1B8E;
	s24 =	sld [smem:$0x3FFE];
	[sflag:s23] =	ssyncadd.s32 $0xFFFFFFFF  }
0xa5: {  	s26 =	simm.s32 $execute0_lowered;
	[smem:$0x3FD2] =	sst s25  }
0xa6: {  	s5 =	sshll.u32 s26, $0x1;
	_ =	strace $0x80000049;
	[dreg:$0x1] =	wrdreg $0xFFFFFFFF  }
0xa7: {  	s28 =	simm.s32 $_size_execute0_lowered;
	s3 =	sadd.s32 s3, s5;
	[dreg:$0x0] =	wrdreg $0x0  }
0xa8: {  	s5 =	sshll.u32 s28, $0x1;
	[dreg:$0x2] =	wrdreg s3  }
0xa9: {  	[dreg:$0x3] =	wrdreg s5  }
0xaa: {  	[dreg:$0x4] =	wrdreg $0xC0  }
0xab: {  	_ =	task [dreg:s7], $0x5FFFF  }
0xac: {  	[dreg:$0x1] =	wrdreg $0xFFFFFFFF  }
0xad: {  	[dreg:$0x0] =	wrdreg $0x60  }
0xae: {  	[dreg:$0x2] =	wrdreg s2  }
0xaf: {  	[dreg:$0x3] =	wrdreg s24  }
0xb0: {  	[dreg:$0x4] =	wrdreg $0x9  }
0xb1: {  	_ =	task.clear_ibuf [dreg:s7], $0x5FFFF;
	_ =	strace $0x90000049  }
0xb2: {  	s29 =	simm.s32 $0x9;
	_ =	strace $0x8000004B  }
0xb3: {  	_ =	swait.ge [sflag:s29], $0x1  }
0xb4: {  	[sflag:s29] =	ssyncadd.s32 $0xFFFFFFFF  }
0xb5: {  	_ =	strace $0x9000004B  }
0xb6: {  	_ =	sfence  }
0xb7: {  	s30 =	sld [smem:$0x0];
	_ =	sdelay $0x2  }
0xb8: {  	s31 =	sshll.u32 s1, $0xD;
	s1 =	sshrl.u32 s1, $0x2  }
0xb9: {  	s3 =	sand.u32 $0x4000, s31;
	s1 =	sadd.s32 s1, s30  }
0xba: {  	s0 =	sor.u32 s3, s0;
	s1 =	sshll.u32 s1, $0x11  }
0xbb: {  	s0 =	sor.u32 s1, s0  }
0xbc: {  	s0 =	sadd.s32 $0x8F2B, s0  }
0xbd: {  	[sflag:s0] =	ssyncadd.remote.s32 $0x1  }
0xbe: {  	_ =	sfence.sel $0xFFFF  }
0xbf: {  	[dreg:$0x0] =	wrdreg $0xFFFFFFFF;
	(pc) =	sbr.abs _section_cstart, $3  }
0xc0: {  	[dreg:$0x1] =	wrdreg $0xFFFFFFFF  }
0xc1: {  	_ =	task.clear_ibuf [dreg:s7], $0x2FFFF;
	_ =	strace $0x9FFFFFFF  }
0xc2: {  	(tm) =	ssettm $0x7FFFFFFF  }
0xc3: {  	_ =	shalt  }
tec
execute0_lowered:
.L_overlay_start_1:
0x0: {  	(tag) =	ssettag $0x1  }
0x1: {  	s0 =	srdreg.scid  }
0x2: {  	s5 =	stileid.u32;
	s2 =	rddreg [dreg:$0x0]  }
0x3: {  	s4 =	rddreg [dreg:$0x1];
	s3 =	simm.s32 $0x0;
	s9 =	simm.s32 $0x1  }
0x4: {  	s17 =	simm.s32 $0x8C80;
	s28 =	simm.s32 $0x1C580;
	s0 =	sand.u32 $0x1, s0  }
0x5: {  	s29 =	simm.s32 $0x2;
	s30 =	simm.s32 $0x1C980;
	s1 =	sor.u32 s0, s5  }
0x6: {  	s31 =	simm.s32 $0x1CD80;
	p1 =	seq.s32 s0, $0x1;
	p0 =	seq.s32 s1, $0x0  }
0x7: {  	[smem:$0x7FF] =	sst s3;
	s18 =	sadd.s32 $0x600, s4;
	p0 =	por !p0, !p1  }
0x8: {  	s19 =	sadd.s32 $0x2A00, s4;
	s1 =	simm.s32 $0x1;
	p0 =	por !p0, !p0  }
0x9: {  	s20 =	sadd.s32 $0x1800, s4;
	s7 =	sadd.s32 $0x3C00, s4;
	s1 =	simm.s32 @!p0 $0x0  }
0xa: {  	_ =	strace $0x8000004A;
	s21 =	ssub.s32 $0x2, s0;
	s1 =	ssub.s32 s5, s1  }
0xb: {  	[dreg:$0x3] =	wrdreg s18;
	s22 =	sshrl.u32 s21, $0x1;
	s1 =	smul.u32 $0xC0000, s1  }
0xc: {  	[dreg:$0x4] =	wrdreg s19;
	s0 =	sshll.u32 s0, $0x11;
	s23 =	ssub.s32 s21, s22  }
0xd: {  	[dreg:$0x5] =	wrdreg s20;
	s8 =	sor.u32 s0, s1;
	s0 =	smax.u32 s23, $0x1  }
0xe: {  	s10 =	sadd.s32 $0x40000, s8;
	s11 =	sadd.s32 $0x80000, s8;
	s1 =	sshrl.u32 s8, $0x3  }
0xf: {  	[dreg:$0x9] =	wrdreg s0;
	s24 =	sshrl.u32 s10, $0x3;
	s1 =	sadd.s32 s2, s1  }
0x10: {  	s26 =	sshrl.u32 s11, $0x3;
	[dreg:$0x6] =	wrdreg s1;
	s25 =	sadd.s32 s2, s24  }
0x11: {  	s18 =	simm.s32 $0x11900;
	s1 =	sadd.s32 s2, s26;
	[dreg:$0x7] =	wrdreg s25  }
0x12: {  	s5 =	simm.s32 $0x0;
	[dreg:$0x8] =	wrdreg s1;
	s1 =	simm.s32 $0x1D180  }
.LBB2_1:
0x13: {  	[dreg:$0xa] =	wrdreg s5  }
0x14: {  	s0 =	rddreg [dreg:$0x3];
	s4 =	simm.s32 $0x5  }
0x15: {  	[tilespmem:s3], [sflag:$0x5] =	stream.linear.gather [hbm4b:s0+s3], $0x8C80, $0x38;
	[tilespmem:$0x1D580] =	vst v63  }
0x16: {  	_ =	swait.ge [sflag:s4], $0x8C80  }
0x17: {  	[sflag:s4] =	ssyncset.done $0x0  }
0x18: {  	s19 =	rddreg [dreg:$0x4];
	[sflag:s4] =	ssyncadd.s32 $0xFFFF7380  }
0x19: {  	[tilespmem:s17], [sflag:$0x5] =	stream.linear.gather [hbm4b:s19+s3], $0x8C80, $0x38;
	[tilespmem:$0x1D580] =	vst v63  }
0x1a: {  	_ =	swait.ge [sflag:s4], $0x8C80  }
0x1b: {  	[sflag:s4] =	ssyncset.done $0x0  }
0x1c: {  	s20 =	rddreg [dreg:$0x5];
	[sflag:s4] =	ssyncadd.s32 $0xFFFF7380  }
0x1d: {  	[tilespmem:s18], [sflag:$0x5] =	stream.linear.gather [hbm4b:s20+s3], $0x8C80, $0x38;
	[tilespmem:$0x1D580] =	vst v63  }
0x1e: {  	_ =	swait.ge [sflag:s4], $0x8C80  }
0x1f: {  	[sflag:s4] =	ssyncset.done $0x0  }
0x20: {  	s22 =	simm.s32 $0x1A580;
	s21 =	rddreg [dreg:$0x6];
	[sflag:s4] =	ssyncadd.s32 $0xFFFF7380  }
0x21: {  	[tilespmem:s22], [sflag:$0x1] =	stream.linear.gather [hbm4b:s21+s3], $0x400, $0x38;
	[tilespmem:$0x1D580] =	vst v63  }
0x22: {  	s24 =	simm.s32 $0x1A980;
	s23 =	rddreg [dreg:$0x7]  }
0x23: {  	[tilespmem:s24], [sflag:$0x1] =	stream.linear.gather [hbm4b:s23+s3], $0x400, $0x38;
	[tilespmem:$0x1D580] =	vst v63  }
0x24: {  	s26 =	simm.s32 $0x1AD80;
	s6 =	simm.s32 $0x0;
	s25 =	rddreg [dreg:$0x8]  }
0x25: {  	[tilespmem:s26], [sflag:$0x1] =	stream.linear.gather [hbm4b:s25+s3], $0x400, $0x38;
	[tilespmem:$0x1D580] =	vst v63  }
.LBB2_2:
0x26: {  	s12 =	sshll.u32 s6, $0xB  }
0x27: {  	s0 =	sor.u32 $0x400, s12  }
0x28: {  	s4 =	sor.u32 s8, s0  }
0x29: {  	s13 =	simm.s32 $0x1B180;
	s14 =	sor.u32 s10, s0;
	s21 =	sshrl.u32 s4, $0x3  }
0x2a: {  	s0 =	sor.u32 s11, s0;
	s4 =	sshrl.u32 s14, $0x3;
	s5 =	sadd.s32 s2, s21  }
0x2b: {  	[tilespmem:s13], [sflag:$0x2] =	stream.linear.gather [hbm4b:s5+s3], $0x400, $0x38;
	[tilespmem:$0x1D580] =	vst v63  }
0x2c: {  	s16 =	simm.s32 $0x1B580;
	s15 =	sadd.s32 s2, s4;
	s5 =	sshrl.u32 s0, $0x3  }
0x2d: {  	[tilespmem:s16], [sflag:$0x2] =	stream.linear.gather [hbm4b:s15+s3], $0x400, $0x38;
	[tilespmem:$0x1D580] =	vst v63  }
0x2e: {  	s19 =	simm.s32 $0x1B980;
	s0 =	sadd.s32 s2, s5  }
0x2f: {  	[tilespmem:s19], [sflag:$0x2] =	stream.linear.gather [hbm4b:s0+s3], $0x400, $0x38;
	[tilespmem:$0x1D580] =	vst v63  }
0x30: {  	_ =	swait.ge [sflag:s9], $0x400  }
0x31: {  	[sflag:s9] =	ssyncset.done $0x0  }
0x32: {  	[sflag:s9] =	ssyncadd.s32 $0xFFFFFC00  }
0x33: {  	_ =	swait.ge [sflag:s9], $0x400  }
0x34: {  	[sflag:s9] =	ssyncset.done $0x0  }
0x35: {  	[sflag:s9] =	ssyncadd.s32 $0xFFFFFC00  }
0x36: {  	_ =	swait.ge [sflag:s9], $0x400  }
0x37: {  	p0 =	seq.s32 s6, $0x0;
	[sflag:s9] =	ssyncset.done $0x0  }
0x38: {  	s0 =	simm.s32 @!p0 $0x3;
	[sflag:s9] =	ssyncadd.s32 $0xFFFFFC00  }
0x39: {  	_ =	swait.ge @!p0 [sflag:s0], $0x400  }
0x3a: {  	[sflag:s0] =	ssyncset.done @!p0 $0x0  }
0x3b: {  	[sflag:s0] =	ssyncadd.s32 @!p0 $0xFFFFFC00  }
0x3c: {  	_ =	swait.ge @!p0 [sflag:s0], $0x400  }
0x3d: {  	[sflag:s0] =	ssyncset.done @!p0 $0x0  }
0x3e: {  	[sflag:s0] =	ssyncadd.s32 @!p0 $0xFFFFFC00  }
0x3f: {  	_ =	swait.ge @!p0 [sflag:s0], $0x400  }
0x40: {  	[sflag:s0] =	ssyncset.done @!p0 $0x0  }
0x41: {  	s20 =	simm.s32 $0x1A990;
	[sflag:s0] =	ssyncadd.s32 @!p0 $0xFFFFFC00  }
0x42: {  	s22 =	simm.s32 $0x1AD90;
	v0 =	vld [tilespmem:s20+$0x0]  }
0x43: {  	s14 =	simm.s32 $0x1A590;
	v1 =	vld [tilespmem:s22+$0x0]  }
0x44: {  	v2 =	vld [tilespmem:s14+$0x0];
	_ =	sdelay $0x2  }
0x45: {  	v0 =	vmul.f32 $3.199996760e+01, v0  }
0x46: {  	v1 =	vmul.f32 $3.199996760e+01, v1  }
0x47: {  	v5 =	vmul.f32 $3.199996760e+01, v2;
	v2 =	vtrunc.f32 v0  }
0x48: {  	v3 =	vtrunc.f32 v1;
	v2 =	vcvt.f32.s32 v2  }
0x49: {  	v4 =	vtrunc.f32 v5;
	v3 =	vcvt.f32.s32 v3  }
0x4a: {  	v4 =	vcvt.f32.s32 v4;
	vm0 =	vgt.s32 v2, $0x0  }
0x4b: {  	vm1 =	vgt.s32 v3, $0x0;
	v2 =	vnsel vm0, $0x0, v2  }
0x4c: {  	vm12 =	vgt.s32 v4, $0x0;
	v3 =	vnsel vm1, $0x0, v3;
	v2 =	vmin.u32 v2, $0x1F  }
0x4d: {  	v7 =	vld [tilespmem:s20+$0xFFFFFFF0];
	v4 =	vnsel vm12, $0x0, v4;
	v6 =	vmin.u32 v3, $0x1F;
	v3 =	vmul.u32 $0x21, v2  }
0x4e: {  	v9 =	vld [tilespmem:s22+$0xFFFFFFF0];
	v8 =	vmin.u32 v4, $0x1F;
	v4 =	vmul.u32 $0x441, v6  }
0x4f: {  	v11 =	vld [tilespmem:s14+$0xFFFFFFF0];
	v3 =	vadd.s32 v8, v3  }
0x50: {  	v4 =	vadd.s32 v4, v3  }
0x51: {  	v10 =	vcvt.s32.f32 v2;
	v6 =	vcvt.s32.f32 v6;
	v3 =	vadd.s32 $0x1, v4  }
0x52: {  	v17 =	vmul.f32 $3.199996760e+01, v7;
	v8 =	vcvt.s32.f32 v8  }
0x53: {  	v10 =	vsub.f32 v0, v10;
	v16 =	vsub.f32 v1, v6;
	v2 =	vadd.s32 $0x21, v4  }
0x54: {  	v18 =	vmul.f32 $3.199996760e+01, v9;
	v21 =	vmul.f32 $3.199996760e+01, v11;
	v9 =	vsub.f32 v5, v8  }
0x55: {  	v0 =	vadd.s32 $0x22, v4;
	v12 =	vsub.f32 $1.000000000e+00, v10;
	v5 =	vsub.f32 $1.000000000e+00, v16;
	v6 =	vld.idx.msk [tilespmem:v4+s3+$0x0], $0xffff  }
0x56: {  	v7 =	vtrunc.f32 v17;
	v13 =	vtrunc.f32 v18;
	v19 =	vld.idx.msk [tilespmem:v3+s3+$0x0], $0xffff  }
0x57: {  	v1 =	vadd.s32 $0x441, v4;
	v20 =	vsub.f32 $1.000000000e+00, v9;
	v15 =	vmul.f32 v5, v12  }
0x58: {  	v23 =	vcvt.f32.s32 v7;
	v22 =	vmul.f32 v5, v10;
	v11 =	vld.idx.msk [tilespmem:v2+s3+$0x0], $0xffff  }
0x59: {  	v8 =	vadd.s32 $0x442, v4;
	v14 =	vmul.f32 v15, v20;
	v15 =	vmul.f32 v15, v9  }
0x5a: {  	v26 =	vcvt.f32.s32 v13;
	v5 =	vmul.f32 v22, v20;
	v24 =	vld.idx.msk [tilespmem:v0+s3+$0x0], $0xffff  }
0x5b: {  	v7 =	vadd.s32 $0x462, v4;
	v25 =	vmul.f32 v14, v6;
	v19 =	vmul.f32 v15, v19  }
0x5c: {  	v28 =	vmul.f32 v16, v12;
	v13 =	vmul.f32 v22, v9;
	v27 =	vld.idx.msk [tilespmem:v1+s3+$0x0], $0xffff  }
0x5d: {  	v6 =	vadd.s32 $0x463, v4;
	v11 =	vmul.f32 v5, v11;
	v19 =	vadd.f32 v19, v25  }
0x5e: {  	v22 =	vtrunc.f32 v21;
	v25 =	vld.idx.msk [tilespmem:v8+s3+$0x0], $0xffff  }
0x5f: {  	v12 =	vmul.f32 v28, v20;
	v24 =	vmul.f32 v13, v24;
	v19 =	vadd.f32 v19, v11  }
0x60: {  	vm13 =	vgt.s32 v23, $0x0;
	v16 =	vmul.f32 v16, v10;
	v22 =	vcvt.f32.s32 v22;
	v29 =	vld.idx.msk [tilespmem:v7+s3+$0x0], $0xffff  }
0x61: {  	v11 =	vmul.f32 v28, v9;
	v19 =	vadd.f32 v19, v24;
	v24 =	vmul.f32 v12, v27  }
0x62: {  	vm14 =	vgt.s32 v26, $0x0;
	v23 =	vnsel vm13, $0x0, v23;
	v10 =	vmul.f32 v16, v20;
	v27 =	vld.idx.msk [tilespmem:v6+s3+$0x0], $0xffff  }
0x63: {  	vm15 =	vgt.s32 v22, $0x0;
	v20 =	vmul.f32 v11, v25;
	v19 =	vadd.f32 v19, v24  }
0x64: {  	v26 =	vnsel vm14, $0x0, v26;
	v23 =	vmin.u32 v23, $0x1F;
	v22 =	vnsel vm15, $0x0, v22  }
0x65: {  	v9 =	vmul.f32 v16, v9;
	v16 =	vadd.f32 v19, v20;
	v19 =	vmul.f32 v10, v29  }
0x66: {  	v25 =	vmin.u32 v26, $0x1F;
	v24 =	vmul.u32 $0x21, v23;
	v20 =	vmin.u32 v22, $0x1F  }
0x67: {  	v22 =	vmul.u32 $0x441, v25;
	v16 =	vadd.f32 v16, v19;
	v19 =	vmul.f32 v27, v9  }
0x68: {  	v24 =	vadd.s32 v20, v24  }
0x69: {  	v24 =	vadd.s32 v22, v24;
	v16 =	vadd.f32 v16, v19  }
0x6a: {  	s23 =	simm.s32 $0x1BD90  }
0x6b: {  	[tilespmem:s23+$0x0] =	vst v16  }
0x6c: {  	v19 =	vcvt.s32.f32 v25;
	v16 =	vcvt.s32.f32 v23;
	v22 =	vld.idx.msk [tilespmem:v4+s17+$0x0], $0xffff  }
0x6d: {  	v63 =	vadd.s32 $0x1, v24;
	v23 =	vld.idx.msk [tilespmem:v3+s17+$0x0], $0xffff  }
0x6e: {  	v43 =	vadd.s32 $0x21, v24;
	v27 =	vld.idx.msk [tilespmem:v24+s3+$0x0], $0xffff;
	v16 =	vsub.f32 v17, v16;
	v17 =	vsub.f32 v18, v19  }
0x6f: {  	v20 =	vcvt.s32.f32 v20;
	v42 =	vadd.s32 $0x22, v24;
	v19 =	vld.idx.msk [tilespmem:v2+s17+$0x0], $0xffff  }
0x70: {  	v28 =	vld.idx.msk [tilespmem:v0+s17+$0x0], $0xffff;
	v25 =	vsub.f32 $1.000000000e+00, v16;
	v26 =	vsub.f32 $1.000000000e+00, v17  }
0x71: {  	v44 =	vadd.s32 $0x441, v24;
	v20 =	vsub.f32 v21, v20;
	v30 =	vld.idx.msk [tilespmem:v1+s17+$0x0], $0xffff  }
0x72: {  	v18 =	vld.idx.msk [tilespmem:v63+s3+$0x0], $0xffff;
	v21 =	vmul.f32 v26, v25  }
0x73: {  	v31 =	vsub.f32 $1.000000000e+00, v20;
	v29 =	vld.idx.msk [tilespmem:v43+s3+$0x0], $0xffff;
	v22 =	vmul.f32 v22, v14;
	v23 =	vmul.f32 v23, v15  }
0x74: {  	v45 =	vadd.s32 $0x442, v24;
	v32 =	vld.idx.msk [tilespmem:v42+s3+$0x0], $0xffff;
	v26 =	vmul.f32 v26, v16;
	v19 =	vmul.f32 v19, v5  }
0x75: {  	v53 =	vmul.f32 v21, v20;
	v22 =	vadd.f32 v23, v22;
	v23 =	vld.idx.msk [tilespmem:v8+s17+$0x0], $0xffff;
	v59 =	vmul.f32 v21, v31  }
0x76: {  	v36 =	vmul.f32 v26, v31;
	v21 =	vld.idx.msk [tilespmem:v44+s3+$0x0], $0xffff;
	v39 =	vmul.f32 v26, v20  }
0x77: {  	v46 =	vadd.s32 $0x462, v24;
	v26 =	vld.idx.msk [tilespmem:v7+s17+$0x0], $0xffff;
	v19 =	vadd.f32 v19, v22;
	v22 =	vmul.f32 v28, v13;
	[tilespmem:$0x1FFD0] =	vst v53  }
0x78: {  	v61 =	vadd.s32 $0x463, v24;
	v18 =	vmul.f32 v53, v18;
	v27 =	vmul.f32 v59, v27;
	[tilespmem:$0x1FFB0] =	vst v59  }
0x79: {  	v25 =	vmul.f32 v17, v25;
	v28 =	vld.idx.msk [tilespmem:v45+s3+$0x0], $0xffff;
	v19 =	vadd.f32 v22, v19;
	v22 =	vmul.f32 v30, v12  }
0x7a: {  	s15 =	simm.s32 $0x1A9B0;
	v16 =	vmul.f32 v17, v16;
	v30 =	vld.idx.msk [tilespmem:v6+s17+$0x0], $0xffff;
	v18 =	vadd.f32 v18, v27;
	v27 =	vmul.f32 v36, v29  }
0x7b: {  	s16 =	simm.s32 $0x1ADB0;
	v41 =	vmul.f32 v25, v31;
	v29 =	vld [tilespmem:s15+$0x0];
	v17 =	vadd.f32 v22, v19;
	v19 =	vmul.f32 v23, v11  }
0x7c: {  	s24 =	simm.s32 $0x1A5B0;
	v50 =	vmul.f32 v25, v20;
	v22 =	vld [tilespmem:s16+$0x0];
	v18 =	vadd.f32 v18, v27;
	v23 =	vmul.f32 v39, v32  }
0x7d: {  	v54 =	vmul.f32 v16, v31;
	v25 =	vld [tilespmem:s24+$0x0];
	v17 =	vadd.f32 v19, v17;
	v19 =	vmul.f32 v26, v10  }
0x7e: {  	v58 =	vmul.f32 v16, v20;
	v20 =	vld.idx.msk [tilespmem:v46+s3+$0x0], $0xffff;
	v16 =	vadd.f32 v18, v23;
	v18 =	vmul.f32 v41, v21  }
0x7f: {  	v17 =	vadd.f32 v19, v17;
	v19 =	vmul.f32 v30, v9  }
0x80: {  	v21 =	vmul.f32 $3.199996760e+01, v29;
	v16 =	vadd.f32 v16, v18  }
0x81: {  	v23 =	vld.idx.msk [tilespmem:v61+s3+$0x0], $0xffff;
	v18 =	vmul.f32 v50, v28;
	v26 =	vmul.f32 $3.199996760e+01, v22;
	v17 =	vadd.f32 v19, v17  }
0x82: {  	s25 =	simm.s32 $0x1C190;
	v22 =	vtrunc.f32 v21;
	v19 =	vmul.f32 $3.199996760e+01, v25;
	v25 =	vld [tilespmem:s15+$0xFFFFFFF0]  }
0x83: {  	v20 =	vmul.f32 v54, v20;
	v22 =	vcvt.f32.s32 v22;
	v16 =	vadd.f32 v16, v18;
	v18 =	vld [tilespmem:s16+$0xFFFFFFF0];
	[tilespmem:s25+$0x0] =	vst v17  }
0x84: {  	v27 =	vtrunc.f32 v26;
	v17 =	vtrunc.f32 v19;
	v4 =	vld.idx.msk [tilespmem:v4+s18+$0x0], $0xffff  }
0x85: {  	v27 =	vcvt.f32.s32 v27;
	v17 =	vcvt.f32.s32 v17;
	v3 =	vld.idx.msk [tilespmem:v3+s18+$0x0], $0xffff  }
0x86: {  	v28 =	vmul.f32 v23, v58;
	vm4 =	vgt.s32 v22, $0x0;
	v16 =	vadd.f32 v16, v20;
	v2 =	vld.idx.msk [tilespmem:v2+s18+$0x0], $0xffff  }
0x87: {  	v22 =	vnsel vm4, $0x0, v22;
	v1 =	vld.idx.msk [tilespmem:v1+s18+$0x0], $0xffff;
	vm5 =	vgt.s32 v27, $0x0;
	vm6 =	vgt.s32 v17, $0x0  }
0x88: {  	v8 =	vld.idx.msk [tilespmem:v8+s18+$0x0], $0xffff;
	v23 =	vnsel vm5, $0x0, v27;
	v27 =	vmin.u32 v22, $0x1F;
	v33 =	vmul.f32 $3.199996760e+01, v25  }
0x89: {  	v7 =	vld.idx.msk [tilespmem:v7+s18+$0x0], $0xffff;
	v18 =	vmul.f32 $3.199996760e+01, v18;
	v17 =	vnsel vm6, $0x0, v17;
	v29 =	vmin.u32 v23, $0x1F  }
0x8a: {  	v6 =	vld.idx.msk [tilespmem:v6+s18+$0x0], $0xffff;
	v22 =	vmul.u32 $0x21, v27;
	v17 =	vmin.u32 v17, $0x1F;
	v4 =	vmul.f32 v4, v14  }
0x8b: {  	v20 =	vmul.u32 $0x441, v29;
	v3 =	vmul.f32 v3, v15;
	v14 =	vcvt.s32.f32 v27  }
0x8c: {  	v25 =	vld.idx.msk [tilespmem:v0+s18+$0x0], $0xffff;
	v0 =	vadd.s32 v17, v22;
	v15 =	vcvt.s32.f32 v29;
	v2 =	vmul.f32 v2, v5  }
0x8d: {  	v5 =	vcvt.s32.f32 v17;
	v12 =	vmul.f32 v1, v12;
	v23 =	vadd.s32 v20, v0  }
0x8e: {  	v8 =	vmul.f32 v8, v11;
	v7 =	vmul.f32 v7, v10;
	v22 =	vadd.s32 $0x1, v23  }
0x8f: {  	v16 =	vadd.f32 v16, v28;
	v6 =	vmul.f32 v6, v9;
	v20 =	vtrunc.f32 v33  }
0x90: {  	v17 =	vld [tilespmem:s24+$0xFFFFFFF0];
	v0 =	vadd.s32 $0x21, v23;
	v14 =	vsub.f32 v21, v14;
	v15 =	vsub.f32 v26, v15  }
0x91: {  	v13 =	vmul.f32 v25, v13;
	v5 =	vsub.f32 v19, v5;
	v3 =	vadd.f32 v3, v4  }
0x92: {  	v25 =	vadd.s32 $0x22, v23;
	v21 =	vsub.f32 $1.000000000e+00, v14;
	v26 =	vsub.f32 $1.000000000e+00, v15;
	v19 =	vld.idx.msk [tilespmem:v23+s3+$0x0], $0xffff  }
0x93: {  	v4 =	vtrunc.f32 v18;
	v30 =	vadd.s32 $0x441, v23;
	v32 =	vadd.s32 $0x442, v23;
	v1 =	vld.idx.msk [tilespmem:v22+s3+$0x0], $0xffff  }
0x94: {  	v4 =	vcvt.f32.s32 v4;
	v35 =	vsub.f32 $1.000000000e+00, v5;
	v28 =	vmul.f32 v26, v21  }
0x95: {  	v2 =	vadd.f32 v2, v3;
	v3 =	vmul.f32 $3.199996760e+01, v17;
	v26 =	vmul.f32 v26, v14;
	v17 =	vld.idx.msk [tilespmem:v0+s3+$0x0], $0xffff  }
0x96: {  	v40 =	vadd.s32 $0x462, v23;
	v27 =	vmul.f32 v28, v35;
	v28 =	vmul.f32 v28, v5  }
0x97: {  	v2 =	vadd.f32 v13, v2;
	v13 =	vcvt.f32.s32 v20;
	v20 =	vld.idx.msk [tilespmem:v25+s3+$0x0], $0xffff;
	v29 =	vmul.f32 v26, v35  }
0x98: {  	vm8 =	vgt.s32 v4, $0x0;
	v19 =	vmul.f32 v27, v19;
	v1 =	vmul.f32 v28, v1  }
0x99: {  	v47 =	vadd.s32 $0x463, v23;
	v21 =	vmul.f32 v15, v21;
	v4 =	vnsel vm8, $0x0, v4;
	v38 =	vld.idx.msk [tilespmem:v30+s3+$0x0], $0xffff  }
0x9a: {  	v31 =	vmul.f32 v26, v5;
	v17 =	vmul.f32 v29, v17;
	v19 =	vadd.f32 v1, v19  }
0x9b: {  	v14 =	vmul.f32 v15, v14;
	v49 =	vld.idx.msk [tilespmem:v32+s3+$0x0], $0xffff;
	v4 =	vmin.u32 v4, $0x1F;
	v26 =	vtrunc.f32 v3  }
0x9c: {  	v1 =	vmul.f32 v21, v35;
	v17 =	vadd.f32 v19, v17;
	v19 =	vmul.f32 v31, v20  }
0x9d: {  	vm7 =	vgt.s32 v13, $0x0;
	v34 =	vmul.f32 v21, v5;
	v48 =	vmul.f32 v14, v35;
	v20 =	vld.idx.msk [tilespmem:v40+s3+$0x0], $0xffff  }
0x9e: {  	v55 =	vmul.f32 v14, v5;
	v15 =	vadd.f32 v17, v19;
	v17 =	vmul.f32 v1, v38  }
0x9f: {  	[tilespmem:s23+$0xFFFFFFF0] =	vst v16;
	v2 =	vadd.f32 v12, v2;
	v16 =	vcvt.f32.s32 v26;
	v13 =	vnsel vm7, $0x0, v13;
	v19 =	vld.idx.msk [tilespmem:v47+s3+$0x0], $0xffff  }
0xa0: {  	v13 =	vmin.u32 v13, $0x1F;
	v15 =	vadd.f32 v15, v17;
	v17 =	vmul.f32 v34, v49  }
0xa1: {  	v2 =	vadd.f32 v8, v2;
	vm9 =	vgt.s32 v16, $0x0;
	v51 =	vmul.u32 $0x21, v13  }
0xa2: {  	v26 =	vld.idx.msk [tilespmem:v24+s17+$0x0], $0xffff;
	v16 =	vnsel vm9, $0x0, v16;
	v14 =	vmul.f32 v48, v20;
	v5 =	vadd.f32 v15, v17  }
0xa3: {  	v13 =	vcvt.s32.f32 v13;
	v12 =	vmin.u32 v16, $0x1F;
	v21 =	vld.idx.msk [tilespmem:v63+s17+$0x0], $0xffff;
	v15 =	vmul.u32 $0x441, v4  }
0xa4: {  	v16 =	vadd.s32 v12, v51;
	v35 =	vld.idx.msk [tilespmem:v45+s17+$0x0], $0xffff;
	v5 =	vadd.f32 v5, v14;
	v14 =	vmul.f32 v19, v55  }
0xa5: {  	v2 =	vadd.f32 v7, v2;
	v17 =	vld.idx.msk [tilespmem:v42+s17+$0x0], $0xffff;
	v4 =	vcvt.s32.f32 v4;
	v56 =	vadd.s32 v15, v16  }
0xa6: {  	v11 =	vsub.f32 v33, v13;
	v33 =	vld.idx.msk [tilespmem:v46+s17+$0x0], $0xffff;
	v37 =	vadd.s32 $0x1, v56;
	v5 =	vadd.f32 v5, v14  }
0xa7: {  	s26 =	simm.s32 $0x1BDB0;
	v2 =	vadd.f32 v6, v2;
	v38 =	vld.idx.msk [tilespmem:v43+s17+$0x0], $0xffff;
	v4 =	vsub.f32 v18, v4  }
0xa8: {  	v9 =	vmul.f32 v26, v59;
	v8 =	vsub.f32 $1.000000000e+00, v11;
	v20 =	vld.idx.msk [tilespmem:v44+s17+$0x0], $0xffff;
	[tilespmem:s26+$0x0] =	vst v5;
	v5 =	vcvt.s32.f32 v12  }
0xa9: {  	v13 =	vmovc v39;
	v21 =	vmul.f32 v21, v53;
	v16 =	vmovc v50;
	v57 =	vadd.s32 $0x21, v56;
	v12 =	vsub.f32 $1.000000000e+00, v4;
	v14 =	vld.idx.msk [tilespmem:v23+s17+$0x0], $0xffff  }
0xaa: {  	v35 =	vmul.f32 v35, v16;
	v17 =	vmul.f32 v17, v13;
	v7 =	vld.idx.msk [tilespmem:v22+s17+$0x0], $0xffff;
	v3 =	vsub.f32 v3, v5  }
0xab: {  	v10 =	vadd.s32 $0x22, v56;
	v5 =	vmul.f32 v12, v8;
	v49 =	vld.idx.msk [tilespmem:v37+s3+$0x0], $0xffff;
	[tilespmem:$0x1FF70] =	vst v2;
	v2 =	vmul.f32 v12, v11  }
0xac: {  	v8 =	vmul.f32 v4, v8;
	v4 =	vmul.f32 v4, v11;
	v50 =	vld.idx.msk [tilespmem:v0+s17+$0x0], $0xffff;
	v51 =	vsub.f32 $1.000000000e+00, v3  }
0xad: {  	v18 =	vadd.s32 $0x442, v56;
	v15 =	vmovc v41;
	v52 =	vld.idx.msk [tilespmem:v56+s3+$0x0], $0xffff;
	v62 =	vmul.f32 v5, v3;
	v6 =	vmul.f32 v2, v3  }
0xae: {  	v41 =	vadd.s32 $0x441, v56;
	v26 =	vld.idx.msk [tilespmem:v25+s17+$0x0], $0xffff;
	v12 =	vmovc v36;
	v59 =	vmul.f32 v8, v3;
	v36 =	vmul.f32 v5, v51  }
0xaf: {  	v11 =	vmov v37;
	v5 =	vld.idx.msk [tilespmem:v57+s3+$0x0], $0xffff;
	[tilespmem:$0x1FF50] =	vst v6;
	v14 =	vmul.f32 v14, v27;
	v7 =	vmul.f32 v7, v28  }
0xb0: {  	v39 =	vmul.f32 v2, v51;
	v2 =	vadd.f32 v21, v9;
	v21 =	vmul.f32 v38, v12;
	v38 =	vld.idx.msk [tilespmem:v30+s17+$0x0], $0xffff  }
0xb1: {  	v60 =	vmul.f32 v8, v51;
	v53 =	vld.idx.msk [tilespmem:v10+s3+$0x0], $0xffff;
	v7 =	vadd.f32 v7, v14;
	v14 =	vmul.f32 v50, v29  }
0xb2: {  	v8 =	vmul.f32 v20, v15;
	v37 =	vmul.f32 v4, v51;
	v2 =	vadd.f32 v21, v2;
	v21 =	vld.idx.msk [tilespmem:v32+s17+$0x0], $0xffff  }
0xb3: {  	v49 =	vmul.f32 v62, v49;
	v50 =	vld.idx.msk [tilespmem:v40+s17+$0x0], $0xffff;
	v20 =	vmul.f32 v26, v31;
	v7 =	vadd.f32 v14, v7  }
0xb4: {  	s13 =	simm.s32 $0x1A9D0;
	v52 =	vmul.f32 v36, v52;
	v2 =	vadd.f32 v17, v2;
	v17 =	vmov v54;
	v54 =	vld.idx.msk [tilespmem:v47+s17+$0x0], $0xffff;
	[tilespmem:$0x1FF80] =	vst v59  }
0xb5: {  	s14 =	simm.s32 $0x1ADD0;
	v9 =	vadd.s32 $0x462, v56;
	v14 =	vmovc v56;
	v56 =	vld [tilespmem:s13+$0x0];
	[tilespmem:$0x1FFA0] =	vst v37;
	v7 =	vadd.f32 v20, v7;
	v38 =	vmul.f32 v38, v1  }
0xb6: {  	s19 =	simm.s32 $0x1A5D0;
	v26 =	vadd.f32 v49, v52;
	v33 =	vmul.f32 v33, v17;
	v5 =	vmul.f32 v39, v5;
	v49 =	vld [tilespmem:s14+$0x0];
	[tilespmem:$0x1FEC0] =	vst v17  }
0xb7: {  	v2 =	vadd.f32 v8, v2;
	v21 =	vmul.f32 v21, v34;
	v8 =	vld [tilespmem:s19+$0x0];
	v7 =	vadd.f32 v38, v7  }
0xb8: {  	v51 =	vmul.f32 v6, v53;
	v6 =	vmul.f32 v4, v3  }
0xb9: {  	v20 =	vmovc v57;
	v57 =	vmul.f32 v50, v48;
	v5 =	vadd.f32 v26, v5;
	v7 =	vadd.f32 v21, v7  }
0xba: {  	v19 =	vmovc v16;
	v16 =	vadd.s32 $0x463, v14;
	v52 =	vld.idx.msk [tilespmem:v41+s3+$0x0], $0xffff;
	v26 =	vmul.f32 v54, v55;
	v50 =	vmul.f32 $3.199996760e+01, v56  }
0xbb: {  	v5 =	vadd.f32 v5, v51;
	v51 =	vld.idx.msk [tilespmem:v61+s17+$0x0], $0xffff;
	v49 =	vmul.f32 $3.199996760e+01, v49;
	v7 =	vadd.f32 v57, v7  }
0xbc: {  	v2 =	vadd.f32 v35, v2;
	v8 =	vmul.f32 $3.199996760e+01, v8;
	v21 =	vtrunc.f32 v50  }
0xbd: {  	v56 =	vtrunc.f32 v49;
	v21 =	vcvt.f32.s32 v21;
	v7 =	vadd.f32 v26, v7  }
0xbe: {  	s15 =	simm.s32 $0x1C1B0;
	v2 =	vadd.f32 v33, v2;
	v57 =	vtrunc.f32 v8;
	v35 =	vcvt.f32.s32 v56  }
0xbf: {  	v54 =	vld.idx.msk [tilespmem:v9+s3+$0x0], $0xffff;
	v38 =	vcvt.f32.s32 v57;
	vm10 =	vgt.s32 v21, $0x0;
	[tilespmem:s15+$0x0] =	vst v7;
	v7 =	vmul.f32 v60, v52  }
0xc0: {  	vm11 =	vgt.s32 v35, $0x0;
	v21 =	vnsel vm10, $0x0, v21;
	v3 =	vld.idx.msk [tilespmem:v23+s18+$0x0], $0xffff;
	v23 =	vmul.f32 v51, v58  }
0xc1: {  	v53 =	vld.idx.msk [tilespmem:v18+s3+$0x0], $0xffff;
	vm12 =	vgt.s32 v38, $0x0;
	v26 =	vnsel vm11, $0x0, v35;
	v35 =	vmin.u32 v21, $0x1F  }
0xc2: {  	v56 =	vld.idx.msk [tilespmem:v16+s3+$0x0], $0xffff;
	[tilespmem:$0x1FED0] =	vst v58;
	v21 =	vnsel vm12, $0x0, v38;
	v38 =	vmin.u32 v26, $0x1F;
	v26 =	vmul.u32 $0x21, v35  }
0xc3: {  	v17 =	vmovc v61;
	v5 =	vadd.f32 v5, v7;
	v7 =	vld.idx.msk [tilespmem:v22+s18+$0x0], $0xffff;
	v52 =	vmin.u32 v21, $0x1F;
	v61 =	vmul.u32 $0x441, v38  }
0xc4: {  	v51 =	vmul.f32 v37, v54;
	v0 =	vld.idx.msk [tilespmem:v0+s18+$0x0], $0xffff;
	v58 =	vcvt.s32.f32 v38;
	v4 =	vadd.s32 v52, v26  }
0xc5: {  	v30 =	vld.idx.msk [tilespmem:v30+s18+$0x0], $0xffff;
	v2 =	vadd.f32 v23, v2;
	v26 =	vadd.s32 v61, v4;
	v4 =	vcvt.s32.f32 v35  }
0xc6: {  	v23 =	vcvt.s32.f32 v52;
	v35 =	vmul.f32 v59, v53;
	v49 =	vsub.f32 v49, v58  }
0xc7: {  	v38 =	vld.idx.msk [tilespmem:v25+s18+$0x0], $0xffff;
	v3 =	vmul.f32 v3, v27;
	v22 =	vadd.s32 $0x1, v26;
	v4 =	vsub.f32 v50, v4  }
0xc8: {  	v61 =	vld.idx.msk [tilespmem:v32+s18+$0x0], $0xffff;
	v8 =	vsub.f32 v8, v23;
	v25 =	vadd.s32 $0x21, v26;
	v7 =	vmul.f32 v7, v28  }
0xc9: {  	v58 =	vld [tilespmem:s13+$0xFFFFFFF0];
	v23 =	vadd.s32 $0x22, v26;
	v37 =	vsub.f32 $1.000000000e+00, v49;
	v54 =	vsub.f32 $1.000000000e+00, v4  }
0xca: {  	v0 =	vmul.f32 v0, v29;
	v1 =	vmul.f32 v30, v1;
	v3 =	vadd.f32 v7, v3;
	v7 =	vld [tilespmem:s14+$0xFFFFFFF0]  }
0xcb: {  	[tilespmem:s25+$0xFFFFFFF0] =	vst v2;
	v27 =	vadd.s32 $0x441, v26;
	v57 =	vsub.f32 $1.000000000e+00, v8;
	v53 =	vld.idx.msk [tilespmem:v26+s3+$0x0], $0xffff;
	v29 =	vmul.f32 v37, v54  }
0xcc: {  	v50 =	vmul.f32 v56, v6;
	v5 =	vadd.f32 v5, v35;
	v3 =	vadd.f32 v0, v3;
	v28 =	vld.idx.msk [tilespmem:v22+s3+$0x0], $0xffff  }
0xcd: {  	v0 =	vld.idx.msk [tilespmem:v24+s18+$0x0], $0xffff;
	v32 =	vmul.f32 v29, v57;
	v33 =	vmul.f32 v29, v8;
	v29 =	vadd.s32 $0x442, v26  }
0xce: {  	v61 =	vmul.f32 v61, v34;
	v34 =	vmul.f32 v37, v4;
	v30 =	vld.idx.msk [tilespmem:v25+s3+$0x0], $0xffff  }
0xcf: {  	v59 =	vmul.f32 v38, v31;
	v5 =	vadd.f32 v5, v51;
	v4 =	vmul.f32 v49, v4;
	v38 =	vld.idx.msk [tilespmem:v23+s3+$0x0], $0xffff  }
0xd0: {  	v35 =	vadd.s32 $0x462, v26;
	v51 =	vmul.f32 v49, v54;
	v49 =	vld.idx.msk [tilespmem:v27+s3+$0x0], $0xffff;
	v31 =	vmul.f32 v34, v57  }
0xd1: {  	v5 =	vadd.f32 v5, v50;
	v50 =	vld [tilespmem:s19+$0xFFFFFFF0];
	v56 =	vmul.f32 v32, v53;
	v28 =	vmul.f32 v33, v28  }
0xd2: {  	v34 =	vmul.f32 v34, v8;
	v54 =	vld.idx.msk [tilespmem:v29+s3+$0x0], $0xffff;
	[tilespmem:$0x1FFC0] =	vst v0  }
0xd3: {  	v53 =	vmul.f32 $3.199996760e+01, v58;
	v2 =	vadd.f32 v28, v56;
	v28 =	vmul.f32 v31, v30;
	v0 =	vld.idx.msk [tilespmem:v63+s18+$0x0], $0xffff  }
0xd4: {  	v58 =	vmul.f32 v34, v38;
	v38 =	vmul.f32 v51, v57  }
0xd5: {  	v24 =	vmul.f32 v4, v8;
	v37 =	vtrunc.f32 v53;
	v2 =	vadd.f32 v2, v28  }
0xd6: {  	v30 =	vmul.f32 v51, v8;
	v8 =	vmul.f32 v38, v49;
	v51 =	vld.idx.msk [tilespmem:v35+s3+$0x0], $0xffff  }
0xd7: {  	v56 =	vld.idx.msk [tilespmem:v47+s18+$0x0], $0xffff;
	v28 =	vmul.f32 v4, v57;
	v4 =	vmul.f32 $3.199996760e+01, v7;
	v2 =	vadd.f32 v2, v58  }
0xd8: {  	v3 =	vadd.f32 v59, v3;
	v37 =	vcvt.f32.s32 v37;
	v7 =	vld.idx.msk [tilespmem:v40+s18+$0x0], $0xffff;
	v40 =	vadd.s32 $0x463, v26;
	[tilespmem:$0x1FFE0] =	vst v0  }
0xd9: {  	v57 =	vmul.f32 $3.199996760e+01, v50;
	v52 =	vtrunc.f32 v4;
	v2 =	vadd.f32 v2, v8;
	v8 =	vld.idx.msk [tilespmem:v42+s18+$0x0], $0xffff  }
0xda: {  	v1 =	vadd.f32 v1, v3;
	v3 =	vcvt.f32.s32 v52;
	v0 =	vmul.f32 v30, v54  }
0xdb: {  	vm13 =	vgt.s32 v37, $0x0;
	v54 =	vtrunc.f32 v57  }
0xdc: {  	vm14 =	vgt.s32 v3, $0x0;
	v2 =	vadd.f32 v2, v0;
	v0 =	vcvt.f32.s32 v54  }
0xdd: {  	v59 =	vnsel vm13, $0x0, v37;
	v50 =	vld.idx.msk [tilespmem:v43+s18+$0x0], $0xffff;
	v3 =	vnsel vm14, $0x0, v3  }
0xde: {  	v58 =	vld.idx.msk [tilespmem:v40+s3+$0x0], $0xffff;
	v42 =	vmin.u32 v59, $0x1F;
	v3 =	vmin.u32 v3, $0x1F;
	vm15 =	vgt.s32 v0, $0x0;
	[tilespmem:$0x1FEE0] =	vst v8  }
0xdf: {  	v8 =	vcvt.s32.f32 v42;
	v42 =	vmul.u32 $0x21, v42;
	[tilespmem:s26+$0xFFFFFFF0] =	vst v5;
	v5 =	vnsel vm15, $0x0, v0  }
0xe0: {  	v49 =	vmovc v36;
	v36 =	vcvt.s32.f32 v3;
	v3 =	vmul.u32 $0x441, v3;
	v5 =	vmin.u32 v5, $0x1F  }
0xe1: {  	v63 =	vmul.f32 v28, v51;
	v51 =	vld.idx.msk [tilespmem:v44+s18+$0x0], $0xffff;
	v42 =	vadd.s32 v5, v42  }
0xe2: {  	v54 =	vadd.s32 v3, v42;
	v3 =	vld.idx.msk [tilespmem:v46+s18+$0x0], $0xffff  }
0xe3: {  	v52 =	vld.idx.msk [tilespmem:v45+s18+$0x0], $0xffff  }
0xe4: {  	v44 =	vld.idx.msk [tilespmem:v14+s17+$0x0], $0xffff  }
0xe5: {  	v2 =	vadd.f32 v2, v63;
	v43 =	vmul.f32 v58, v24;
	v0 =	vld.idx.msk [tilespmem:v11+s17+$0x0], $0xffff  }
0xe6: {  	v45 =	vld.idx.msk [tilespmem:v20+s17+$0x0], $0xffff;
	[tilespmem:$0x1FF00] =	vst v10  }
0xe7: {  	v2 =	vadd.f32 v2, v43;
	[tilespmem:$0x1FEF0] =	vst v3  }
0xe8: {  	s24 =	simm.s32 $0x1BDD0;
	v4 =	vsub.f32 v4, v36;
	v36 =	vld.idx.msk [tilespmem:v10+s17+$0x0], $0xffff;
	[tilespmem:$0x1FF10] =	vst v41  }
0xe9: {  	[tilespmem:s24+$0x0] =	vst v2  }
0xea: {  	v63 =	vld.idx.msk [tilespmem:v41+s17+$0x0], $0xffff;
	[tilespmem:$0x1FF20] =	vst v18  }
0xeb: {  	v2 =	vld.idx.msk [tilespmem:v18+s17+$0x0], $0xffff  }
0xec: {  	v8 =	vsub.f32 v53, v8  }
0xed: {  	v1 =	vadd.f32 v61, v1;
	v7 =	vmul.f32 v7, v48  }
0xee: {  	v37 =	vsub.f32 $1.000000000e+00, v4;
	v42 =	vsub.f32 $1.000000000e+00, v8;
	v47 =	vadd.s32 $0x1, v54  }
0xef: {  	v55 =	vmul.f32 v56, v55;
	v3 =	vcvt.s32.f32 v5  }
0xf0: {  	v53 =	vadd.f32 v7, v1;
	v7 =	vmul.f32 v37, v8;
	v61 =	vmul.f32 v37, v42;
	v5 =	vld [tilespmem:$0x1FF50];
	[tilespmem:$0x1FF90] =	vst v2  }
0xf1: {  	v42 =	vmul.f32 v4, v42;
	v3 =	vsub.f32 v57, v3;
	v37 =	vld.idx.msk [tilespmem:v26+s17+$0x0], $0xffff;
	[tilespmem:$0x1FF30] =	vst v62  }
0xf2: {  	v48 =	vadd.s32 $0x21, v54;
	v44 =	vmul.f32 v44, v49;
	v41 =	vmul.f32 v0, v62;
	v0 =	vld.idx.msk [tilespmem:v22+s17+$0x0], $0xffff  }
0xf3: {  	v4 =	vmul.f32 v4, v8;
	v57 =	vsub.f32 $1.000000000e+00, v3;
	v10 =	vmul.f32 v61, v3;
	v8 =	vld.idx.msk [tilespmem:v47+s3+$0x0], $0xffff  }
0xf4: {  	v44 =	vadd.f32 v41, v44;
	v59 =	vmul.f32 v7, v3;
	v41 =	vadd.f32 v55, v53;
	v1 =	vld.idx.msk [tilespmem:v25+s17+$0x0], $0xffff  }
0xf5: {  	v46 =	vadd.s32 $0x22, v54;
	v55 =	vmul.f32 v42, v3;
	v62 =	vmul.f32 v61, v57;
	v2 =	vld.idx.msk [tilespmem:v54+s3+$0x0], $0xffff;
	[tilespmem:$0x1FF40] =	vst v9  }
0xf6: {  	v61 =	vmul.f32 v7, v57;
	v7 =	vmul.f32 v45, v39;
	v9 =	vld.idx.msk [tilespmem:v9+s17+$0x0], $0xffff  }
0xf7: {  	v43 =	vld.idx.msk [tilespmem:v23+s17+$0x0], $0xffff;
	v53 =	vmul.f32 v37, v32;
	v0 =	vmul.f32 v0, v33  }
0xf8: {  	v58 =	vmul.f32 v42, v57;
	v36 =	vmul.f32 v36, v5;
	v7 =	vadd.f32 v7, v44;
	v42 =	vld.idx.msk [tilespmem:v27+s17+$0x0], $0xffff  }
0xf9: {  	v37 =	vmov v5;
	v5 =	vld.idx.msk [tilespmem:v48+s3+$0x0], $0xffff;
	v1 =	vmul.f32 v1, v31;
	v0 =	vadd.f32 v0, v53  }
0xfa: {  	v7 =	vadd.f32 v36, v7;
	v53 =	vmul.f32 v63, v60;
	v63 =	vld.idx.msk [tilespmem:v46+s3+$0x0], $0xffff  }
0xfb: {  	v0 =	vadd.f32 v1, v0;
	v1 =	vld.idx.msk [tilespmem:v29+s17+$0x0], $0xffff;
	[tilespmem:$0x1FF60] =	vst v16  }
0xfc: {  	v56 =	vmul.f32 v4, v57;
	v57 =	vmul.f32 v4, v3;
	v3 =	vadd.f32 v53, v7;
	v7 =	vld.idx.msk [tilespmem:v16+s17+$0x0], $0xffff;
	_ =	sdelay $0x4  }
0xfd: {  	[tilespmem:$0x1FFF0] =	vst v7;
	v7 =	vld [tilespmem:$0x1FF70];
	_ =	sdelay $0x3  }
0xfe: {  	s16 =	simm.s32 $0x1C590;
	v8 =	vmul.f32 v10, v8  }
0xff: {  	v2 =	vmul.f32 v62, v2;
	v4 =	vmul.f32 v43, v34;
	[tilespmem:s16+$0x0] =	vst v7  }
0x100: {  	v7 =	vld [tilespmem:$0x1FF80]  }
0x101: {  	s0 =	simm.s32 $0x1C5B0;
	v2 =	vadd.f32 v8, v2;
	v0 =	vadd.f32 v4, v0;
	v4 =	vmul.f32 v42, v38;
	v8 =	vld [tilespmem:$0x1FF90]  }
0x102: {  	[tilespmem:s0+$0x0] =	vst v41  }
0x103: {  	v0 =	vadd.f32 v4, v0;
	v4 =	vld [tilespmem:$0x1FFA0];
	_ =	sdelay $0x2  }
0x104: {  	v8 =	vmul.f32 v8, v7  }
0x105: {  	v45 =	vadd.s32 $0x441, v54;
	v53 =	vmov v7;
	v7 =	vld [tilespmem:$0x1FFB0]  }
0x106: {  	v3 =	vadd.f32 v8, v3;
	v8 =	vmul.f32 v9, v4;
	v9 =	vld [tilespmem:$0x1FFC0];
	_ =	sdelay $0x1  }
0x107: {  	v5 =	vmul.f32 v61, v5;
	_ =	sdelay $0x1  }
0x108: {  	v21 =	vmov v60;
	v2 =	vadd.f32 v2, v5;
	v5 =	vmul.f32 v59, v63;
	v60 =	vld.idx.msk [tilespmem:v45+s3+$0x0], $0xffff  }
0x109: {  	v43 =	vadd.s32 $0x462, v54;
	v1 =	vmul.f32 v1, v30;
	v63 =	vmul.f32 v9, v7;
	v7 =	vld [tilespmem:$0x1FFD0]  }
0x10a: {  	v9 =	vld [tilespmem:$0x1FFE0]  }
0x10b: {  	v44 =	vadd.s32 $0x442, v54;
	v3 =	vadd.f32 v8, v3;
	v8 =	vadd.f32 v1, v0;
	v0 =	vld [tilespmem:$0x1FFF0]  }
0x10c: {  	v18 =	vmov v39;
	v42 =	vadd.s32 $0x463, v54;
	v39 =	vld.idx.msk [tilespmem:v35+s17+$0x0], $0xffff  }
0x10d: {  	v36 =	vadd.f32 v2, v5;
	v2 =	vld.idx.msk [tilespmem:v40+s17+$0x0], $0xffff  }
0x10e: {  	v5 =	vld.idx.msk [tilespmem:v43+s3+$0x0], $0xffff  }
0x10f: {  	v41 =	vld.idx.msk [tilespmem:v17+s18+$0x0], $0xffff;
	v7 =	vmul.f32 v9, v7  }
0x110: {  	s22 =	sor.u32 s8, s12;
	s20 =	sor.u32 s10, s12;
	s23 =	simm.s32 $0x1C5B0;
	v17 =	vmov v6;
	v16 =	vmov v4;
	v4 =	vld.idx.msk [tilespmem:v44+s3+$0x0], $0xffff;
	v1 =	vmul.f32 v0, v6  }
0x111: {  	s25 =	simm.s32 $0x4;
	s19 =	sor.u32 s11, s12;
	s26 =	simm.s32 $0x1A5F0;
	v60 =	vmul.f32 v58, v60;
	v39 =	vmul.f32 v39, v28;
	v0 =	vadd.f32 v7, v63;
	v7 =	vld.idx.msk [tilespmem:v42+s3+$0x0], $0xffff  }
.LBB2_3:
0x112: {  	v1 =	vadd.f32 v1, v3;
	_ =	sdelay $0x1  }
0x113: {  	[tilespmem:s15+$0xFFFFFFF0] =	vst v1;
	v1 =	vld [tilespmem:$0x1FEE0];
	_ =	sdelay $0x1  }
0x114: {  	v8 =	vadd.f32 v39, v8;
	v2 =	vmul.f32 v2, v24  }
0x115: {  	v9 =	vld [tilespmem:s26+$0x0];
	s13 =	sadd.s32 $0x20, s13;
	v63 =	vmul.f32 v50, v12  }
0x116: {  	s14 =	sadd.s32 $0x20, s14;
	v3 =	vmov v49;
	v49 =	vld [tilespmem:s13+$0x0];
	v2 =	vadd.f32 v2, v8  }
0x117: {  	[tilespmem:$0x1FE30] =	vst v3;
	v3 =	vld [tilespmem:s14+$0x0];
	s15 =	sadd.s32 $0x20, s15;
	v0 =	vadd.f32 v63, v0;
	v1 =	vmul.f32 v1, v13  }
0x118: {  	[tilespmem:s15+$0x0] =	vst v2;
	v2 =	vld [tilespmem:$0x1FEF0]  }
0x119: {  	v0 =	vadd.f32 v1, v0;
	v1 =	vld [tilespmem:$0x1FEC0];
	_ =	sdelay $0x3  }
0x11a: {  	v60 =	vadd.f32 v36, v60;
	v4 =	vmul.f32 v55, v4  }
0x11b: {  	v63 =	vmul.f32 v2, v1;
	v1 =	vld [tilespmem:$0x1FED0]  }
0x11c: {  	v5 =	vmul.f32 v56, v5;
	v4 =	vadd.f32 v60, v4  }
0x11d: {  	v6 =	vmov v18  }
0x11e: {  	[tilespmem:$0x1FEA0] =	vst v6;
	v7 =	vmul.f32 v7, v57;
	v6 =	vadd.f32 v4, v5;
	_ =	sdelay $0x1  }
0x11f: {  	v12 =	vmov v62;
	v50 =	vld [tilespmem:s13+$0xFFFFFFF0];
	v18 =	vmul.f32 v41, v1;
	v1 =	vadd.f32 v6, v7  }
0x120: {  	[tilespmem:$0x1FE10] =	vst v12;
	v12 =	vmul.f32 v51, v15;
	v51 =	vmul.f32 v52, v19;
	v52 =	vld [tilespmem:s26+$0xFFFFFFF0]  }
0x121: {  	v8 =	vld [tilespmem:s14+$0xFFFFFFF0];
	[tilespmem:s24+$0xFFFFFFF0] =	vst v1  }
0x122: {  	v1 =	vld.idx.msk [tilespmem:v14+s18+$0x0], $0xffff  }
0x123: {  	v4 =	vmov v37  }
0x124: {  	v9 =	vmul.f32 $3.199996760e+01, v9;
	v5 =	vmov v53;
	[tilespmem:$0x1FE50] =	vst v4;
	v4 =	vld.idx.msk [tilespmem:v22+s18+$0x0], $0xffff  }
0x125: {  	[tilespmem:$0x1FE20] =	vst v5;
	v2 =	vld.idx.msk [tilespmem:v26+s18+$0x0], $0xffff;
	v6 =	vmov v17  }
0x126: {  	v62 =	vmul.f32 $3.199996760e+01, v49;
	v5 =	vtrunc.f32 v9;
	[tilespmem:$0x1FED0] =	vst v6;
	v6 =	vld [tilespmem:$0x1FF00]  }
0x127: {  	v3 =	vmul.f32 $3.199996760e+01, v3;
	v5 =	vcvt.f32.s32 v5;
	v22 =	vld.idx.msk [tilespmem:v25+s18+$0x0], $0xffff;
	[tilespmem:$0x1FE40] =	vst v1;
	v1 =	vmov v16  }
0x128: {  	v36 =	vmov v55;
	v55 =	vmul.f32 $3.199996760e+01, v8;
	[tilespmem:$0x1FEC0] =	vst v1;
	v1 =	vtrunc.f32 v62  }
0x129: {  	vm1 =	vgt.s32 v5, $0x0;
	v7 =	vtrunc.f32 v3;
	v1 =	vcvt.f32.s32 v1  }
0x12a: {  	v8 =	vld.idx.msk [tilespmem:v23+s18+$0x0], $0xffff;
	v0 =	vadd.f32 v12, v0;
	v5 =	vnsel vm1, $0x0, v5;
	v7 =	vcvt.f32.s32 v7  }
0x12b: {  	v23 =	vld.idx.msk [tilespmem:v27+s18+$0x0], $0xffff;
	v4 =	vmul.f32 v4, v33;
	v2 =	vmul.f32 v2, v32;
	vm2 =	vgt.s32 v1, $0x0  }
0x12c: {  	v22 =	vmul.f32 v22, v31;
	vm0 =	vgt.s32 v7, $0x0;
	v1 =	vnsel vm2, $0x0, v1  }
0x12d: {  	v27 =	vld.idx.msk [tilespmem:v29+s18+$0x0], $0xffff;
	v2 =	vadd.f32 v4, v2;
	v7 =	vnsel vm0, $0x0, v7;
	v25 =	vmin.u32 v1, $0x1F  }
0x12e: {  	v5 =	vmin.u32 v5, $0x1F;
	v7 =	vmin.u32 v7, $0x1F;
	v6 =	vld.idx.msk [tilespmem:v6+s18+$0x0], $0xffff;
	v26 =	vmul.u32 $0x21, v25  }
0x12f: {  	v8 =	vmul.f32 v8, v34;
	v49 =	vadd.f32 v22, v2;
	v31 =	vmul.u32 $0x441, v7  }
0x130: {  	v13 =	vmovc v54;
	v0 =	vadd.f32 v51, v0;
	v23 =	vmul.f32 v23, v38;
	v26 =	vadd.s32 v5, v26  }
0x131: {  	v12 =	vmovc v56;
	v56 =	vld.idx.msk [tilespmem:v54+s17+$0x0], $0xffff;
	v54 =	vmul.f32 $3.199996760e+01, v50;
	v8 =	vadd.f32 v8, v49;
	v26 =	vadd.s32 v31, v26  }
0x132: {  	v53 =	vcvt.s32.f32 v7;
	v51 =	vcvt.s32.f32 v25;
	v22 =	vadd.s32 $0x1, v26  }
0x133: {  	v27 =	vmul.f32 v27, v30;
	v38 =	vadd.f32 v23, v8;
	[tilespmem:$0x1FEE0] =	vst v6;
	v6 =	vmov v46;
	v31 =	vld.idx.msk [tilespmem:v40+s18+$0x0], $0xffff  }
0x134: {  	v29 =	vtrunc.f32 v54;
	v41 =	vsub.f32 v3, v53;
	[tilespmem:$0x1FF00] =	vst v6;
	v6 =	vld [tilespmem:$0x1FF10];
	v30 =	vsub.f32 v62, v51  }
0x135: {  	v3 =	vadd.f32 v27, v38;
	v38 =	vcvt.f32.s32 v29  }
0x136: {  	v29 =	vsub.f32 $1.000000000e+00, v41;
	v5 =	vcvt.s32.f32 v5;
	v51 =	vsub.f32 $1.000000000e+00, v30  }
0x137: {  	v62 =	vld.idx.msk [tilespmem:v22+s3+$0x0], $0xffff  }
0x138: {  	v9 =	vsub.f32 v9, v5;
	v24 =	vmul.f32 v31, v24;
	v31 =	vmul.f32 v29, v51;
	_ =	sdelay $0x1  }
0x139: {  	v4 =	vld.idx.msk [tilespmem:v46+s17+$0x0], $0xffff;
	v33 =	vmul.f32 v31, v9  }
0x13a: {  	v50 =	vld.idx.msk [tilespmem:v35+s18+$0x0], $0xffff  }
0x13b: {  	v46 =	vmul.f32 v33, v62;
	v62 =	vmul.f32 v41, v51;
	v51 =	vld.idx.msk [tilespmem:v6+s18+$0x0], $0xffff;
	v6 =	vmov v45  }
0x13c: {  	[tilespmem:$0x1FF10] =	vst v6;
	v6 =	vld [tilespmem:$0x1FF20];
	_ =	sdelay $0x4  }
0x13d: {  	v28 =	vmul.f32 v50, v28;
	_ =	sdelay $0x1  }
0x13e: {  	v28 =	vadd.f32 v28, v3;
	v3 =	vld.idx.msk [tilespmem:v11+s18+$0x0], $0xffff  }
0x13f: {  	v39 =	vmov v58;
	v58 =	vmul.f32 $3.199996760e+01, v52;
	v52 =	vld.idx.msk [tilespmem:v6+s18+$0x0], $0xffff;
	v6 =	vmov v44  }
0x140: {  	[tilespmem:$0x1FF20] =	vst v6;
	v6 =	vld [tilespmem:$0x1FF40];
	_ =	sdelay $0x3  }
0x141: {  	v19 =	vmov v57;
	v57 =	vld.idx.msk [tilespmem:v47+s17+$0x0], $0xffff;
	v25 =	vadd.s32 $0x21, v26  }
0x142: {  	v0 =	vadd.f32 v63, v0;
	v1 =	vld.idx.msk [tilespmem:v48+s17+$0x0], $0xffff;
	[tilespmem:$0x1FE60] =	vst v3;
	v3 =	vmov v47  }
0x143: {  	[tilespmem:$0x1FE80] =	vst v3;
	v3 =	vld.idx.msk [tilespmem:v20+s18+$0x0], $0xffff  }
0x144: {  	v60 =	vmovc v61;
	v37 =	vmovc v59;
	v34 =	vtrunc.f32 v55;
	v0 =	vadd.f32 v18, v0;
	v23 =	vadd.s32 $0x22, v26;
	v61 =	vld.idx.msk [tilespmem:v26+s3+$0x0], $0xffff  }
0x145: {  	v4 =	vmul.f32 v4, v37;
	v27 =	vadd.s32 $0x441, v26;
	v59 =	vsub.f32 $1.000000000e+00, v9;
	v6 =	vld.idx.msk [tilespmem:v6+s18+$0x0], $0xffff  }
0x146: {  	vm13 =	vgt.s32 v38, $0x0;
	v47 =	vcvt.f32.s32 v34;
	v34 =	vmul.f32 v29, v30;
	v53 =	vld.idx.msk [tilespmem:v25+s3+$0x0], $0xffff  }
0x147: {  	v29 =	vadd.s32 $0x442, v26;
	v24 =	vadd.f32 v24, v28;
	v32 =	vmul.f32 v31, v59  }
0x148: {  	s0 =	sadd.s32 $0x20, s0;
	v2 =	vld.idx.msk [tilespmem:v45+s17+$0x0], $0xffff;
	v50 =	vnsel vm13, $0x0, v38;
	v35 =	vadd.s32 $0x462, v26;
	vm14 =	vgt.s32 v47, $0x0;
	[tilespmem:$0x1FE70] =	vst v3  }
0x149: {  	v47 =	vnsel vm14, $0x0, v47;
	v28 =	vld.idx.msk [tilespmem:v23+s3+$0x0], $0xffff;
	v31 =	vmul.f32 v34, v59;
	[tilespmem:s0+$0x0] =	vst v24;
	v24 =	vmul.f32 v32, v61  }
0x14a: {  	v40 =	vadd.s32 $0x463, v26;
	v1 =	vmul.f32 v1, v60;
	v47 =	vmin.u32 v47, $0x1F;
	v61 =	vld.idx.msk [tilespmem:v27+s3+$0x0], $0xffff;
	[tilespmem:$0x1FEF0] =	vst v6;
	v6 =	vmovc v43  }
0x14b: {  	v3 =	vmovc v48;
	v48 =	vtrunc.f32 v58;
	v49 =	vmul.f32 v31, v53;
	v24 =	vadd.f32 v46, v24;
	[tilespmem:$0x1FF40] =	vst v6;
	v6 =	vld [tilespmem:$0x1FF60]  }
0x14c: {  	v48 =	vcvt.f32.s32 v48;
	v34 =	vmul.f32 v34, v9;
	v45 =	vmin.u32 v50, $0x1F;
	v46 =	vld.idx.msk [tilespmem:v29+s3+$0x0], $0xffff  }
0x14d: {  	v50 =	vmovc v10;
	v10 =	vmul.f32 v41, v30;
	v38 =	vmul.f32 v62, v59;
	v24 =	vadd.f32 v24, v49;
	v49 =	vld [tilespmem:$0x1FE10]  }
0x14e: {  	v7 =	vld.idx.msk [tilespmem:v44+s17+$0x0], $0xffff;
	vm15 =	vgt.s32 v48, $0x0;
	v30 =	vmul.f32 v62, v9;
	v62 =	vcvt.s32.f32 v45  }
0x14f: {  	v8 =	vld.idx.msk [tilespmem:v42+s17+$0x0], $0xffff;
	v48 =	vnsel vm15, $0x0, v48;
	v28 =	vmul.f32 v34, v28;
	v14 =	vmul.f32 v57, v50  }
0x150: {  	[tilespmem:$0x1FFA0] =	vst v12;
	v45 =	vmul.u32 $0x21, v45;
	v53 =	vmul.f32 v38, v61;
	v12 =	vsub.f32 v54, v62;
	v44 =	vld.idx.msk [tilespmem:v35+s3+$0x0], $0xffff  }
0x151: {  	v5 =	vld.idx.msk [tilespmem:v43+s17+$0x0], $0xffff;
	v24 =	vadd.f32 v24, v28;
	v28 =	vmul.f32 v10, v59;
	v59 =	vmin.u32 v48, $0x1F  }
0x152: {  	v61 =	vld.idx.msk [tilespmem:v40+s3+$0x0], $0xffff;
	v54 =	vadd.s32 v59, v45;
	v11 =	vmul.f32 v56, v49;
	v43 =	vmul.f32 v30, v46  }
0x153: {  	v41 =	vld.idx.msk [tilespmem:v6+s18+$0x0], $0xffff;
	v6 =	vmovc v42;
	v42 =	vadd.f32 v24, v53;
	v53 =	vcvt.s32.f32 v47;
	v47 =	vmul.u32 $0x441, v47  }
0x154: {  	v59 =	vcvt.s32.f32 v59;
	v11 =	vadd.f32 v14, v11;
	v24 =	vmul.f32 v10, v9  }
0x155: {  	v10 =	vmul.f32 v28, v44;
	v9 =	vadd.f32 v42, v43;
	v54 =	vadd.s32 v47, v54  }
0x156: {  	[tilespmem:$0x1FE90] =	vst v13;
	v13 =	vsub.f32 v58, v59;
	v1 =	vadd.f32 v1, v11;
	v47 =	vadd.s32 $0x1, v54  }
0x157: {  	v55 =	vsub.f32 v55, v53;
	v9 =	vadd.f32 v9, v10;
	v10 =	vmul.f32 v61, v24  }
0x158: {  	v17 =	vmovc v19;
	v18 =	vmovc v60;
	v60 =	vadd.f32 v4, v1;
	v1 =	vmul.f32 v8, v19;
	v19 =	vld [tilespmem:$0x1FE20];
	v61 =	vsub.f32 $1.000000000e+00, v12  }
0x159: {  	v7 =	vmul.f32 v7, v36;
	v62 =	vsub.f32 $1.000000000e+00, v55;
	v53 =	vmovc v36;
	v36 =	vld [tilespmem:$0x1FFA0];
	v9 =	vadd.f32 v9, v10  }
0x15a: {  	s24 =	sadd.s32 $0x20, s24;
	v16 =	vsub.f32 $1.000000000e+00, v13;
	[tilespmem:$0x1FF60] =	vst v6;
	v63 =	vld.idx.msk [tilespmem:v54+s3+$0x0], $0xffff  }
0x15b: {  	v48 =	vadd.s32 $0x21, v54;
	v10 =	vmul.f32 v62, v61;
	v59 =	vmul.f32 v62, v12;
	[tilespmem:s24+$0x0] =	vst v9;
	v6 =	vld.idx.msk [tilespmem:v47+s3+$0x0], $0xffff  }
0x15c: {  	v15 =	vmov v21;
	v12 =	vmul.f32 v55, v12;
	v9 =	vmul.f32 v55, v61;
	v20 =	vld.idx.msk [tilespmem:v26+s17+$0x0], $0xffff  }
0x15d: {  	[tilespmem:$0x1FEB0] =	vst v15;
	v15 =	vmul.f32 v10, v13;
	v62 =	vmul.f32 v10, v16;
	v10 =	vld.idx.msk [tilespmem:v22+s17+$0x0], $0xffff  }
0x15e: {  	v44 =	vadd.s32 $0x442, v54;
	v56 =	vmul.f32 v12, v16;
	v57 =	vmul.f32 v12, v13;
	v12 =	vld.idx.msk [tilespmem:v23+s17+$0x0], $0xffff  }
0x15f: {  	v46 =	vadd.s32 $0x22, v54;
	v58 =	vmul.f32 v9, v16;
	v55 =	vmul.f32 v9, v13;
	v9 =	vld.idx.msk [tilespmem:v25+s17+$0x0], $0xffff  }
0x160: {  	v45 =	vadd.s32 $0x441, v54;
	v61 =	vmul.f32 v59, v16;
	v59 =	vmul.f32 v59, v13;
	v13 =	vld.idx.msk [tilespmem:v48+s3+$0x0], $0xffff  }
0x161: {  	v16 =	vld.idx.msk [tilespmem:v27+s17+$0x0], $0xffff  }
0x162: {  	v11 =	vld.idx.msk [tilespmem:v29+s17+$0x0], $0xffff;
	[tilespmem:s16+$0xFFFFFFF0] =	vst v0  }
0x163: {  	v4 =	vld.idx.msk [tilespmem:v44+s3+$0x0], $0xffff;
	v14 =	vmul.f32 v20, v32;
	v10 =	vmul.f32 v10, v33  }
0x164: {  	v0 =	vmul.f32 v15, v6;
	v6 =	vld.idx.msk [tilespmem:v46+s3+$0x0], $0xffff  }
0x165: {  	v2 =	vmul.f32 v2, v39;
	v20 =	vld.idx.msk [tilespmem:v45+s3+$0x0], $0xffff;
	v9 =	vmul.f32 v9, v31;
	v10 =	vadd.f32 v10, v14  }
0x166: {  	v42 =	vadd.s32 $0x463, v54;
	v8 =	vmul.f32 v61, v13;
	v13 =	vmul.f32 v16, v38;
	v16 =	vld [tilespmem:$0x1FE60]  }
0x167: {  	v14 =	vmul.f32 v62, v63;
	v63 =	vmul.f32 v5, v36;
	v5 =	vadd.f32 v9, v10;
	v10 =	vld.idx.msk [tilespmem:v35+s17+$0x0], $0xffff  }
0x168: {  	v9 =	vmul.f32 v12, v34;
	v12 =	vadd.f32 v2, v60;
	v2 =	vld.idx.msk [tilespmem:v40+s17+$0x0], $0xffff  }
0x169: {  	v0 =	vadd.f32 v0, v14;
	v14 =	vld [tilespmem:$0x1FE40]  }
0x16a: {  	v9 =	vadd.f32 v9, v5;
	v5 =	vld [tilespmem:$0x1FE30]  }
0x16b: {  	v43 =	vadd.s32 $0x462, v54;
	v60 =	vadd.f32 v0, v8;
	v8 =	vadd.f32 v7, v12;
	v12 =	vld [tilespmem:$0x1FF30]  }
0x16c: {  	v7 =	vld.idx.msk [tilespmem:v42+s3+$0x0], $0xffff  }
0x16d: {  	s25 =	sadd.s32 $0x2, s25;
	v9 =	vadd.f32 v13, v9;
	v13 =	vld [tilespmem:$0x1FE50]  }
0x16e: {  	p1 =	slt.u32 s25, $0x3E;
	v11 =	vmul.f32 v11, v30;
	v6 =	vmul.f32 v59, v6;
	v0 =	vmov v50;
	v50 =	vld [tilespmem:$0x1FE70]  }
.Ltmp0:
0x16f: {  	v21 =	vmovc v39;
	v39 =	vmul.f32 v10, v28;
	v10 =	vmov v15;
	v15 =	vld [tilespmem:$0x1FEB0];
	v14 =	vmul.f32 v14, v5;
	(pc) =	sbr.rel @p1 .LBB2_3-.Ltmp0, $4  }
0x170: {  	v5 =	vld.idx.msk [tilespmem:v43+s3+$0x0], $0xffff;
	v12 =	vmul.f32 v16, v12;
	v16 =	vmov v36;
	v36 =	vadd.f32 v60, v6  }
0x171: {  	v60 =	vmul.f32 v58, v20;
	v20 =	vmovc v3;
	v3 =	vadd.f32 v63, v8;
	v8 =	vadd.f32 v11, v9;
	v11 =	vld [tilespmem:$0x1FE80]  }
0x172: {  	[tilespmem:$0x1FF30] =	vst v0;
	v0 =	vadd.f32 v12, v14;
	v14 =	vld [tilespmem:$0x1FE90]  }
0x173: {  	s26 =	sadd.s32 $0x20, s26;
	s16 =	smov.u32 s23;
	s23 =	smov.u32 s0;
	v12 =	vld [tilespmem:$0x1FEA0]  }
0x174: {  	v6 =	vadd.f32 v36, v60;
	v4 =	vmul.f32 v55, v4;
	_ =	sdelay $0x1  }
0x175: {  	v5 =	vmul.f32 v56, v5;
	v4 =	vadd.f32 v6, v4;
	_ =	sdelay $0x1  }
0x176: {  	v4 =	vadd.f32 v4, v5;
	v5 =	vmul.f32 v7, v57;
	_ =	sdelay $0x1  }
0x177: {  	v4 =	vadd.f32 v4, v5;
	_ =	sdelay $0x1  }
0x178: {  	[tilespmem:s24+$0xFFFFFFF0] =	vst v4  }
0x179: {  	v4 =	vld.idx.msk [tilespmem:v54+s17+$0x0], $0xffff  }
0x17a: {  	v5 =	vld.idx.msk [tilespmem:v47+s17+$0x0], $0xffff;
	_ =	sdelay $0x1  }
0x17b: {  	v6 =	vld.idx.msk [tilespmem:v48+s17+$0x0], $0xffff;
	_ =	sdelay $0x1  }
0x17c: {  	v7 =	vld.idx.msk [tilespmem:v46+s17+$0x0], $0xffff  }
0x17d: {  	v4 =	vmul.f32 v4, v62;
	v5 =	vmul.f32 v5, v10  }
0x17e: {  	v8 =	vadd.f32 v39, v8;
	v2 =	vmul.f32 v2, v24;
	v9 =	vld.idx.msk [tilespmem:v45+s17+$0x0], $0xffff  }
0x17f: {  	v4 =	vadd.f32 v5, v4;
	v5 =	vmul.f32 v6, v61  }
0x180: {  	v2 =	vadd.f32 v2, v8;
	v6 =	vld.idx.msk [tilespmem:v44+s17+$0x0], $0xffff  }
0x181: {  	s13 =	sadd.s32 $0x20, s15;
	v4 =	vadd.f32 v5, v4;
	v5 =	vmul.f32 v7, v59  }
0x182: {  	[tilespmem:s13+$0x0] =	vst v2;
	v2 =	vld.idx.msk [tilespmem:v43+s17+$0x0], $0xffff  }
0x183: {  	v1 =	vadd.f32 v1, v3;
	v3 =	vadd.f32 v5, v4;
	v5 =	vmul.f32 v9, v58  }
0x184: {  	v7 =	vld.idx.msk [tilespmem:v42+s17+$0x0], $0xffff  }
0x185: {  	[tilespmem:s15+$0xFFFFFFF0] =	vst v1;
	v1 =	vadd.f32 v5, v3;
	v5 =	vmul.f32 v6, v55;
	_ =	sdelay $0x1  }
0x186: {  	v2 =	vmul.f32 v2, v56;
	v4 =	vld.idx.msk [tilespmem:v26+s18+$0x0], $0xffff;
	v1 =	vadd.f32 v5, v1  }
0x187: {  	v3 =	vld.idx.msk [tilespmem:v22+s18+$0x0], $0xffff  }
0x188: {  	v11 =	vld.idx.msk [tilespmem:v11+s18+$0x0], $0xffff;
	v7 =	vmul.f32 v7, v57;
	v1 =	vadd.f32 v2, v1  }
0x189: {  	v5 =	vld.idx.msk [tilespmem:v25+s18+$0x0], $0xffff  }
0x18a: {  	v8 =	vld.idx.msk [tilespmem:v23+s18+$0x0], $0xffff;
	v1 =	vadd.f32 v7, v1  }
0x18b: {  	v9 =	vld.idx.msk [tilespmem:v27+s18+$0x0], $0xffff  }
0x18c: {  	v6 =	vld.idx.msk [tilespmem:v14+s18+$0x0], $0xffff;
	v3 =	vmul.f32 v3, v33;
	[tilespmem:s13+$0xFFFFFFF0] =	vst v1;
	v1 =	vmul.f32 v4, v32  }
0x18d: {  	v14 =	vld [tilespmem:$0x1FEE0]  }
0x18e: {  	v23 =	vmov v10;
	v10 =	vld.idx.msk [tilespmem:v35+s18+$0x0], $0xffff;
	v1 =	vadd.f32 v3, v1;
	v3 =	vmul.f32 v5, v31  }
0x18f: {  	v12 =	vmul.f32 v50, v12;
	v2 =	vld.idx.msk [tilespmem:v29+s18+$0x0], $0xffff  }
0x190: {  	v1 =	vadd.f32 v3, v1;
	v3 =	vmul.f32 v8, v34;
	v8 =	vmul.f32 v9, v38;
	v9 =	vld [tilespmem:$0x1FF00]  }
0x191: {  	v7 =	vld.idx.msk [tilespmem:v40+s18+$0x0], $0xffff  }
0x192: {  	v0 =	vadd.f32 v12, v0;
	v13 =	vmul.f32 v14, v13;
	v1 =	vadd.f32 v3, v1;
	v3 =	vld [tilespmem:$0x1FF10]  }
0x193: {  	v4 =	vld.idx.msk [tilespmem:v54+s18+$0x0], $0xffff  }
0x194: {  	v0 =	vadd.f32 v13, v0;
	v13 =	vld [tilespmem:$0x1FF30]  }
0x195: {  	v12 =	vmul.f32 v52, v19;
	v19 =	vld [tilespmem:$0x1FEC0]  }
0x196: {  	v5 =	vld.idx.msk [tilespmem:v20+s18+$0x0], $0xffff  }
0x197: {  	v20 =	vld [tilespmem:$0x1FEF0]  }
0x198: {  	v9 =	vld.idx.msk [tilespmem:v9+s18+$0x0], $0xffff  }
0x199: {  	v6 =	vmul.f32 v6, v49;
	v14 =	vld.idx.msk [tilespmem:v47+s18+$0x0], $0xffff;
	v11 =	vmul.f32 v11, v13  }
0x19a: {  	v15 =	vmul.f32 v51, v15;
	v3 =	vld.idx.msk [tilespmem:v3+s18+$0x0], $0xffff  }
0x19b: {  	v5 =	vmul.f32 v5, v18;
	v1 =	vadd.f32 v8, v1;
	v8 =	vld [tilespmem:$0x1FF20];
	v6 =	vadd.f32 v11, v6  }
0x19c: {  	v2 =	vmul.f32 v2, v30;
	v22 =	vmul.f32 v20, v19;
	v20 =	vld.idx.msk [tilespmem:v48+s18+$0x0], $0xffff  }
0x19d: {  	v0 =	vadd.f32 v15, v0;
	v15 =	vld [tilespmem:$0x1FF40];
	v9 =	vmul.f32 v9, v37;
	v5 =	vadd.f32 v5, v6  }
0x19e: {  	v4 =	vmul.f32 v4, v62;
	v1 =	vadd.f32 v2, v1;
	v14 =	vmul.f32 v14, v23;
	v13 =	vld.idx.msk [tilespmem:v46+s18+$0x0], $0xffff  }
0x19f: {  	v2 =	vmul.f32 v3, v21;
	v3 =	vadd.f32 v9, v5;
	v9 =	vmul.f32 v10, v28;
	v10 =	vld [tilespmem:$0x1FF60]  }
0x1a0: {  	v11 =	vld.idx.msk [tilespmem:v45+s18+$0x0], $0xffff  }
0x1a1: {  	v19 =	vld [tilespmem:$0x1FED0];
	v4 =	vadd.f32 v14, v4;
	v14 =	vmul.f32 v20, v61  }
0x1a2: {  	v6 =	vld.idx.msk [tilespmem:v44+s18+$0x0], $0xffff  }
0x1a3: {  	v4 =	vadd.f32 v14, v4;
	v8 =	vld.idx.msk [tilespmem:v8+s18+$0x0], $0xffff;
	v13 =	vmul.f32 v13, v59  }
0x1a4: {  	v5 =	vld.idx.msk [tilespmem:v43+s18+$0x0], $0xffff  }
0x1a5: {  	v15 =	vld.idx.msk [tilespmem:v15+s18+$0x0], $0xffff;
	v11 =	vmul.f32 v11, v58;
	v4 =	vadd.f32 v13, v4  }
0x1a6: {  	v7 =	vmul.f32 v7, v24;
	v2 =	vadd.f32 v2, v3;
	v3 =	vld.idx.msk [tilespmem:v42+s18+$0x0], $0xffff  }
0x1a7: {  	v0 =	vadd.f32 v12, v0;
	v6 =	vmul.f32 v6, v55;
	v4 =	vadd.f32 v11, v4;
	v10 =	vld.idx.msk [tilespmem:v10+s18+$0x0], $0xffff  }
0x1a8: {  	v19 =	vmul.f32 v41, v19;
	v8 =	vmul.f32 v8, v53  }
0x1a9: {  	v0 =	vadd.f32 v22, v0;
	v5 =	vmul.f32 v5, v56;
	v4 =	vadd.f32 v6, v4  }
0x1aa: {  	v1 =	vadd.f32 v9, v1;
	v9 =	vmul.f32 v15, v16;
	v2 =	vadd.f32 v8, v2  }
0x1ab: {  	v0 =	vadd.f32 v19, v0;
	v3 =	vmul.f32 v3, v57;
	v4 =	vadd.f32 v5, v4  }
0x1ac: {  	v1 =	vadd.f32 v7, v1;
	v2 =	vadd.f32 v9, v2;
	v6 =	vmul.f32 v10, v17  }
0x1ad: {  	s0 =	sadd.s32 $0x20, s0;
	[tilespmem:s16+$0xFFFFFFF0] =	vst v0;
	v0 =	vadd.f32 v3, v4  }
0x1ae: {  	[tilespmem:s0+$0x0] =	vst v1;
	v1 =	vadd.f32 v6, v2  }
0x1af: {  	s22 =	sshrl.u32 s22, $0x3;
	[tilespmem:s0+$0xFFFFFFF0] =	vst v0  }
0x1b0: {  	s25 =	sshrl.u32 s20, $0x3;
	s24 =	simm.s32 $0x1BD80;
	[tilespmem:s23+$0xFFFFFFF0] =	vst v1;
	s23 =	sadd.s32 s7, s22  }
0x1b1: {  	[hbm4b:s23+s3] =	stream.linear.scatter [tilespmem:s24], [sflag:$0x3], $0x400, $0x38;
	[tilespmem:$0x1D580] =	vst v63  }
0x1b2: {  	s26 =	simm.s32 $0x1C180;
	s13 =	sshrl.u32 s19, $0x3;
	s0 =	sadd.s32 s7, s25  }
0x1b3: {  	[hbm4b:s0+s3] =	stream.linear.scatter [tilespmem:s26], [sflag:$0x3], $0x400, $0x38;
	[tilespmem:$0x1D580] =	vst v63  }
0x1b4: {  	p1 =	seq.s32 s6, $0x3F;
	s0 =	sadd.s32 s7, s13  }
0x1b5: {  	[hbm4b:s0+s3] =	stream.linear.scatter [tilespmem:s28], [sflag:$0x3], $0x400, $0x38;
	[tilespmem:$0x1D580] =	vst v63  }
0x1b6: {  	s0 =	sadd.s32 @!p1 $0x800, s12  }
0x1b7: {  	s12 =	sadd.s32 @!p1 s8, s0  }
0x1b8: {  	s14 =	simm.s32 @!p1 $0x0;
	s12 =	sshrl.u32 @!p1 s12, $0x3  }
0x1b9: {  	s15 =	simm.s32 @!p1 $0x1A580;
	s13 =	sadd.s32 @!p1 s10, s0;
	s12 =	sadd.s32 @!p1 s2, s12  }
0x1ba: {  	[tilespmem:s15], [sflag:$0x1] =	stream.linear.gather @!p1 [hbm4b:s12+s14], $0x400, $0x38;
	[tilespmem:$0x1D580] =	vst v63  }
0x1bb: {  	s0 =	sadd.s32 @!p1 s11, s0;
	s12 =	sshrl.u32 @!p1 s13, $0x3  }
0x1bc: {  	s0 =	sshrl.u32 @!p1 s0, $0x3;
	s13 =	simm.s32 @!p1 $0x1A980;
	s12 =	sadd.s32 @!p1 s2, s12  }
0x1bd: {  	[tilespmem:s13], [sflag:$0x1] =	stream.linear.gather @!p1 [hbm4b:s12+s14], $0x400, $0x38;
	[tilespmem:$0x1D580] =	vst v63  }
0x1be: {  	s0 =	sadd.s32 @!p1 s2, s0;
	s12 =	simm.s32 @!p1 $0x1AD80  }
0x1bf: {  	[tilespmem:s12], [sflag:$0x1] =	stream.linear.gather @!p1 [hbm4b:s0+s14], $0x400, $0x38;
	[tilespmem:$0x1D580] =	vst v63  }
0x1c0: {  	_ =	swait.ge [sflag:s29], $0x400  }
0x1c1: {  	[sflag:s29] =	ssyncset.done $0x0  }
0x1c2: {  	[sflag:s29] =	ssyncadd.s32 $0xFFFFFC00  }
0x1c3: {  	_ =	swait.ge [sflag:s29], $0x400  }
0x1c4: {  	[sflag:s29] =	ssyncset.done $0x0  }
0x1c5: {  	[sflag:s29] =	ssyncadd.s32 $0xFFFFFC00  }
0x1c6: {  	_ =	swait.ge [sflag:s29], $0x400  }
0x1c7: {  	[sflag:s29] =	ssyncset.done $0x0  }
0x1c8: {  	s0 =	simm.s32 @!p0 $0x4;
	[sflag:s29] =	ssyncadd.s32 $0xFFFFFC00  }
0x1c9: {  	_ =	swait.ge @!p0 [sflag:s0], $0x400  }
0x1ca: {  	[sflag:s0] =	ssyncset.done @!p0 $0x0  }
0x1cb: {  	[sflag:s0] =	ssyncadd.s32 @!p0 $0xFFFFFC00  }
0x1cc: {  	_ =	swait.ge @!p0 [sflag:s0], $0x400  }
0x1cd: {  	[sflag:s0] =	ssyncset.done @!p0 $0x0  }
0x1ce: {  	[sflag:s0] =	ssyncadd.s32 @!p0 $0xFFFFFC00  }
0x1cf: {  	_ =	swait.ge @!p0 [sflag:s0], $0x400  }
0x1d0: {  	[sflag:s0] =	ssyncset.done @!p0 $0x0  }
0x1d1: {  	s14 =	simm.s32 $0x1B590;
	[sflag:s0] =	ssyncadd.s32 @!p0 $0xFFFFFC00  }
0x1d2: {  	s15 =	simm.s32 $0x1B990;
	v0 =	vld [tilespmem:s14+$0x0]  }
0x1d3: {  	s16 =	simm.s32 $0x1B190;
	v1 =	vld [tilespmem:s15+$0x0]  }
0x1d4: {  	v2 =	vld [tilespmem:s16+$0x0];
	_ =	sdelay $0x2  }
0x1d5: {  	v0 =	vmul.f32 $3.199996760e+01, v0  }
0x1d6: {  	v1 =	vmul.f32 $3.199996760e+01, v1  }
0x1d7: {  	v5 =	vmul.f32 $3.199996760e+01, v2;
	v2 =	vtrunc.f32 v0  }
0x1d8: {  	v3 =	vtrunc.f32 v1;
	v2 =	vcvt.f32.s32 v2  }
0x1d9: {  	v4 =	vtrunc.f32 v5;
	v3 =	vcvt.f32.s32 v3  }
0x1da: {  	v4 =	vcvt.f32.s32 v4;
	vm0 =	vgt.s32 v2, $0x0  }
0x1db: {  	vm1 =	vgt.s32 v3, $0x0;
	v2 =	vnsel vm0, $0x0, v2  }
0x1dc: {  	vm12 =	vgt.s32 v4, $0x0;
	v3 =	vnsel vm1, $0x0, v3;
	v2 =	vmin.u32 v2, $0x1F  }
0x1dd: {  	v7 =	vld [tilespmem:s14+$0xFFFFFFF0];
	v4 =	vnsel vm12, $0x0, v4;
	v6 =	vmin.u32 v3, $0x1F;
	v3 =	vmul.u32 $0x21, v2  }
0x1de: {  	v9 =	vld [tilespmem:s15+$0xFFFFFFF0];
	v8 =	vmin.u32 v4, $0x1F;
	v4 =	vmul.u32 $0x441, v6  }
0x1df: {  	v11 =	vld [tilespmem:s16+$0xFFFFFFF0];
	v3 =	vadd.s32 v8, v3  }
0x1e0: {  	v4 =	vadd.s32 v4, v3  }
0x1e1: {  	v10 =	vcvt.s32.f32 v2;
	v6 =	vcvt.s32.f32 v6;
	v3 =	vadd.s32 $0x1, v4  }
0x1e2: {  	v17 =	vmul.f32 $3.199996760e+01, v7;
	v8 =	vcvt.s32.f32 v8  }
0x1e3: {  	v10 =	vsub.f32 v0, v10;
	v16 =	vsub.f32 v1, v6;
	v2 =	vadd.s32 $0x21, v4  }
0x1e4: {  	v18 =	vmul.f32 $3.199996760e+01, v9;
	v21 =	vmul.f32 $3.199996760e+01, v11;
	v9 =	vsub.f32 v5, v8  }
0x1e5: {  	v0 =	vadd.s32 $0x22, v4;
	v12 =	vsub.f32 $1.000000000e+00, v10;
	v5 =	vsub.f32 $1.000000000e+00, v16;
	v6 =	vld.idx.msk [tilespmem:v4+s3+$0x0], $0xffff  }
0x1e6: {  	v7 =	vtrunc.f32 v17;
	v13 =	vtrunc.f32 v18;
	v19 =	vld.idx.msk [tilespmem:v3+s3+$0x0], $0xffff  }
0x1e7: {  	v1 =	vadd.s32 $0x441, v4;
	v20 =	vsub.f32 $1.000000000e+00, v9;
	v15 =	vmul.f32 v5, v12  }
0x1e8: {  	v23 =	vcvt.f32.s32 v7;
	v22 =	vmul.f32 v5, v10;
	v11 =	vld.idx.msk [tilespmem:v2+s3+$0x0], $0xffff  }
0x1e9: {  	v8 =	vadd.s32 $0x442, v4;
	v14 =	vmul.f32 v15, v20;
	v15 =	vmul.f32 v15, v9  }
0x1ea: {  	v26 =	vcvt.f32.s32 v13;
	v5 =	vmul.f32 v22, v20;
	v24 =	vld.idx.msk [tilespmem:v0+s3+$0x0], $0xffff  }
0x1eb: {  	v7 =	vadd.s32 $0x462, v4;
	v25 =	vmul.f32 v14, v6;
	v19 =	vmul.f32 v15, v19  }
0x1ec: {  	v28 =	vmul.f32 v16, v12;
	v13 =	vmul.f32 v22, v9;
	v27 =	vld.idx.msk [tilespmem:v1+s3+$0x0], $0xffff  }
0x1ed: {  	v6 =	vadd.s32 $0x463, v4;
	v11 =	vmul.f32 v5, v11;
	v19 =	vadd.f32 v19, v25  }
0x1ee: {  	vm13 =	vgt.s32 v23, $0x0;
	vm14 =	vgt.s32 v26, $0x0;
	v22 =	vtrunc.f32 v21;
	v25 =	vld.idx.msk [tilespmem:v8+s3+$0x0], $0xffff  }
0x1ef: {  	v12 =	vmul.f32 v28, v20;
	v24 =	vmul.f32 v13, v24;
	v19 =	vadd.f32 v19, v11  }
0x1f0: {  	v23 =	vnsel vm13, $0x0, v23;
	v16 =	vmul.f32 v16, v10;
	v22 =	vcvt.f32.s32 v22;
	v29 =	vld.idx.msk [tilespmem:v7+s3+$0x0], $0xffff  }
0x1f1: {  	v11 =	vmul.f32 v28, v9;
	v19 =	vadd.f32 v19, v24;
	v24 =	vmul.f32 v12, v27  }
0x1f2: {  	v26 =	vnsel vm14, $0x0, v26;
	v23 =	vmin.u32 v23, $0x1F;
	v10 =	vmul.f32 v16, v20;
	v27 =	vld.idx.msk [tilespmem:v6+s3+$0x0], $0xffff  }
0x1f3: {  	vm15 =	vgt.s32 v22, $0x0;
	v20 =	vmul.f32 v11, v25;
	v19 =	vadd.f32 v19, v24  }
0x1f4: {  	v22 =	vnsel vm15, $0x0, v22;
	v9 =	vmul.f32 v16, v9;
	v25 =	vmin.u32 v26, $0x1F  }
0x1f5: {  	v24 =	vmul.u32 $0x21, v23;
	v16 =	vadd.f32 v19, v20;
	v19 =	vmul.f32 v10, v29  }
0x1f6: {  	v20 =	vmin.u32 v22, $0x1F;
	v22 =	vmul.u32 $0x441, v25  }
0x1f7: {  	v24 =	vadd.s32 v20, v24;
	v16 =	vadd.f32 v16, v19;
	v19 =	vmul.f32 v27, v9  }
0x1f8: {  	v24 =	vadd.s32 v22, v24  }
0x1f9: {  	v37 =	vadd.s32 $0x1, v24;
	v16 =	vadd.f32 v16, v19  }
0x1fa: {  	s19 =	simm.s32 $0x1C990  }
0x1fb: {  	[tilespmem:s19+$0x0] =	vst v16  }
0x1fc: {  	v19 =	vcvt.s32.f32 v25;
	v16 =	vcvt.s32.f32 v23;
	v22 =	vld.idx.msk [tilespmem:v4+s17+$0x0], $0xffff  }
0x1fd: {  	v43 =	vadd.s32 $0x21, v24;
	v23 =	vld.idx.msk [tilespmem:v3+s17+$0x0], $0xffff  }
0x1fe: {  	v16 =	vsub.f32 v17, v16;
	v17 =	vsub.f32 v18, v19;
	v18 =	vld.idx.msk [tilespmem:v37+s3+$0x0], $0xffff;
	[tilespmem:$0x1FD00] =	vst v37  }
0x1ff: {  	v42 =	vadd.s32 $0x22, v24;
	v19 =	vld.idx.msk [tilespmem:v2+s17+$0x0], $0xffff  }
0x200: {  	v20 =	vcvt.s32.f32 v20;
	v27 =	vld.idx.msk [tilespmem:v24+s3+$0x0], $0xffff;
	v25 =	vsub.f32 $1.000000000e+00, v16;
	v26 =	vsub.f32 $1.000000000e+00, v17  }
0x201: {  	v44 =	vadd.s32 $0x441, v24;
	v28 =	vld.idx.msk [tilespmem:v0+s17+$0x0], $0xffff  }
0x202: {  	v20 =	vsub.f32 v21, v20;
	v29 =	vld.idx.msk [tilespmem:v43+s3+$0x0], $0xffff;
	v21 =	vmul.f32 v26, v25  }
0x203: {  	v30 =	vld.idx.msk [tilespmem:v1+s17+$0x0], $0xffff;
	v22 =	vmul.f32 v22, v14;
	v23 =	vmul.f32 v23, v15  }
0x204: {  	v45 =	vadd.s32 $0x442, v24;
	v31 =	vsub.f32 $1.000000000e+00, v20;
	v53 =	vld.idx.msk [tilespmem:v42+s3+$0x0], $0xffff  }
0x205: {  	v26 =	vmul.f32 v26, v16;
	v48 =	vmul.f32 v21, v20;
	v22 =	vadd.f32 v23, v22;
	v23 =	vld.idx.msk [tilespmem:v8+s17+$0x0], $0xffff  }
0x206: {  	v19 =	vmul.f32 v19, v5;
	v56 =	vmul.f32 v21, v31;
	v21 =	vld.idx.msk [tilespmem:v44+s3+$0x0], $0xffff  }
0x207: {  	v36 =	vmul.f32 v26, v31;
	v38 =	vmul.f32 v26, v20;
	v26 =	vld.idx.msk [tilespmem:v7+s17+$0x0], $0xffff;
	[tilespmem:$0x1FDE0] =	vst v48  }
0x208: {  	v62 =	vadd.s32 $0x462, v24;
	v19 =	vadd.f32 v19, v22;
	v22 =	vmul.f32 v28, v13;
	[tilespmem:$0x1FDC0] =	vst v56  }
0x209: {  	v59 =	vadd.s32 $0x463, v24;
	v18 =	vmul.f32 v48, v18;
	v27 =	vmul.f32 v56, v27;
	v28 =	vld.idx.msk [tilespmem:v45+s3+$0x0], $0xffff  }
0x20a: {  	s20 =	simm.s32 $0x1B5B0;
	v25 =	vmul.f32 v17, v25;
	v19 =	vadd.f32 v22, v19;
	v22 =	vmul.f32 v30, v12;
	v30 =	vld.idx.msk [tilespmem:v6+s17+$0x0], $0xffff  }
0x20b: {  	s22 =	simm.s32 $0x1B9B0;
	v16 =	vmul.f32 v17, v16;
	v18 =	vadd.f32 v18, v27;
	v27 =	vmul.f32 v36, v29;
	v29 =	vld [tilespmem:s20+$0x0]  }
0x20c: {  	s23 =	simm.s32 $0x1B1B0;
	v41 =	vmul.f32 v25, v31;
	v17 =	vadd.f32 v22, v19;
	v19 =	vmul.f32 v23, v11;
	v22 =	vld [tilespmem:s22+$0x0]  }
0x20d: {  	v61 =	vmul.f32 v25, v20;
	v25 =	vld [tilespmem:s23+$0x0];
	v18 =	vadd.f32 v18, v27;
	v23 =	vmul.f32 v38, v53  }
0x20e: {  	v54 =	vmul.f32 v16, v20;
	v20 =	vld.idx.msk [tilespmem:v62+s3+$0x0], $0xffff;
	v17 =	vadd.f32 v19, v17;
	v19 =	vmul.f32 v26, v10  }
0x20f: {  	v57 =	vmul.f32 v16, v31;
	v16 =	vadd.f32 v18, v23;
	v18 =	vmul.f32 v41, v21  }
0x210: {  	v21 =	vmul.f32 $3.199996760e+01, v29;
	v17 =	vadd.f32 v19, v17;
	v19 =	vmul.f32 v30, v9  }
0x211: {  	v23 =	vld.idx.msk [tilespmem:v59+s3+$0x0], $0xffff;
	v16 =	vadd.f32 v16, v18;
	v18 =	vmul.f32 v61, v28;
	v26 =	vmul.f32 $3.199996760e+01, v22  }
0x212: {  	[tilespmem:$0x1FD90] =	vst v59;
	v22 =	vtrunc.f32 v21;
	v17 =	vadd.f32 v19, v17;
	v19 =	vmul.f32 $3.199996760e+01, v25  }
0x213: {  	s24 =	simm.s32 $0x1CD90;
	v20 =	vmul.f32 v57, v20;
	v25 =	vld [tilespmem:s20+$0xFFFFFFF0];
	v22 =	vcvt.f32.s32 v22  }
0x214: {  	v16 =	vadd.f32 v16, v18;
	v18 =	vld [tilespmem:s22+$0xFFFFFFF0];
	v27 =	vtrunc.f32 v26;
	[tilespmem:s24+$0x0] =	vst v17;
	v17 =	vtrunc.f32 v19  }
0x215: {  	v27 =	vcvt.f32.s32 v27;
	v4 =	vld.idx.msk [tilespmem:v4+s18+$0x0], $0xffff;
	v17 =	vcvt.f32.s32 v17  }
0x216: {  	v28 =	vmul.f32 v23, v54;
	vm4 =	vgt.s32 v22, $0x0;
	v16 =	vadd.f32 v16, v20;
	v3 =	vld.idx.msk [tilespmem:v3+s18+$0x0], $0xffff  }
0x217: {  	v22 =	vnsel vm4, $0x0, v22;
	v2 =	vld.idx.msk [tilespmem:v2+s18+$0x0], $0xffff;
	vm5 =	vgt.s32 v27, $0x0;
	vm6 =	vgt.s32 v17, $0x0  }
0x218: {  	v1 =	vld.idx.msk [tilespmem:v1+s18+$0x0], $0xffff;
	v23 =	vnsel vm5, $0x0, v27;
	v27 =	vmin.u32 v22, $0x1F;
	v63 =	vmul.f32 $3.199996760e+01, v25  }
0x219: {  	v8 =	vld.idx.msk [tilespmem:v8+s18+$0x0], $0xffff;
	v17 =	vnsel vm6, $0x0, v17;
	v29 =	vmin.u32 v23, $0x1F;
	v22 =	vmul.u32 $0x21, v27  }
0x21a: {  	v7 =	vld.idx.msk [tilespmem:v7+s18+$0x0], $0xffff;
	v18 =	vmul.f32 $3.199996760e+01, v18;
	v17 =	vmin.u32 v17, $0x1F;
	v20 =	vmul.u32 $0x441, v29  }
0x21b: {  	v25 =	vld.idx.msk [tilespmem:v0+s18+$0x0], $0xffff;
	v0 =	vadd.s32 v17, v22;
	v4 =	vmul.f32 v4, v14;
	v3 =	vmul.f32 v3, v15  }
0x21c: {  	v14 =	vcvt.s32.f32 v27;
	v15 =	vcvt.s32.f32 v29;
	v23 =	vadd.s32 v20, v0  }
0x21d: {  	v2 =	vmul.f32 v2, v5;
	v5 =	vcvt.s32.f32 v17;
	v22 =	vadd.s32 $0x1, v23  }
0x21e: {  	v16 =	vadd.f32 v16, v28;
	v12 =	vmul.f32 v1, v12;
	v11 =	vmul.f32 v8, v11  }
0x21f: {  	v17 =	vld [tilespmem:s23+$0xFFFFFFF0];
	v0 =	vadd.s32 $0x21, v23;
	v14 =	vsub.f32 v21, v14;
	v15 =	vsub.f32 v26, v15  }
0x220: {  	v7 =	vmul.f32 v7, v10;
	v13 =	vmul.f32 v25, v13;
	v5 =	vsub.f32 v19, v5  }
0x221: {  	v25 =	vadd.s32 $0x22, v23;
	v21 =	vsub.f32 $1.000000000e+00, v14;
	v26 =	vsub.f32 $1.000000000e+00, v15;
	v19 =	vld.idx.msk [tilespmem:v23+s3+$0x0], $0xffff  }
0x222: {  	v20 =	vtrunc.f32 v63;
	v3 =	vadd.f32 v3, v4;
	v4 =	vtrunc.f32 v18;
	v1 =	vld.idx.msk [tilespmem:v22+s3+$0x0], $0xffff  }
0x223: {  	v30 =	vadd.s32 $0x441, v23;
	v53 =	vsub.f32 $1.000000000e+00, v5;
	v28 =	vmul.f32 v26, v21  }
0x224: {  	v2 =	vadd.f32 v2, v3;
	v3 =	vmul.f32 $3.199996760e+01, v17;
	v26 =	vmul.f32 v26, v14;
	v17 =	vld.idx.msk [tilespmem:v0+s3+$0x0], $0xffff  }
0x225: {  	v32 =	vadd.s32 $0x442, v23;
	v27 =	vmul.f32 v28, v53;
	v28 =	vmul.f32 v28, v5  }
0x226: {  	v2 =	vadd.f32 v13, v2;
	v13 =	vcvt.f32.s32 v20;
	v20 =	vld.idx.msk [tilespmem:v25+s3+$0x0], $0xffff;
	v29 =	vmul.f32 v26, v53  }
0x227: {  	v40 =	vadd.s32 $0x462, v23;
	v19 =	vmul.f32 v27, v19;
	v1 =	vmul.f32 v28, v1  }
0x228: {  	v47 =	vadd.s32 $0x463, v23;
	v4 =	vcvt.f32.s32 v4;
	v21 =	vmul.f32 v15, v21;
	v55 =	vld.idx.msk [tilespmem:v30+s3+$0x0], $0xffff  }
0x229: {  	v31 =	vmul.f32 v26, v5;
	v17 =	vmul.f32 v29, v17;
	v19 =	vadd.f32 v1, v19  }
0x22a: {  	vm8 =	vgt.s32 v4, $0x0;
	v14 =	vmul.f32 v15, v14;
	v58 =	vld.idx.msk [tilespmem:v32+s3+$0x0], $0xffff;
	v26 =	vtrunc.f32 v3  }
0x22b: {  	v1 =	vmul.f32 v21, v53;
	v17 =	vadd.f32 v19, v17;
	v19 =	vmul.f32 v31, v20  }
0x22c: {  	[tilespmem:s19+$0xFFFFFFF0] =	vst v16;
	vm7 =	vgt.s32 v13, $0x0;
	v34 =	vmul.f32 v21, v5;
	v16 =	vcvt.f32.s32 v26;
	v20 =	vld.idx.msk [tilespmem:v40+s3+$0x0], $0xffff  }
0x22d: {  	v13 =	vnsel vm7, $0x0, v13;
	v15 =	vadd.f32 v17, v19;
	v17 =	vmul.f32 v1, v55  }
0x22e: {  	v4 =	vnsel vm8, $0x0, v4;
	v46 =	vmul.f32 v14, v53;
	v13 =	vmin.u32 v13, $0x1F;
	v19 =	vld.idx.msk [tilespmem:v47+s3+$0x0], $0xffff  }
0x22f: {  	vm9 =	vgt.s32 v16, $0x0;
	v15 =	vadd.f32 v15, v17;
	v17 =	vmul.f32 v34, v58  }
0x230: {  	v6 =	vld.idx.msk [tilespmem:v6+s18+$0x0], $0xffff;
	v4 =	vmin.u32 v4, $0x1F;
	v60 =	vmul.u32 $0x21, v13;
	v16 =	vnsel vm9, $0x0, v16  }
0x231: {  	v39 =	vld.idx.msk [tilespmem:v43+s17+$0x0], $0xffff;
	v55 =	vmul.f32 v14, v5;
	v14 =	vmul.f32 v46, v20;
	v5 =	vadd.f32 v15, v17  }
0x232: {  	v35 =	vld.idx.msk [tilespmem:v45+s17+$0x0], $0xffff;
	v2 =	vadd.f32 v12, v2;
	v12 =	vmin.u32 v16, $0x1F;
	v15 =	vmul.u32 $0x441, v4  }
0x233: {  	v33 =	vld.idx.msk [tilespmem:v62+s17+$0x0], $0xffff;
	v16 =	vadd.s32 v12, v60;
	v5 =	vadd.f32 v5, v14;
	v14 =	vmul.f32 v19, v55  }
0x234: {  	v26 =	vld.idx.msk [tilespmem:v24+s17+$0x0], $0xffff;
	v2 =	vadd.f32 v11, v2;
	v13 =	vcvt.s32.f32 v13;
	v58 =	vadd.s32 v15, v16  }
0x235: {  	v21 =	vld.idx.msk [tilespmem:v37+s17+$0x0], $0xffff;
	v4 =	vcvt.s32.f32 v4;
	v8 =	vadd.s32 $0x1, v58;
	v5 =	vadd.f32 v5, v14  }
0x236: {  	s25 =	simm.s32 $0x1C9B0;
	v6 =	vmul.f32 v6, v9;
	v2 =	vadd.f32 v7, v2;
	v20 =	vld.idx.msk [tilespmem:v44+s17+$0x0], $0xffff  }
0x237: {  	v17 =	vld.idx.msk [tilespmem:v42+s17+$0x0], $0xffff;
	v4 =	vsub.f32 v18, v4;
	v14 =	vsub.f32 v63, v13;
	[tilespmem:s25+$0x0] =	vst v5  }
0x238: {  	v33 =	vmul.f32 v33, v57;
	v2 =	vadd.f32 v6, v2;
	v5 =	vcvt.s32.f32 v12;
	v49 =	vld.idx.msk [tilespmem:v23+s17+$0x0], $0xffff  }
0x239: {  	v37 =	vadd.s32 $0x21, v58;
	v10 =	vsub.f32 $1.000000000e+00, v14;
	v12 =	vsub.f32 $1.000000000e+00, v4;
	v7 =	vld.idx.msk [tilespmem:v22+s17+$0x0], $0xffff  }
0x23a: {  	v21 =	vmul.f32 v21, v48;
	v3 =	vsub.f32 v3, v5;
	v50 =	vld.idx.msk [tilespmem:v8+s3+$0x0], $0xffff;
	[tilespmem:$0x1FD80] =	vst v2  }
0x23b: {  	v60 =	vadd.s32 $0x22, v58;
	v5 =	vmul.f32 v12, v10;
	v2 =	vmul.f32 v12, v14;
	v6 =	vld.idx.msk [tilespmem:v0+s17+$0x0], $0xffff  }
0x23c: {  	v52 =	vmul.f32 v4, v10;
	v12 =	vmul.f32 v26, v56;
	v53 =	vld.idx.msk [tilespmem:v58+s3+$0x0], $0xffff;
	v51 =	vsub.f32 $1.000000000e+00, v3  }
0x23d: {  	v13 =	vmov v36;
	v4 =	vmul.f32 v4, v14;
	v26 =	vld.idx.msk [tilespmem:v25+s17+$0x0], $0xffff;
	v63 =	vmul.f32 v5, v3  }
0x23e: {  	v11 =	vmovc v8;
	v8 =	vadd.s32 $0x462, v58;
	v36 =	vmul.f32 v2, v3;
	v48 =	vmul.f32 v5, v51;
	v5 =	vld.idx.msk [tilespmem:v37+s3+$0x0], $0xffff  }
0x23f: {  	v19 =	vmov v61;
	v9 =	vmul.f32 v2, v51;
	v2 =	vadd.f32 v21, v12;
	v21 =	vld.idx.msk [tilespmem:v30+s17+$0x0], $0xffff;
	[tilespmem:$0x1FD60] =	vst v8  }
0x240: {  	v18 =	vadd.s32 $0x442, v58;
	v15 =	vmovc v38;
	v61 =	vmul.f32 v49, v27;
	v7 =	vmul.f32 v7, v28;
	v49 =	vld.idx.msk [tilespmem:v60+s3+$0x0], $0xffff  }
0x241: {  	v16 =	vmovc v19;
	v14 =	vmul.f32 v17, v15;
	v10 =	vmov v54;
	v12 =	vmul.f32 v39, v13;
	v54 =	vld.idx.msk [tilespmem:v32+s17+$0x0], $0xffff  }
0x242: {  	v17 =	vmul.f32 v4, v51;
	v39 =	vld.idx.msk [tilespmem:v40+s17+$0x0], $0xffff;
	v7 =	vadd.f32 v7, v61;
	v6 =	vmul.f32 v6, v29  }
0x243: {  	s12 =	simm.s32 $0x1B5D0;
	v35 =	vmul.f32 v35, v19;
	v19 =	vadd.s32 $0x463, v58;
	v20 =	vmul.f32 v20, v41;
	v61 =	vld.idx.msk [tilespmem:v47+s17+$0x0], $0xffff;
	[tilespmem:$0x1FCD0] =	vst v41  }
0x244: {  	s13 =	simm.s32 $0x1B9D0;
	v50 =	vmul.f32 v63, v50;
	v2 =	vadd.f32 v12, v2;
	v6 =	vadd.f32 v6, v7;
	v7 =	vld [tilespmem:s12+$0x0];
	[tilespmem:$0x1FDA0] =	vst v17  }
0x245: {  	s26 =	simm.s32 $0x1B1D0;
	v38 =	vadd.s32 $0x441, v58;
	v12 =	vmul.f32 v52, v51;
	v26 =	vmul.f32 v26, v31;
	v51 =	vld [tilespmem:s13+$0x0];
	[tilespmem:$0x1FCE0] =	vst v57  }
0x246: {  	v53 =	vmul.f32 v48, v53;
	v2 =	vadd.f32 v14, v2;
	v14 =	vmul.f32 v52, v3;
	v52 =	vld [tilespmem:s26+$0x0]  }
0x247: {  	v5 =	vmul.f32 v9, v5;
	v21 =	vmul.f32 v21, v1;
	v6 =	vadd.f32 v26, v6  }
0x248: {  	v50 =	vadd.f32 v50, v53;
	v26 =	vmul.f32 v36, v49;
	v57 =	vmul.f32 v54, v34  }
0x249: {  	v53 =	vld.idx.msk [tilespmem:v8+s3+$0x0], $0xffff;
	v8 =	vmul.f32 v4, v3;
	v61 =	vmul.f32 v61, v55;
	v6 =	vadd.f32 v21, v6  }
0x24a: {  	v5 =	vadd.f32 v50, v5;
	v7 =	vmul.f32 $3.199996760e+01, v7;
	v50 =	vmul.f32 $3.199996760e+01, v51  }
0x24b: {  	v21 =	vmul.f32 v39, v46;
	v6 =	vadd.f32 v57, v6;
	v49 =	vmul.f32 $3.199996760e+01, v52  }
0x24c: {  	v2 =	vadd.f32 v20, v2;
	v57 =	vld.idx.msk [tilespmem:v38+s3+$0x0], $0xffff;
	v54 =	vtrunc.f32 v7;
	v56 =	vtrunc.f32 v50  }
0x24d: {  	v51 =	vcvt.f32.s32 v54;
	v6 =	vadd.f32 v21, v6;
	v21 =	vtrunc.f32 v49  }
0x24e: {  	v2 =	vadd.f32 v35, v2;
	v35 =	vcvt.f32.s32 v56;
	v21 =	vcvt.f32.s32 v21  }
0x24f: {  	v5 =	vadd.f32 v5, v26;
	v26 =	vld.idx.msk [tilespmem:v59+s17+$0x0], $0xffff;
	vm10 =	vgt.s32 v51, $0x0;
	v6 =	vadd.f32 v61, v6  }
0x250: {  	s14 =	simm.s32 $0x1CDB0;
	vm11 =	vgt.s32 v35, $0x0;
	v59 =	vnsel vm10, $0x0, v51;
	vm12 =	vgt.s32 v21, $0x0  }
0x251: {  	v56 =	vld.idx.msk [tilespmem:v19+s3+$0x0], $0xffff;
	v35 =	vnsel vm11, $0x0, v35;
	v39 =	vmin.u32 v59, $0x1F;
	[tilespmem:s14+$0x0] =	vst v6;
	v6 =	vmul.f32 v12, v57  }
0x252: {  	v51 =	vld.idx.msk [tilespmem:v18+s3+$0x0], $0xffff;
	v21 =	vnsel vm12, $0x0, v21;
	v35 =	vmin.u32 v35, $0x1F;
	v54 =	vmul.u32 $0x21, v39  }
0x253: {  	v2 =	vadd.f32 v33, v2;
	v3 =	vld.idx.msk [tilespmem:v23+s18+$0x0], $0xffff;
	[tilespmem:$0x1FCF0] =	vst v10;
	v61 =	vmin.u32 v21, $0x1F;
	v41 =	vmul.u32 $0x441, v35  }
0x254: {  	v23 =	vmul.f32 v26, v10;
	v5 =	vadd.f32 v5, v6;
	v6 =	vld.idx.msk [tilespmem:v22+s18+$0x0], $0xffff;
	v4 =	vadd.s32 v61, v54  }
0x255: {  	v20 =	vmovc v37;
	v0 =	vld.idx.msk [tilespmem:v0+s18+$0x0], $0xffff;
	v59 =	vcvt.s32.f32 v35;
	v26 =	vadd.s32 v41, v4;
	v4 =	vcvt.s32.f32 v39  }
0x256: {  	v37 =	vmovc v9;
	v30 =	vld.idx.msk [tilespmem:v30+s18+$0x0], $0xffff;
	v2 =	vadd.f32 v23, v2;
	v23 =	vcvt.s32.f32 v61;
	v61 =	vmul.f32 v17, v53  }
0x257: {  	v9 =	vmovc v36;
	v36 =	vld.idx.msk [tilespmem:v32+s18+$0x0], $0xffff;
	v22 =	vadd.s32 $0x1, v26;
	v4 =	vsub.f32 v7, v4;
	v7 =	vsub.f32 v50, v59  }
0x258: {  	v39 =	vld.idx.msk [tilespmem:v25+s18+$0x0], $0xffff;
	v49 =	vsub.f32 v49, v23;
	v25 =	vadd.s32 $0x21, v26;
	v3 =	vmul.f32 v3, v27  }
0x259: {  	v10 =	vmovc v58;
	v58 =	vld [tilespmem:s12+$0xFFFFFFF0];
	v6 =	vmul.f32 v6, v28;
	v54 =	vsub.f32 $1.000000000e+00, v4;
	v41 =	vsub.f32 $1.000000000e+00, v7  }
0x25a: {  	v35 =	vmul.f32 v14, v51;
	v23 =	vadd.s32 $0x22, v26;
	v0 =	vmul.f32 v0, v29;
	v53 =	vld.idx.msk [tilespmem:v26+s3+$0x0], $0xffff  }
0x25b: {  	v57 =	vsub.f32 $1.000000000e+00, v49;
	v3 =	vadd.f32 v6, v3;
	v6 =	vld [tilespmem:s13+$0xFFFFFFF0];
	v29 =	vmul.f32 v41, v54  }
0x25c: {  	v5 =	vadd.f32 v5, v35;
	v27 =	vadd.s32 $0x441, v26;
	v1 =	vmul.f32 v30, v1;
	v28 =	vld.idx.msk [tilespmem:v22+s3+$0x0], $0xffff  }
0x25d: {  	[tilespmem:s24+$0xFFFFFFF0] =	vst v2;
	v30 =	vld.idx.msk [tilespmem:v25+s3+$0x0], $0xffff;
	v32 =	vmul.f32 v29, v57;
	v33 =	vmul.f32 v29, v49;
	v29 =	vadd.s32 $0x442, v26  }
0x25e: {  	v50 =	vmul.f32 v56, v8;
	v5 =	vadd.f32 v5, v61;
	v3 =	vadd.f32 v0, v3;
	v0 =	vld.idx.msk [tilespmem:v24+s18+$0x0], $0xffff  }
0x25f: {  	v59 =	vmul.f32 v39, v31;
	v39 =	vld.idx.msk [tilespmem:v23+s3+$0x0], $0xffff  }
0x260: {  	v61 =	vmul.f32 v36, v34;
	v34 =	vmul.f32 v41, v4;
	v5 =	vadd.f32 v5, v50;
	v50 =	vld [tilespmem:s26+$0xFFFFFFF0]  }
0x261: {  	v51 =	vmul.f32 v7, v54;
	v4 =	vmul.f32 v7, v4;
	v7 =	vld.idx.msk [tilespmem:v27+s3+$0x0], $0xffff  }
0x262: {  	v54 =	vld.idx.msk [tilespmem:v29+s3+$0x0], $0xffff  }
0x263: {  	[tilespmem:$0x1FDD0] =	vst v0;
	v0 =	vld [tilespmem:$0x1FD00];
	_ =	sdelay $0x4  }
0x264: {  	v31 =	vmul.f32 v34, v57  }
0x265: {  	v35 =	vadd.s32 $0x462, v26;
	v56 =	vmul.f32 v32, v53;
	v28 =	vmul.f32 v33, v28;
	_ =	sdelay $0x1  }
0x266: {  	v34 =	vmul.f32 v34, v49;
	v2 =	vadd.f32 v28, v56;
	v28 =	vmul.f32 v31, v30;
	v0 =	vld.idx.msk [tilespmem:v0+s18+$0x0], $0xffff  }
0x267: {  	v53 =	vmul.f32 $3.199996760e+01, v58  }
0x268: {  	v58 =	vmul.f32 v34, v39;
	v39 =	vmul.f32 v51, v57;
	v2 =	vadd.f32 v2, v28  }
0x269: {  	v30 =	vmul.f32 v51, v49;
	v51 =	vld.idx.msk [tilespmem:v35+s3+$0x0], $0xffff  }
0x26a: {  	v24 =	vmul.f32 v4, v49;
	v7 =	vmul.f32 v39, v7;
	v56 =	vld.idx.msk [tilespmem:v47+s18+$0x0], $0xffff;
	v2 =	vadd.f32 v2, v58  }
0x26b: {  	v28 =	vmul.f32 v4, v57;
	v4 =	vmul.f32 $3.199996760e+01, v6;
	v6 =	vld.idx.msk [tilespmem:v40+s18+$0x0], $0xffff;
	[tilespmem:$0x1FDF0] =	vst v0  }
0x26c: {  	v2 =	vadd.f32 v2, v7;
	v7 =	vld.idx.msk [tilespmem:v43+s18+$0x0], $0xffff;
	_ =	sdelay $0x4  }
0x26d: {  	v40 =	vadd.s32 $0x463, v26;
	[tilespmem:$0x1FD10] =	vst v7  }
0x26e: {  	v7 =	vld.idx.msk [tilespmem:v42+s18+$0x0], $0xffff  }
0x26f: {  	v3 =	vadd.f32 v59, v3;
	v41 =	vtrunc.f32 v53  }
0x270: {  	v36 =	vcvt.f32.s32 v41;
	v52 =	vtrunc.f32 v4  }
0x271: {  	v1 =	vadd.f32 v1, v3;
	v57 =	vmul.f32 $3.199996760e+01, v50;
	v3 =	vcvt.f32.s32 v52  }
0x272: {  	vm13 =	vgt.s32 v36, $0x0;
	v0 =	vmul.f32 v30, v54;
	v58 =	vld.idx.msk [tilespmem:v40+s3+$0x0], $0xffff  }
0x273: {  	v49 =	vmovc v63;
	v63 =	vmul.f32 v28, v51;
	vm14 =	vgt.s32 v3, $0x0;
	v54 =	vtrunc.f32 v57;
	[tilespmem:$0x1FD20] =	vst v7  }
0x274: {  	v3 =	vnsel vm14, $0x0, v3;
	v2 =	vadd.f32 v2, v0;
	v0 =	vcvt.f32.s32 v54;
	v51 =	vld.idx.msk [tilespmem:v44+s18+$0x0], $0xffff  }
0x275: {  	v59 =	vnsel vm13, $0x0, v36;
	v3 =	vmin.u32 v3, $0x1F;
	[tilespmem:s25+$0xFFFFFFF0] =	vst v5;
	v52 =	vld.idx.msk [tilespmem:v45+s18+$0x0], $0xffff  }
0x276: {  	vm15 =	vgt.s32 v0, $0x0;
	v2 =	vadd.f32 v2, v63;
	v42 =	vmin.u32 v59, $0x1F;
	v44 =	vld.idx.msk [tilespmem:v10+s17+$0x0], $0xffff  }
0x277: {  	v7 =	vcvt.s32.f32 v42;
	v43 =	vmul.f32 v58, v24;
	v5 =	vnsel vm15, $0x0, v0;
	v0 =	vld.idx.msk [tilespmem:v11+s17+$0x0], $0xffff  }
0x278: {  	v36 =	vcvt.s32.f32 v3;
	v45 =	vld.idx.msk [tilespmem:v20+s17+$0x0], $0xffff  }
0x279: {  	v42 =	vmul.u32 $0x21, v42;
	v7 =	vsub.f32 v53, v7;
	v2 =	vadd.f32 v2, v43;
	v53 =	vld.idx.msk [tilespmem:v62+s18+$0x0], $0xffff;
	[tilespmem:$0x1FD30] =	vst v60  }
0x27a: {  	s19 =	simm.s32 $0x1C9D0;
	v3 =	vmul.u32 $0x441, v3;
	v4 =	vsub.f32 v4, v36;
	v5 =	vmin.u32 v5, $0x1F;
	v36 =	vld.idx.msk [tilespmem:v60+s17+$0x0], $0xffff;
	[tilespmem:$0x1FD40] =	vst v38  }
0x27b: {  	v42 =	vadd.s32 v5, v42;
	[tilespmem:s19+$0x0] =	vst v2  }
0x27c: {  	v54 =	vadd.s32 v3, v42;
	v3 =	vcvt.s32.f32 v5;
	v5 =	vld [tilespmem:$0x1FD60];
	_ =	sdelay $0x4  }
0x27d: {  	v1 =	vadd.f32 v61, v1;
	v6 =	vmul.f32 v6, v46  }
0x27e: {  	v50 =	vsub.f32 $1.000000000e+00, v4;
	v63 =	vld.idx.msk [tilespmem:v38+s17+$0x0], $0xffff;
	[tilespmem:$0x1FD50] =	vst v18  }
0x27f: {  	v55 =	vmul.f32 v56, v55;
	v58 =	vadd.f32 v6, v1;
	v43 =	vld.idx.msk [tilespmem:v26+s17+$0x0], $0xffff  }
0x280: {  	v42 =	vsub.f32 $1.000000000e+00, v7;
	v6 =	vmul.f32 v50, v7;
	v47 =	vadd.s32 $0x1, v54;
	v5 =	vld.idx.msk [tilespmem:v5+s17+$0x0], $0xffff  }
0x281: {  	v46 =	vadd.s32 $0x22, v54;
	v3 =	vsub.f32 v57, v3;
	v41 =	vmul.f32 v0, v49;
	v0 =	vld.idx.msk [tilespmem:v22+s17+$0x0], $0xffff  }
0x282: {  	v38 =	vld.idx.msk [tilespmem:v18+s17+$0x0], $0xffff;
	v62 =	vmul.f32 v50, v42;
	v50 =	vmovc v48;
	v44 =	vmul.f32 v44, v48;
	v48 =	vadd.s32 $0x21, v54  }
0x283: {  	v42 =	vmul.f32 v4, v42;
	v4 =	vmul.f32 v4, v7;
	v1 =	vld.idx.msk [tilespmem:v25+s17+$0x0], $0xffff;
	v57 =	vsub.f32 $1.000000000e+00, v3  }
0x284: {  	v59 =	vmul.f32 v6, v3;
	v36 =	vmul.f32 v36, v9;
	v44 =	vadd.f32 v41, v44;
	v2 =	vld.idx.msk [tilespmem:v54+s3+$0x0], $0xffff  }
0x285: {  	v7 =	vld.idx.msk [tilespmem:v47+s3+$0x0], $0xffff;
	v61 =	vmul.f32 v6, v57;
	v6 =	vmul.f32 v45, v37;
	[tilespmem:$0x1FDB0] =	vst v5  }
0x286: {  	v60 =	vmul.f32 v43, v32;
	v0 =	vmul.f32 v0, v33;
	v43 =	vld.idx.msk [tilespmem:v23+s17+$0x0], $0xffff  }
0x287: {  	v41 =	vadd.f32 v55, v58;
	v55 =	vmul.f32 v42, v3;
	v6 =	vadd.f32 v6, v44;
	v5 =	vld.idx.msk [tilespmem:v48+s3+$0x0], $0xffff  }
0x288: {  	v58 =	vmul.f32 v42, v57;
	v1 =	vmul.f32 v1, v31;
	v0 =	vadd.f32 v0, v60;
	v42 =	vld.idx.msk [tilespmem:v27+s17+$0x0], $0xffff  }
0x289: {  	v21 =	vmul.f32 v62, v3;
	v6 =	vadd.f32 v36, v6;
	v36 =	vmul.f32 v63, v12;
	v63 =	vld.idx.msk [tilespmem:v46+s3+$0x0], $0xffff  }
0x28a: {  	v62 =	vmul.f32 v62, v57;
	v0 =	vadd.f32 v1, v0;
	v1 =	vld.idx.msk [tilespmem:v29+s17+$0x0], $0xffff;
	[tilespmem:$0x1FD70] =	vst v19  }
0x28b: {  	v56 =	vmul.f32 v4, v57;
	v57 =	vmul.f32 v4, v3;
	v3 =	vadd.f32 v36, v6;
	v6 =	vld.idx.msk [tilespmem:v19+s17+$0x0], $0xffff;
	_ =	sdelay $0x4  }
0x28c: {  	[tilespmem:$0x1FE00] =	vst v6;
	v6 =	vld [tilespmem:$0x1FD80];
	_ =	sdelay $0x1  }
0x28d: {  	v4 =	vmul.f32 v43, v34  }
0x28e: {  	s16 =	simm.s32 $0x1D1B0;
	v2 =	vmul.f32 v62, v2  }
0x28f: {  	s15 =	simm.s32 $0x1D190;
	v7 =	vmul.f32 v21, v7;
	[tilespmem:s16+$0x0] =	vst v41;
	v0 =	vadd.f32 v4, v0;
	v4 =	vmul.f32 v42, v39  }
0x290: {  	[tilespmem:s15+$0x0] =	vst v6  }
0x291: {  	v2 =	vadd.f32 v7, v2;
	v5 =	vmul.f32 v61, v5;
	v6 =	vadd.f32 v4, v0;
	v0 =	vld [tilespmem:$0x1FDA0]  }
0x292: {  	v4 =	vld [tilespmem:$0x1FDB0]  }
0x293: {  	v2 =	vadd.f32 v2, v5;
	v5 =	vld [tilespmem:$0x1FD90];
	_ =	sdelay $0x1  }
0x294: {  	v45 =	vadd.s32 $0x441, v54;
	v7 =	vmul.f32 v38, v14  }
0x295: {  	v17 =	vmov v12;
	v12 =	vld [tilespmem:$0x1FDD0]  }
0x296: {  	v3 =	vadd.f32 v7, v3;
	v19 =	vmov v0;
	v7 =	vmul.f32 v4, v0;
	v0 =	vld [tilespmem:$0x1FDC0];
	_ =	sdelay $0x2  }
0x297: {  	v60 =	vld.idx.msk [tilespmem:v45+s3+$0x0], $0xffff  }
0x298: {  	v1 =	vmul.f32 v1, v30;
	v41 =	vld.idx.msk [tilespmem:v5+s18+$0x0], $0xffff  }
0x299: {  	v44 =	vadd.s32 $0x442, v54;
	v5 =	vmul.f32 v59, v63;
	v63 =	vmul.f32 v12, v0;
	v0 =	vld [tilespmem:$0x1FDE0]  }
0x29a: {  	v42 =	vadd.s32 $0x463, v54;
	v12 =	vld [tilespmem:$0x1FDF0]  }
0x29b: {  	v3 =	vadd.f32 v7, v3;
	v7 =	vadd.f32 v1, v6;
	v1 =	vld [tilespmem:$0x1FE00]  }
0x29c: {  	v43 =	vadd.s32 $0x462, v54;
	v38 =	vld.idx.msk [tilespmem:v35+s17+$0x0], $0xffff;
	_ =	sdelay $0x1  }
0x29d: {  	v4 =	vld.idx.msk [tilespmem:v44+s3+$0x0], $0xffff  }
0x29e: {  	v18 =	vmov v14;
	v6 =	vld.idx.msk [tilespmem:v42+s3+$0x0], $0xffff;
	v0 =	vmul.f32 v12, v0  }
0x29f: {  	s6 =	sadd.s32 $0x1, s6;
	v14 =	vmovc v21;
	v21 =	vmov v8;
	v36 =	vadd.f32 v2, v5;
	v2 =	vld.idx.msk [tilespmem:v40+s17+$0x0], $0xffff;
	v1 =	vmul.f32 v1, v8  }
0x2a0: {  	s0 =	simm.s32 $0x1D1B0;
	s20 =	simm.s32 $0x4;
	s22 =	simm.s32 $0x1B1F0;
	v60 =	vmul.f32 v58, v60;
	v38 =	vmul.f32 v38, v28;
	v5 =	vld.idx.msk [tilespmem:v43+s3+$0x0], $0xffff;
	v0 =	vadd.f32 v0, v63  }
.LBB2_5:
0x2a1: {  	v12 =	vld [tilespmem:$0x1FD10];
	v1 =	vadd.f32 v1, v3;
	_ =	sdelay $0x1  }
0x2a2: {  	[tilespmem:s14+$0xFFFFFFF0] =	vst v1;
	v1 =	vld [tilespmem:$0x1FD20];
	_ =	sdelay $0x2  }
0x2a3: {  	v63 =	vmul.f32 v12, v13;
	_ =	sdelay $0x1  }
0x2a4: {  	v0 =	vadd.f32 v63, v0;
	v1 =	vmul.f32 v1, v15;
	_ =	sdelay $0x1  }
0x2a5: {  	v0 =	vadd.f32 v1, v0;
	v1 =	vld [tilespmem:$0x1FCE0];
	_ =	sdelay $0x1  }
0x2a6: {  	v9 =	vmov v9;
	_ =	sdelay $0x1  }
0x2a7: {  	v60 =	vadd.f32 v36, v60;
	v4 =	vmul.f32 v55, v4  }
0x2a8: {  	[tilespmem:$0x1FCC0] =	vst v9;
	v9 =	vmov v21;
	v63 =	vmul.f32 v53, v1;
	v1 =	vld [tilespmem:$0x1FCF0]  }
0x2a9: {  	v5 =	vmul.f32 v56, v5;
	v4 =	vadd.f32 v60, v4;
	[tilespmem:$0x1FCF0] =	vst v9;
	v9 =	vld [tilespmem:$0x1FD30];
	_ =	sdelay $0x1  }
0x2aa: {  	v15 =	vadd.f32 v4, v5;
	v5 =	vld [tilespmem:$0x1FCD0]  }
0x2ab: {  	v8 =	vld [tilespmem:s22+$0x0];
	s12 =	sadd.s32 $0x20, s12;
	v6 =	vmul.f32 v6, v57  }
0x2ac: {  	[tilespmem:$0x1FC70] =	vst v49;
	v3 =	vmov v50;
	v36 =	vadd.f32 v38, v7;
	v49 =	vld [tilespmem:s12+$0x0]  }
0x2ad: {  	s13 =	sadd.s32 $0x20, s13;
	v7 =	vmovc v37;
	v2 =	vmul.f32 v2, v24;
	v50 =	vld [tilespmem:s12+$0xFFFFFFF0];
	v37 =	vmul.f32 v41, v1;
	v1 =	vadd.f32 v15, v6  }
0x2ae: {  	[tilespmem:$0x1FC60] =	vst v7;
	v7 =	vld [tilespmem:s13+$0xFFFFFFF0]  }
0x2af: {  	v2 =	vadd.f32 v2, v36;
	v36 =	vmul.f32 v51, v5;
	v51 =	vmul.f32 v52, v16;
	v52 =	vld [tilespmem:s22+$0xFFFFFFF0];
	[tilespmem:s19+$0xFFFFFFF0] =	vst v1  }
0x2b0: {  	[tilespmem:$0x1FC40] =	vst v3;
	s14 =	sadd.s32 $0x20, s14;
	v9 =	vld.idx.msk [tilespmem:v9+s18+$0x0], $0xffff  }
0x2b1: {  	v3 =	vld [tilespmem:s13+$0x0];
	[tilespmem:s14+$0x0] =	vst v2  }
0x2b2: {  	v2 =	vld.idx.msk [tilespmem:v26+s18+$0x0], $0xffff  }
0x2b3: {  	v60 =	vmov v55;
	v55 =	vmul.f32 $3.199996760e+01, v7;
	v7 =	vld.idx.msk [tilespmem:v23+s18+$0x0], $0xffff  }
0x2b4: {  	v23 =	vld.idx.msk [tilespmem:v27+s18+$0x0], $0xffff  }
0x2b5: {  	v27 =	vld.idx.msk [tilespmem:v29+s18+$0x0], $0xffff;
	[tilespmem:$0x1FD20] =	vst v9;
	v9 =	vmov v46  }
0x2b6: {  	[tilespmem:$0x1FD30] =	vst v9;
	v9 =	vld [tilespmem:$0x1FD40]  }
0x2b7: {  	v8 =	vmul.f32 $3.199996760e+01, v8;
	v4 =	vmov v59;
	v1 =	vld.idx.msk [tilespmem:v10+s18+$0x0], $0xffff  }
0x2b8: {  	[tilespmem:$0x1FC20] =	vst v4;
	v4 =	vld.idx.msk [tilespmem:v22+s18+$0x0], $0xffff;
	v5 =	vmov v18  }
0x2b9: {  	v3 =	vmul.f32 $3.199996760e+01, v3;
	[tilespmem:$0x1FC30] =	vst v5;
	v5 =	vtrunc.f32 v8  }
0x2ba: {  	v22 =	vld.idx.msk [tilespmem:v25+s18+$0x0], $0xffff;
	v2 =	vmul.f32 v2, v32;
	v7 =	vmul.f32 v7, v34  }
0x2bb: {  	v23 =	vmul.f32 v23, v39;
	v41 =	vmul.f32 $3.199996760e+01, v49  }
0x2bc: {  	v27 =	vmul.f32 v27, v30;
	v5 =	vcvt.f32.s32 v5;
	[tilespmem:$0x1FC50] =	vst v1;
	v1 =	vmov v19  }
0x2bd: {  	v4 =	vmul.f32 v4, v33;
	v6 =	vmov v17;
	[tilespmem:$0x1FCE0] =	vst v1;
	v1 =	vtrunc.f32 v41  }
0x2be: {  	[tilespmem:$0x1FCD0] =	vst v6;
	v6 =	vtrunc.f32 v3;
	v1 =	vcvt.f32.s32 v1;
	v9 =	vld.idx.msk [tilespmem:v9+s18+$0x0], $0xffff  }
0x2bf: {  	v0 =	vadd.f32 v36, v0;
	v22 =	vmul.f32 v22, v31;
	v6 =	vcvt.f32.s32 v6  }
0x2c0: {  	vm1 =	vgt.s32 v5, $0x0;
	v2 =	vadd.f32 v4, v2;
	vm2 =	vgt.s32 v1, $0x0  }
0x2c1: {  	v5 =	vnsel vm1, $0x0, v5;
	vm0 =	vgt.s32 v6, $0x0;
	v1 =	vnsel vm2, $0x0, v1  }
0x2c2: {  	v49 =	vmovc v56;
	v38 =	vadd.f32 v22, v2;
	v56 =	vld.idx.msk [tilespmem:v54+s17+$0x0], $0xffff;
	v6 =	vnsel vm0, $0x0, v6;
	v25 =	vmin.u32 v1, $0x1F  }
0x2c3: {  	v10 =	vmovc v54;
	v54 =	vmul.f32 $3.199996760e+01, v50;
	v50 =	vld.idx.msk [tilespmem:v35+s18+$0x0], $0xffff;
	v6 =	vmin.u32 v6, $0x1F;
	v26 =	vmul.u32 $0x21, v25;
	[tilespmem:$0x1FC90] =	vst v9;
	v9 =	vmovc v45  }
0x2c4: {  	v5 =	vmin.u32 v5, $0x1F;
	v7 =	vadd.f32 v7, v38;
	v31 =	vmul.u32 $0x441, v6;
	[tilespmem:$0x1FD40] =	vst v9;
	v9 =	vld [tilespmem:$0x1FD50]  }
0x2c5: {  	v0 =	vadd.f32 v51, v0;
	v51 =	vcvt.s32.f32 v25;
	v26 =	vadd.s32 v5, v26  }
0x2c6: {  	v39 =	vadd.f32 v23, v7;
	v53 =	vcvt.s32.f32 v6;
	v26 =	vadd.s32 v31, v26  }
0x2c7: {  	v36 =	vmov v57;
	v57 =	vld.idx.msk [tilespmem:v47+s17+$0x0], $0xffff;
	v30 =	vsub.f32 v41, v51  }
0x2c8: {  	v4 =	vld.idx.msk [tilespmem:v46+s17+$0x0], $0xffff;
	v28 =	vmul.f32 v50, v28;
	v41 =	vsub.f32 v3, v53;
	v3 =	vadd.f32 v27, v39  }
0x2c9: {  	v31 =	vld.idx.msk [tilespmem:v40+s18+$0x0], $0xffff;
	v22 =	vadd.s32 $0x1, v26  }
0x2ca: {  	v5 =	vcvt.s32.f32 v5;
	v28 =	vadd.f32 v28, v3;
	v3 =	vld.idx.msk [tilespmem:v11+s18+$0x0], $0xffff  }
0x2cb: {  	v13 =	vmov v61;
	v29 =	vtrunc.f32 v54;
	v61 =	vld.idx.msk [tilespmem:v26+s3+$0x0], $0xffff  }
0x2cc: {  	v17 =	vmovc v58;
	v58 =	vmul.f32 $3.199996760e+01, v52;
	v39 =	vcvt.f32.s32 v29;
	v8 =	vsub.f32 v8, v5;
	v52 =	vld.idx.msk [tilespmem:v9+s18+$0x0], $0xffff;
	v9 =	vmovc v44  }
0x2cd: {  	v25 =	vadd.s32 $0x21, v26;
	v51 =	vsub.f32 $1.000000000e+00, v30;
	v29 =	vsub.f32 $1.000000000e+00, v41;
	[tilespmem:$0x1FD50] =	vst v9;
	v9 =	vld [tilespmem:$0x1FD60]  }
0x2ce: {  	v12 =	vmov v62;
	v23 =	vadd.s32 $0x22, v26;
	v27 =	vadd.s32 $0x441, v26;
	v62 =	vld.idx.msk [tilespmem:v22+s3+$0x0], $0xffff  }
0x2cf: {  	v59 =	vsub.f32 $1.000000000e+00, v8;
	v24 =	vmul.f32 v31, v24;
	v31 =	vmul.f32 v29, v51;
	[tilespmem:$0x1FC80] =	vst v3;
	v3 =	vmovc v47  }
0x2d0: {  	v34 =	vtrunc.f32 v55;
	vm13 =	vgt.s32 v39, $0x0;
	v35 =	vadd.s32 $0x462, v26;
	[tilespmem:$0x1FCA0] =	vst v3;
	v3 =	vld.idx.msk [tilespmem:v20+s18+$0x0], $0xffff  }
0x2d1: {  	v1 =	vld.idx.msk [tilespmem:v48+s17+$0x0], $0xffff;
	v24 =	vadd.f32 v24, v28;
	v32 =	vmul.f32 v31, v59;
	v33 =	vmul.f32 v31, v8  }
0x2d2: {  	s16 =	sadd.s32 $0x20, s16;
	v40 =	vadd.s32 $0x463, v26;
	v47 =	vcvt.f32.s32 v34;
	v53 =	vld.idx.msk [tilespmem:v25+s3+$0x0], $0xffff;
	v34 =	vmul.f32 v29, v30  }
0x2d3: {  	v29 =	vadd.s32 $0x442, v26;
	v28 =	vld.idx.msk [tilespmem:v23+s3+$0x0], $0xffff;
	[tilespmem:s16+$0x0] =	vst v24;
	v24 =	vmul.f32 v32, v61;
	v38 =	vmul.f32 v33, v62  }
0x2d4: {  	[tilespmem:$0x1FCB0] =	vst v10;
	v10 =	vmul.f32 v41, v30;
	v50 =	vnsel vm13, $0x0, v39;
	v31 =	vmul.f32 v34, v59;
	v61 =	vld.idx.msk [tilespmem:v27+s3+$0x0], $0xffff  }
0x2d5: {  	v34 =	vmul.f32 v34, v8;
	[tilespmem:$0x1FD10] =	vst v3;
	v24 =	vadd.f32 v38, v24;
	v38 =	vld.idx.msk [tilespmem:v9+s18+$0x0], $0xffff;
	v9 =	vmov v43  }
0x2d6: {  	vm14 =	vgt.s32 v47, $0x0;
	v62 =	vmul.f32 v41, v51;
	v3 =	vmovc v48;
	v48 =	vtrunc.f32 v58;
	[tilespmem:$0x1FD60] =	vst v9;
	v9 =	vld [tilespmem:$0x1FD70]  }
0x2d7: {  	v2 =	vld.idx.msk [tilespmem:v45+s17+$0x0], $0xffff;
	v47 =	vnsel vm14, $0x0, v47;
	v45 =	vmul.f32 v31, v53;
	v48 =	vcvt.f32.s32 v48  }
0x2d8: {  	v47 =	vmin.u32 v47, $0x1F;
	v46 =	vld.idx.msk [tilespmem:v29+s3+$0x0], $0xffff;
	v51 =	vmovc v14;
	v14 =	vmul.f32 v57, v14;
	v39 =	vmul.f32 v62, v59  }
0x2d9: {  	v7 =	vld.idx.msk [tilespmem:v42+s17+$0x0], $0xffff;
	v28 =	vmul.f32 v34, v28;
	v30 =	vmul.f32 v62, v8;
	vm15 =	vgt.s32 v48, $0x0  }
0x2da: {  	v6 =	vld.idx.msk [tilespmem:v44+s17+$0x0], $0xffff;
	v24 =	vadd.f32 v24, v45;
	v45 =	vmin.u32 v50, $0x1F;
	v53 =	vmul.f32 v39, v61  }
0x2db: {  	v44 =	vld.idx.msk [tilespmem:v35+s3+$0x0], $0xffff;
	v50 =	vmovc v12;
	v12 =	vmul.f32 v56, v12;
	v48 =	vnsel vm15, $0x0, v48;
	v62 =	vcvt.s32.f32 v45  }
0x2dc: {  	v5 =	vld.idx.msk [tilespmem:v43+s17+$0x0], $0xffff;
	v45 =	vmul.u32 $0x21, v45;
	v24 =	vadd.f32 v24, v28;
	v28 =	vmul.f32 v10, v59  }
0x2dd: {  	v61 =	vld.idx.msk [tilespmem:v40+s3+$0x0], $0xffff;
	v59 =	vmin.u32 v48, $0x1F;
	v12 =	vadd.f32 v14, v12;
	v43 =	vmul.f32 v30, v46  }
0x2de: {  	v41 =	vld.idx.msk [tilespmem:v9+s18+$0x0], $0xffff;
	v9 =	vmovc v42;
	v42 =	vadd.f32 v24, v53;
	v53 =	vcvt.s32.f32 v47;
	v47 =	vmul.u32 $0x441, v47  }
0x2df: {  	[tilespmem:$0x1FC10] =	vst v13;
	v11 =	vsub.f32 v54, v62;
	v54 =	vadd.s32 v59, v45;
	v24 =	vmul.f32 v10, v8  }
0x2e0: {  	v14 =	vld [tilespmem:$0x1FC10];
	v10 =	vmul.f32 v28, v44;
	v8 =	vadd.f32 v42, v43;
	v54 =	vadd.s32 v47, v54  }
0x2e1: {  	v59 =	vcvt.s32.f32 v59;
	v47 =	vadd.s32 $0x1, v54  }
0x2e2: {  	v55 =	vsub.f32 v55, v53;
	v8 =	vadd.f32 v8, v10;
	v10 =	vmul.f32 v61, v24  }
0x2e3: {  	v13 =	vsub.f32 v58, v59;
	v61 =	vsub.f32 $1.000000000e+00, v11  }
0x2e4: {  	v53 =	vld [tilespmem:$0x1FC20];
	v62 =	vsub.f32 $1.000000000e+00, v55;
	v8 =	vadd.f32 v8, v10  }
0x2e5: {  	v0 =	vadd.f32 v63, v0;
	s19 =	sadd.s32 $0x20, s19;
	v16 =	vsub.f32 $1.000000000e+00, v13;
	v1 =	vmul.f32 v1, v14;
	[tilespmem:$0x1FD70] =	vst v9;
	v63 =	vld.idx.msk [tilespmem:v54+s3+$0x0], $0xffff  }
0x2e6: {  	v48 =	vadd.s32 $0x21, v54;
	v10 =	vmul.f32 v62, v61;
	v59 =	vmul.f32 v62, v11;
	[tilespmem:s19+$0x0] =	vst v8;
	v9 =	vld.idx.msk [tilespmem:v47+s3+$0x0], $0xffff  }
0x2e7: {  	v11 =	vmul.f32 v55, v11;
	v8 =	vmul.f32 v55, v61;
	v20 =	vld.idx.msk [tilespmem:v26+s17+$0x0], $0xffff  }
0x2e8: {  	v0 =	vadd.f32 v37, v0;
	v15 =	vmul.f32 v10, v13;
	v62 =	vmul.f32 v10, v16;
	v10 =	vld.idx.msk [tilespmem:v22+s17+$0x0], $0xffff  }
0x2e9: {  	v44 =	vadd.s32 $0x442, v54;
	v56 =	vmul.f32 v11, v16;
	v57 =	vmul.f32 v11, v13;
	v11 =	vld.idx.msk [tilespmem:v23+s17+$0x0], $0xffff  }
0x2ea: {  	v46 =	vadd.s32 $0x22, v54;
	v58 =	vmul.f32 v8, v16;
	v55 =	vmul.f32 v8, v13;
	v8 =	vld.idx.msk [tilespmem:v25+s17+$0x0], $0xffff  }
0x2eb: {  	v45 =	vadd.s32 $0x441, v54;
	v61 =	vmul.f32 v59, v16;
	v59 =	vmul.f32 v59, v13;
	v13 =	vld.idx.msk [tilespmem:v48+s3+$0x0], $0xffff  }
0x2ec: {  	v18 =	vmov v60;
	v1 =	vadd.f32 v1, v12;
	v4 =	vmul.f32 v4, v53;
	v16 =	vld.idx.msk [tilespmem:v27+s17+$0x0], $0xffff  }
0x2ed: {  	v2 =	vmul.f32 v2, v17;
	v6 =	vmul.f32 v6, v60;
	v37 =	vmov v14;
	v12 =	vld.idx.msk [tilespmem:v29+s17+$0x0], $0xffff;
	[tilespmem:s15+$0xFFFFFFF0] =	vst v0  }
0x2ee: {  	v60 =	vadd.f32 v4, v1;
	v4 =	vld.idx.msk [tilespmem:v44+s3+$0x0], $0xffff;
	v14 =	vmul.f32 v20, v32;
	v10 =	vmul.f32 v10, v33  }
0x2ef: {  	v1 =	vmul.f32 v7, v36;
	v0 =	vmul.f32 v15, v9;
	v9 =	vld.idx.msk [tilespmem:v46+s3+$0x0], $0xffff  }
0x2f0: {  	v20 =	vld.idx.msk [tilespmem:v45+s3+$0x0], $0xffff;
	v8 =	vmul.f32 v8, v31;
	v7 =	vmul.f32 v61, v13;
	v10 =	vadd.f32 v10, v14  }
0x2f1: {  	v13 =	vmul.f32 v16, v39;
	v16 =	vld [tilespmem:$0x1FC30];
	v14 =	vmul.f32 v62, v63  }
0x2f2: {  	v19 =	vmov v49;
	v49 =	vmul.f32 v5, v49;
	v5 =	vadd.f32 v8, v10;
	v10 =	vld.idx.msk [tilespmem:v35+s17+$0x0], $0xffff  }
0x2f3: {  	v42 =	vadd.s32 $0x463, v54;
	v8 =	vmul.f32 v11, v34;
	v0 =	vadd.f32 v0, v14;
	v14 =	vld [tilespmem:$0x1FC50]  }
0x2f4: {  	v11 =	vadd.f32 v2, v60;
	v60 =	vld [tilespmem:$0x1FC80]  }
0x2f5: {  	v43 =	vadd.s32 $0x462, v54;
	v8 =	vadd.f32 v8, v5;
	v5 =	vld [tilespmem:$0x1FC40];
	v0 =	vadd.f32 v0, v7  }
0x2f6: {  	v7 =	vmul.f32 v59, v9;
	v9 =	vadd.f32 v6, v11;
	v11 =	vmul.f32 v12, v30;
	v12 =	vld [tilespmem:$0x1FC70]  }
0x2f7: {  	v2 =	vld.idx.msk [tilespmem:v40+s17+$0x0], $0xffff  }
0x2f8: {  	s20 =	sadd.s32 $0x2, s20;
	v6 =	vld.idx.msk [tilespmem:v42+s3+$0x0], $0xffff;
	v8 =	vadd.f32 v13, v8  }
0x2f9: {  	p0 =	slt.u32 s20, $0x3E;
	v13 =	vld [tilespmem:$0x1FC60]  }
.Ltmp1:
0x2fa: {  	v21 =	vmovc v36;
	v36 =	vadd.f32 v0, v7;
	v7 =	vadd.f32 v11, v8;
	v11 =	vld [tilespmem:$0x1FCA0];
	v14 =	vmul.f32 v14, v5;
	(pc) =	sbr.rel @p0 .LBB2_5-.Ltmp1, $4  }
0x2fb: {  	v5 =	vld.idx.msk [tilespmem:v43+s3+$0x0], $0xffff;
	v12 =	vmul.f32 v60, v12  }
0x2fc: {  	v60 =	vmul.f32 v58, v20;
	v20 =	vmovc v3;
	v3 =	vadd.f32 v49, v9;
	v49 =	vmov v51;
	v51 =	vld [tilespmem:$0x1FC90]  }
0x2fd: {  	v9 =	vmov v53;
	v53 =	vmov v38;
	v38 =	vmul.f32 v10, v28;
	v10 =	vld [tilespmem:$0x1FCB0]  }
0x2fe: {  	s22 =	sadd.s32 $0x20, s22;
	s15 =	smov.u32 s0;
	s0 =	smov.u32 s16;
	v0 =	vadd.f32 v12, v14;
	v14 =	vmov v15;
	v15 =	vld [tilespmem:$0x1FCC0]  }
0x2ff: {  	v8 =	vadd.f32 v36, v60;
	v4 =	vmul.f32 v55, v4;
	_ =	sdelay $0x1  }
0x300: {  	v5 =	vmul.f32 v56, v5;
	v4 =	vadd.f32 v8, v4;
	_ =	sdelay $0x1  }
0x301: {  	v8 =	vmul.f32 v6, v57;
	v4 =	vadd.f32 v4, v5;
	_ =	sdelay $0x1  }
0x302: {  	v4 =	vadd.f32 v4, v8;
	_ =	sdelay $0x1  }
0x303: {  	[tilespmem:s19+$0xFFFFFFF0] =	vst v4  }
0x304: {  	v4 =	vld.idx.msk [tilespmem:v54+s17+$0x0], $0xffff  }
0x305: {  	v12 =	vld.idx.msk [tilespmem:v47+s17+$0x0], $0xffff;
	_ =	sdelay $0x1  }
0x306: {  	v36 =	vld.idx.msk [tilespmem:v48+s17+$0x0], $0xffff;
	_ =	sdelay $0x1  }
0x307: {  	v2 =	vmul.f32 v2, v24;
	v60 =	vld.idx.msk [tilespmem:v46+s17+$0x0], $0xffff  }
0x308: {  	v7 =	vadd.f32 v38, v7;
	v4 =	vmul.f32 v4, v62;
	v5 =	vmul.f32 v12, v14  }
0x309: {  	v12 =	vld.idx.msk [tilespmem:v45+s17+$0x0], $0xffff  }
0x30a: {  	v2 =	vadd.f32 v2, v7;
	v6 =	vld.idx.msk [tilespmem:v44+s17+$0x0], $0xffff;
	v63 =	vmul.f32 v36, v61;
	v4 =	vadd.f32 v5, v4  }
0x30b: {  	s12 =	sadd.s32 $0x20, s14;
	v1 =	vadd.f32 v1, v3  }
0x30c: {  	[tilespmem:s12+$0x0] =	vst v2;
	v2 =	vld.idx.msk [tilespmem:v43+s17+$0x0], $0xffff;
	v8 =	vmul.f32 v60, v59;
	v4 =	vadd.f32 v63, v4  }
0x30d: {  	v60 =	vld.idx.msk [tilespmem:v42+s17+$0x0], $0xffff  }
0x30e: {  	[tilespmem:s14+$0xFFFFFFF0] =	vst v1;
	v38 =	vmul.f32 v12, v58;
	v12 =	vld.idx.msk [tilespmem:v22+s18+$0x0], $0xffff;
	v36 =	vadd.f32 v8, v4  }
0x30f: {  	v22 =	vmul.f32 v6, v55;
	v6 =	vld.idx.msk [tilespmem:v10+s18+$0x0], $0xffff  }
0x310: {  	v10 =	vld.idx.msk [tilespmem:v40+s18+$0x0], $0xffff;
	v63 =	vadd.f32 v38, v36  }
0x311: {  	v4 =	vld.idx.msk [tilespmem:v26+s18+$0x0], $0xffff  }
0x312: {  	v2 =	vmul.f32 v2, v56;
	v26 =	vld.idx.msk [tilespmem:v25+s18+$0x0], $0xffff;
	v1 =	vadd.f32 v22, v63  }
0x313: {  	v8 =	vld.idx.msk [tilespmem:v23+s18+$0x0], $0xffff  }
0x314: {  	v7 =	vmul.f32 v60, v57;
	v23 =	vld.idx.msk [tilespmem:v29+s18+$0x0], $0xffff;
	v1 =	vadd.f32 v2, v1  }
0x315: {  	v36 =	vld.idx.msk [tilespmem:v11+s18+$0x0], $0xffff  }
0x316: {  	v2 =	vld.idx.msk [tilespmem:v27+s18+$0x0], $0xffff;
	v1 =	vadd.f32 v7, v1  }
0x317: {  	v27 =	vld.idx.msk [tilespmem:v20+s18+$0x0], $0xffff  }
0x318: {  	v7 =	vld.idx.msk [tilespmem:v35+s18+$0x0], $0xffff;
	[tilespmem:s12+$0xFFFFFFF0] =	vst v1  }
0x319: {  	v38 =	vld.idx.msk [tilespmem:v54+s18+$0x0], $0xffff  }
0x31a: {  	v40 =	vld [tilespmem:$0x1FD10]  }
0x31b: {  	v54 =	vld [tilespmem:$0x1FD20]  }
0x31c: {  	v63 =	vld.idx.msk [tilespmem:v47+s18+$0x0], $0xffff  }
0x31d: {  	v25 =	vld [tilespmem:$0x1FCD0]  }
0x31e: {  	v26 =	vmul.f32 v26, v31;
	v31 =	vld [tilespmem:$0x1FCE0]  }
0x31f: {  	v3 =	vmul.f32 v12, v33;
	v33 =	vmul.f32 v8, v34;
	v34 =	vld [tilespmem:$0x1FD30]  }
0x320: {  	v4 =	vmul.f32 v4, v32;
	v32 =	vld.idx.msk [tilespmem:v48+s18+$0x0], $0xffff  }
0x321: {  	v2 =	vmul.f32 v2, v39;
	v39 =	vld [tilespmem:$0x1FD40]  }
0x322: {  	v35 =	vld.idx.msk [tilespmem:v46+s18+$0x0], $0xffff  }
0x323: {  	v29 =	vmul.f32 v52, v16;
	v48 =	vld [tilespmem:$0x1FD50]  }
0x324: {  	v6 =	vmul.f32 v6, v50;
	v3 =	vadd.f32 v3, v4;
	v45 =	vld.idx.msk [tilespmem:v45+s18+$0x0], $0xffff;
	v12 =	vmul.f32 v40, v13  }
0x325: {  	v13 =	vmul.f32 v54, v15;
	v15 =	vmul.f32 v51, v25;
	v51 =	vld [tilespmem:$0x1FD60]  }
0x326: {  	v60 =	vmovc v14;
	v3 =	vadd.f32 v26, v3;
	v1 =	vmul.f32 v36, v49;
	v49 =	vmul.f32 v23, v30;
	v54 =	vld [tilespmem:$0x1FD70]  }
0x327: {  	v36 =	vmul.f32 v38, v62;
	v38 =	vmul.f32 v63, v60;
	v8 =	vld.idx.msk [tilespmem:v34+s18+$0x0], $0xffff  }
0x328: {  	v3 =	vadd.f32 v33, v3;
	v5 =	vmul.f32 v27, v37;
	v50 =	vld.idx.msk [tilespmem:v44+s18+$0x0], $0xffff;
	v1 =	vadd.f32 v1, v6  }
0x329: {  	v47 =	vmul.f32 v32, v61;
	v0 =	vadd.f32 v12, v0;
	v46 =	vadd.f32 v38, v36;
	v14 =	vld.idx.msk [tilespmem:v39+s18+$0x0], $0xffff  }
0x32a: {  	v2 =	vadd.f32 v2, v3;
	v7 =	vmul.f32 v7, v28;
	v1 =	vadd.f32 v5, v1;
	v40 =	vld [tilespmem:$0x1FCF0]  }
0x32b: {  	v11 =	vld.idx.msk [tilespmem:v48+s18+$0x0], $0xffff;
	v0 =	vadd.f32 v13, v0;
	v13 =	vmul.f32 v35, v59;
	v3 =	vadd.f32 v47, v46  }
0x32c: {  	v2 =	vadd.f32 v49, v2;
	v16 =	vmul.f32 v53, v31;
	v53 =	vld.idx.msk [tilespmem:v43+s18+$0x0], $0xffff;
	v8 =	vmul.f32 v8, v9  }
0x32d: {  	v6 =	vmul.f32 v45, v58;
	v5 =	vmul.f32 v50, v55;
	v3 =	vadd.f32 v13, v3;
	v4 =	vld.idx.msk [tilespmem:v51+s18+$0x0], $0xffff  }
0x32e: {  	v58 =	vld.idx.msk [tilespmem:v42+s18+$0x0], $0xffff;
	v0 =	vadd.f32 v15, v0;
	v52 =	vmul.f32 v14, v17;
	v1 =	vadd.f32 v8, v1  }
0x32f: {  	v2 =	vadd.f32 v7, v2;
	v59 =	vmul.f32 v10, v24;
	v13 =	vld.idx.msk [tilespmem:v54+s18+$0x0], $0xffff;
	v3 =	vadd.f32 v6, v3  }
0x330: {  	v0 =	vadd.f32 v29, v0;
	v11 =	vmul.f32 v11, v18;
	v1 =	vadd.f32 v52, v1  }
0x331: {  	v22 =	vmul.f32 v41, v40;
	v60 =	vmul.f32 v53, v56;
	v3 =	vadd.f32 v5, v3  }
0x332: {  	v0 =	vadd.f32 v16, v0;
	v4 =	vmul.f32 v4, v19;
	v1 =	vadd.f32 v11, v1  }
0x333: {  	v62 =	vmul.f32 v58, v57;
	v2 =	vadd.f32 v59, v2;
	v3 =	vadd.f32 v60, v3  }
0x334: {  	s23 =	sadd.s32 $0x20, s16;
	v0 =	vadd.f32 v22, v0;
	v61 =	vmul.f32 v13, v21;
	v1 =	vadd.f32 v4, v1  }
0x335: {  	[tilespmem:s23+$0x0] =	vst v2;
	v63 =	vadd.f32 v62, v3  }
0x336: {  	[tilespmem:s15+$0xFFFFFFF0] =	vst v0;
	v1 =	vadd.f32 v61, v1  }
0x337: {  	[tilespmem:s23+$0xFFFFFFF0] =	vst v63  }
0x338: {  	s24 =	sadd.s32 s7, s21;
	p0 =	sne.s32 s6, $0x40;
	[tilespmem:s0+$0xFFFFFFF0] =	vst v1  }
0x339: {  	[hbm4b:s24+s3] =	stream.linear.scatter [tilespmem:s30], [sflag:$0x4], $0x400, $0x38;
	[tilespmem:$0x1D580] =	vst v63  }
.Ltmp2:
0x33a: {  	_ = 	snop;
	(pc) =	sbr.rel @p0 .LBB2_2-.Ltmp2, $4  }
0x33b: {  	s25 =	sadd.s32 s7, s4  }
0x33c: {  	[hbm4b:s25+s3] =	stream.linear.scatter [tilespmem:s31], [sflag:$0x4], $0x400, $0x38;
	[tilespmem:$0x1D580] =	vst v63  }
0x33d: {  	s26 =	sadd.s32 s7, s5  }
0x33e: {  	[hbm4b:s26+s3] =	stream.linear.scatter [tilespmem:s1], [sflag:$0x4], $0x400, $0x38;
	[tilespmem:$0x1D580] =	vst v63  }
0x33f: {  	s0 =	simm.s32 $0x3  }
0x340: {  	_ =	swait.ge [sflag:s0], $0x400  }
0x341: {  	[sflag:s0] =	ssyncset.done $0x0  }
0x342: {  	[sflag:s0] =	ssyncadd.s32 $0xFFFFFC00  }
0x343: {  	_ =	swait.ge [sflag:s0], $0x400  }
0x344: {  	[sflag:s0] =	ssyncset.done $0x0  }
0x345: {  	[sflag:s0] =	ssyncadd.s32 $0xFFFFFC00  }
0x346: {  	_ =	swait.ge [sflag:s0], $0x400  }
0x347: {  	[sflag:s0] =	ssyncset.done $0x0  }
0x348: {  	s4 =	simm.s32 $0x4;
	[sflag:s0] =	ssyncadd.s32 $0xFFFFFC00  }
0x349: {  	_ =	swait.ge [sflag:s4], $0x400  }
0x34a: {  	[sflag:s4] =	ssyncset.done $0x0  }
0x34b: {  	[sflag:s4] =	ssyncadd.s32 $0xFFFFFC00  }
0x34c: {  	_ =	swait.ge [sflag:s4], $0x400  }
0x34d: {  	[sflag:s4] =	ssyncset.done $0x0  }
0x34e: {  	[sflag:s4] =	ssyncadd.s32 $0xFFFFFC00  }
0x34f: {  	_ =	swait.ge [sflag:s4], $0x400  }
0x350: {  	s5 =	rddreg [dreg:$0xa]  }
0x351: {  	s26 =	rddreg [dreg:$0x9];
	s5 =	sadd.s32 $0x1, s5  }
0x352: {  	p0 =	sne.s32 s5, s26  }
.Ltmp3:
0x353: {  	_ = 	snop;
	(pc) =	sbr.rel @p0 .LBB2_1-.Ltmp3, $3  }
0x354: {  	_ =	sdelay $0x1  }
0x355: {  	[sflag:s4] =	ssyncset.done $0x0  }
0x356: {  	[sflag:s4] =	ssyncadd.s32 $0xFFFFFC00  }
0x357: {  	_ =	sfence.sel $0x180000  }
0x358: {  	[bflag:$0x0] =	sbarrier.arrive $0xFFFF  }
0x359: {  	_ =	strace $0x9000004A  }
0x35a: {  	s0 =	stileid.u32;
	[bflag:$0x2] =	sbarrier.arrive $0xFFFF  }
0x35b: {  	p0 =	sne.s32 s0, $0x0;
	s0 =	rddreg [dreg:$0x2]  }
0x35c: {  	s0 =	sadd.s32 @!p0 $0x100000, s0  }
0x35d: {  	[sflag:s0] =	ssyncadd.tile.s32 @!p0 $0x1;
	_ =	shalt  }
.Lfunc_end2:
_tile_overlayer_lowered:
.L_overlay_start_2:
0x35e: {  	(tag) =	ssettag $0x2  }
0x35f: {  	s0 =	rddreg [dreg:$0x0];
	s2 =	stileid.u32  }
0x360: {  	s1 =	rddreg [dreg:$0x1];
	p0 =	sne.s32 s2, $0x0  }
0x361: {  	s3 =	rddreg [dreg:$0x2];
	[bflag:$0x3] =	sbarrier.arrive $0xFFFF;
	s2 =	simm.s32 @!p0 $0x1C05  }
0x362: {  	[timem:s3], [sflag:s2] =	dma.local @!p0 [hbm:s0], s1  }
0x363: {  	s0 =	simm.s32 @!p0 $0x5  }
0x364: {  	_ =	swait.ge @!p0 [sflag:s0], s1  }
0x365: {  	s1 =	ssub.s32 @!p0 $0x0, s1;
	[sflag:s0] =	ssyncset.done @!p0 $0x0  }
0x366: {  	[sflag:s0] =	ssyncadd.s32 @!p0 s1  }
0x367: {  	[bflag:$0x3] =	sbarrier.arrive $0xFFFF  }
0x368: {  	_ =	shalt  }

// kernel: sparse-core-data-format-call.cloned.1.call-start
scs
called_computation_lowered:
.L_overlay_start_0:
0x0: {  	s2 =	sld [smem:$0x3FD9]  }
0x1: {  	s3 =	sld [smem:$0x3FFE];
	_ =	sdelay $0x1  }
0x2: {  	s1 =	srdreg.scid  }
0x3: {  	s0 =	sand.u32 $0x1, s1  }
0x4: {  	s19 =	sshll.u32 s0, $0xA;
	s2 =	sadd.s32 s3, s2  }
0x5: {  	s2 =	sadd.s32 s2, s19  }
0x6: {  	[smem:$0x3FC6] =	sst s2  }
0x7: {  	_ = 	snop  }
0x8: {  	s2 =	sld [smem:$0x3FC9]  }
0x9: {  	s20 =	sld [smem:$0x3FD0];
	(tm) =	ssettm $0x1  }
0xa: {  	s4 =	sld [smem:$0x3FFB];
	_ =	sdelay $0x3  }
0xb: {  	_ =	strace s4  }
0xc: {  	s4 =	sld [smem:$0x3FFC];
	_ =	sdelay $0x3  }
0xd: {  	_ =	strace s4  }
0xe: {  	s4 =	sld [smem:$0x3FFD];
	_ =	sdelay $0x3  }
0xf: {  	_ =	strace s4  }
0x10: {  	_ =	strace $0x8FFFFFFF  }
0x11: {  	s21 =	sld [smem:$0x3FDB];
	_ =	sdelay $0x1  }
0x12: {  	s5 =	simm.s32 $_scs_section_size  }
0x13: {  	s6 =	simm.s32 $_size__tile_overlayer_lowered;
	s7 =	simm.s32 $_tile_overlayer_lowered  }
0x14: {  	s24 =	simm.s32 $0x1BFF;
	s23 =	sshll.u32 s7, $0x1;
	s4 =	sadd.s32 s5, s21  }
0x15: {  	s8 =	simm.s32 $0x0;
	s22 =	sshll.u32 s6, $0x1;
	s6 =	sadd.s32 s23, s4  }
0x16: {  	[timem:s8], [sflag:s24] =	dma.local [hbm:s6], s22  }
0x17: {  	_ =	swait.ge [sflag:s24], s22  }
0x18: {  	s5 =	ssub.s32 $0x0, s22;
	[sflag:s24] =	ssyncset.done $0x0  }
0x19: {  	[sflag:s24] =	ssyncadd.s32 s5;
	_ =	sdelay $0x1  }
0x1a: {  	s25 =	simm.s32 $0x1B8B  }
0x1b: {  	_ =	swait.ge [sflag:s25], $0x1  }
0x1c: {  	[sflag:s25] =	ssyncset.done $0x0  }
0x1d: {  	s26 =	simm.s32 $0x1B8E;
	[sflag:s25] =	ssyncadd.s32 $0xFFFFFFFF  }
0x1e: {  	s27 =	simm.s32 $execute0_lowered;
	[smem:$0x3FD2] =	sst s26  }
0x1f: {  	s5 =	sshll.u32 s27, $0x1;
	_ =	strace $0x80000046;
	[dreg:$0x1] =	wrdreg $0xFFFFFFFF  }
0x20: {  	s28 =	simm.s32 $_size_execute0_lowered;
	s4 =	sadd.s32 s4, s5;
	[dreg:$0x0] =	wrdreg $0x0  }
0x21: {  	s5 =	sshll.u32 s28, $0x1;
	[dreg:$0x2] =	wrdreg s4  }
0x22: {  	[dreg:$0x3] =	wrdreg s5  }
0x23: {  	[dreg:$0x4] =	wrdreg $0xC0  }
0x24: {  	_ =	task [dreg:s8], $0x5FFFF  }
0x25: {  	[dreg:$0x1] =	wrdreg $0xFFFFFFFF  }
0x26: {  	[dreg:$0x0] =	wrdreg $0x60  }
0x27: {  	[dreg:$0x2] =	wrdreg s2  }
0x28: {  	[dreg:$0x3] =	wrdreg s20  }
0x29: {  	[dreg:$0x4] =	wrdreg $0x9  }
0x2a: {  	_ =	task.clear_ibuf [dreg:s8], $0x5FFFF;
	_ =	strace $0x90000046  }
0x2b: {  	s29 =	simm.s32 $0x9;
	_ =	strace $0x80000048  }
0x2c: {  	_ =	swait.ge [sflag:s29], $0x1  }
0x2d: {  	[sflag:s29] =	ssyncadd.s32 $0xFFFFFFFF  }
0x2e: {  	_ =	strace $0x90000048  }
0x2f: {  	_ =	sfence  }
0x30: {  	s30 =	sld [smem:$0x0];
	_ =	sdelay $0x2  }
0x31: {  	s31 =	sshll.u32 s1, $0xD;
	s1 =	sshrl.u32 s1, $0x2  }
0x32: {  	s3 =	sand.u32 $0x4000, s31;
	s1 =	sadd.s32 s1, s30  }
0x33: {  	s0 =	sor.u32 s3, s0;
	s1 =	sshll.u32 s1, $0x11  }
0x34: {  	s0 =	sor.u32 s1, s0  }
0x35: {  	s0 =	sadd.s32 $0x8F2B, s0  }
0x36: {  	[sflag:s0] =	ssyncadd.remote.s32 $0x1  }
0x37: {  	_ =	sfence.sel $0xFFFF  }
0x38: {  	[dreg:$0x0] =	wrdreg $0xFFFFFFFF;
	(pc) =	sbr.abs _section_cstart, $3  }
0x39: {  	[dreg:$0x1] =	wrdreg $0xFFFFFFFF  }
0x3a: {  	_ =	task.clear_ibuf [dreg:s8], $0x2FFFF;
	_ =	strace $0x9FFFFFFF  }
0x3b: {  	(tm) =	ssettm $0x7FFFFFFF  }
tec
execute0_lowered:
.L_overlay_start_1:
0x0: {  	(tag) =	ssettag $0x1  }
0x1: {  	s0 =	srdreg.scid  }
0x2: {  	s1 =	sshll.u32 s0, $0x4  }
0x3: {  	s2 =	rddreg [dreg:$0x0];
	s0 =	stileid.u32;
	s1 =	sand.u32 $0x10, s1  }
0x4: {  	s4 =	rddreg [dreg:$0x1];
	s1 =	sor.u32 s0, s1  }
0x5: {  	s7 =	simm.s32 $0x1;
	s8 =	simm.s32 $0x2;
	s3 =	sshll.u32 s1, $0x2  }
0x6: {  	s9 =	simm.s32 $0x0;
	s12 =	simm.s32 $0x0;
	s6 =	ssub.s32 $0xC00, s3  }
.Ltmp0:
0x7: {  	s11 =	simm.s32 $0x0;
	s5 =	sand.u32 $0x7C, s6;
	(pc) =	sbr.rel .LBB1_1-.Ltmp0, $4  }
0x8: {  	s1 =	rddreg [dreg:$0x2];
	_ =	strace $0x80000047;
	p0 =	sne.s32 s5, $0x0  }
0x9: {  	s6 =	sshrl.u32 s6, $0x7;
	s5 =	simm.s32 $0x1;
	s7 =	simm.s32 @!p0 $0x0  }
0xa: {  	s10 =	smov.u32 s3;
	[sflag:s5] =	ssyncpa.u1 $0x0;
	s6 =	sadd.s32 s7, s6  }
0xb: {  	[sflag:s8] =	ssyncpa.u1 $0x0;
	s8 =	simm.s32 $0x0;
	s7 =	sadd.s32 $0x1, s6  }
.LBB1_9:
0xc: {  	s14 =	sadd.s32 $0x80, s10  }
0xd: {  	p1 =	sgt.s32 s14, $0xBFF  }
0xe: {  	s14 =	smov.u32 @p1 s3;
	p1 =	sne.s32 s11, s7  }
.Ltmp1:
0xf: {  	p0 =	slt.u32 s11, $0x2;
	(pc) =	sbr.rel @!p1 .LBB1_10-.Ltmp1, $4  }
0x10: {  	s13 =	simm.s32 @!p0 $0x2  }
0x11: {  	s15 =	sadd.s32 $0x1, s11;
	_ =	swait.ge @!p0 [sflag:s13], $0x4000  }
0x12: {  	s12 =	smov.u32 s10;
	s9 =	sadd.s32 $0x4000, s9;
	[sflag:s13] =	ssyncset.done @!p0 $0x0  }
0x13: {  	s11 =	smov.u32 s15;
	s10 =	smov.u32 s14;
	[sflag:s13] =	ssyncadd.s32 @!p0 $0xFFFFC000  }
.LBB1_1:
0x14: {  	p0 =	sge.u32 s11, s6  }
0x15: {  	s13 =	sxor.u32 @!p0 $0xFFFFFFFF, s11  }
0x16: {  	s31 =	sadd.s32 $0xFFFFFFFF, s11;
	s14 =	sshll.u32 @!p0 s10, $0x9;
	s13 =	sshll.u32 @!p0 s13, $0xE  }
0x17: {  	s15 =	simm.s32 @!p0 $0x0;
	s14 =	sadd.s32 @!p0 s2, s14;
	s13 =	sand.u32 @!p0 $0x4000, s13  }
0x18: {  	[tilespmem:s13], [sflag:$0x1] =	stream.linear.gather @!p0 [hbm4b:s14+s15], $0x4000, $0x38;
	[tilespmem:$0x10000] =	vst v63  }
0x19: {  	p0 =	sge.u32 s31, s6  }
.Ltmp2:
0x1a: {  	_ = 	snop;
	(pc) =	sbr.rel @p0 .LBB1_9-.Ltmp2, $1  }
0x1b: {  	_ =	sdelay $0x3  }
0x1c: {  	s14 =	sand.u32 $0x4000, s9  }
0x1d: {  	_ =	swait.ge [sflag:s5], $0x4000;
	s15 =	sshll.u32 s11, $0xE;
	s16 =	simm.s32 $0x0  }
0x1e: {  	s13 =	sor.u32 $0x40, s14;
	[sflag:s5] =	ssyncset.done $0x0;
	s15 =	sand.u32 $0x4000, s15  }
0x1f: {  	s14 =	sor.u32 $0x8040, s14;
	[sflag:s5] =	ssyncadd.s32 $0xFFFFC000;
	s15 =	sor.u32 $0x8000, s15  }
.LBB1_3:
0x20: {  	s17 =	smov.u32 s14;
	s18 =	smov.u32 s13;
	s19 =	simm.s32 $0x0  }
.LBB1_4:
0x21: {  	v0 =	vmov s17;
	v2 =	vld [tilespmem:s18+$0x30]  }
0x22: {  	v4 =	vld [tilespmem:s18+$0xFFFFFFD0]  }
0x23: {  	v6 =	vld [tilespmem:s18+$0xFFFFFFE0]  }
0x24: {  	v7 =	vld [tilespmem:s18+$0xFFFFFFF0]  }
0x25: {  	s20 =	simm.s32 $0x0;
	v1 =	vld [tilespmem:s18+$0x0]  }
0x26: {  	v3 =	vld [tilespmem:s18+$0x10];
	[tilespmem:v0+s20+$0x30 ss:$0x1] =	vst.idx.msk $0xffff, v2  }
0x27: {  	v5 =	vld [tilespmem:s18+$0x20];
	[tilespmem:v0+s20+$0xFFFFFFD0 ss:$0x1] =	vst.idx.msk $0xffff, v4  }
0x28: {  	s21 =	sadd.s32 $0x80, s18;
	v2 =	vld [tilespmem:s18+$0xFFFFFFC0];
	[tilespmem:v0+s20+$0xFFFFFFE0 ss:$0x1] =	vst.idx.msk $0xffff, v6  }
0x29: {  	s22 =	simm.s32 $0x800;
	s23 =	simm.s32 $0x1000;
	v4 =	vld [tilespmem:s21+$0x30];
	[tilespmem:v0+s20+$0xFFFFFFF0 ss:$0x1] =	vst.idx.msk $0xffff, v7  }
.LBB1_5:
0x2a: {  	p0 =	sne.s32 s23, $0x3800;
	v6 =	vld [tilespmem:s21+$0xFFFFFFD0];
	[tilespmem:v0+s20+$0x0 ss:$0x1] =	vst.idx.msk $0xffff, v1  }
0x2b: {  	v7 =	vld [tilespmem:s21+$0xFFFFFFE0];
	[tilespmem:v0+s20+$0x10 ss:$0x1] =	vst.idx.msk $0xffff, v3  }
0x2c: {  	v8 =	vld [tilespmem:s21+$0xFFFFFFF0];
	[tilespmem:v0+s20+$0x20 ss:$0x1] =	vst.idx.msk $0xffff, v5  }
.Ltmp3:
0x2d: {  	v1 =	vld [tilespmem:s21+$0x0];
	[tilespmem:v0+s20+$0xFFFFFFC0 ss:$0x1] =	vst.idx.msk $0xffff, v2;
	s20 =	sshra.s32 s22, $0x2;
	s22 =	smov.u32 s23;
	(pc) =	sbr.rel @p0 .LBB1_5-.Ltmp3, $4  }
0x2e: {  	v3 =	vld [tilespmem:s21+$0x10];
	[tilespmem:v0+s20+$0x30 ss:$0x1] =	vst.idx.msk $0xffff, v4  }
0x2f: {  	[tilespmem:v0+s20+$0xFFFFFFD0 ss:$0x1] =	vst.idx.msk $0xffff, v6;
	v5 =	vld [tilespmem:s21+$0x20]  }
0x30: {  	v2 =	vld [tilespmem:s21+$0xFFFFFFC0];
	[tilespmem:v0+s20+$0xFFFFFFE0 ss:$0x1] =	vst.idx.msk $0xffff, v7;
	s21 =	sadd.s32 $0x80, s21  }
0x31: {  	s23 =	sadd.s32 $0x800, s23;
	v4 =	vld [tilespmem:s21+$0x30];
	[tilespmem:v0+s20+$0xFFFFFFF0 ss:$0x1] =	vst.idx.msk $0xffff, v8  }
0x32: {  	_ =	sdelay $0x3  }
0x33: {  	v6 =	vld [tilespmem:s21+$0xFFFFFFD0];
	[tilespmem:v0+s20+$0x0 ss:$0x1] =	vst.idx.msk $0xffff, v1  }
0x34: {  	v58 =	vld [tilespmem:s21+$0xFFFFFFE0];
	[tilespmem:v0+s20+$0x10 ss:$0x1] =	vst.idx.msk $0xffff, v3  }
0x35: {  	v59 =	vld [tilespmem:s21+$0xFFFFFFF0];
	[tilespmem:v0+s20+$0x20 ss:$0x1] =	vst.idx.msk $0xffff, v5  }
0x36: {  	s22 =	sshra.s32 s22, $0x2;
	v60 =	vld [tilespmem:s21+$0x0];
	[tilespmem:v0+s20+$0xFFFFFFC0 ss:$0x1] =	vst.idx.msk $0xffff, v2  }
0x37: {  	v61 =	vld [tilespmem:s21+$0x10];
	[tilespmem:v0+s22+$0x30 ss:$0x1] =	vst.idx.msk $0xffff, v4  }
0x38: {  	v62 =	vld [tilespmem:s21+$0x20];
	s19 =	sadd.s32 $0x1, s19;
	[tilespmem:v0+s22+$0xFFFFFFD0 ss:$0x1] =	vst.idx.msk $0xffff, v6  }
0x39: {  	v63 =	vld [tilespmem:s21+$0xFFFFFFC0];
	p0 =	sne.s32 s19, $0x4;
	[tilespmem:v0+s22+$0xFFFFFFE0 ss:$0x1] =	vst.idx.msk $0xffff, v58  }
.Ltmp4:
0x3a: {  	[tilespmem:v0+s22+$0xFFFFFFF0 ss:$0x1] =	vst.idx.msk $0xffff, v59;
	(pc) =	sbr.rel @p0 .LBB1_4-.Ltmp4, $4  }
0x3b: {  	[tilespmem:v0+s22+$0x0 ss:$0x1] =	vst.idx.msk $0xffff, v60  }
0x3c: {  	[tilespmem:v0+s22+$0x10 ss:$0x1] =	vst.idx.msk $0xffff, v61  }
0x3d: {  	[tilespmem:v0+s22+$0x20 ss:$0x1] =	vst.idx.msk $0xffff, v62  }
0x3e: {  	s18 =	sadd.s32 $0x400, s18;
	s17 =	sadd.s32 $0x80, s17;
	[tilespmem:v0+s22+$0xFFFFFFC0 ss:$0x1] =	vst.idx.msk $0xffff, v63  }
0x3f: {  	s16 =	sadd.s32 $0x1, s16  }
0x40: {  	p0 =	sne.s32 s16, $0x4  }
.Ltmp5:
0x41: {  	_ = 	snop;
	(pc) =	sbr.rel @p0 .LBB1_3-.Ltmp5, $2  }
0x42: {  	_ =	sdelay $0x2  }
0x43: {  	s13 =	sadd.s32 $0x1000, s13;
	s14 =	sadd.s32 $0x1000, s14  }
.Ltmp6:
0x44: {  	(pc) =	sbr.rel .LBB1_9-.Ltmp6, $4  }
0x45: {  	_ = 	snop  }
0x46: {  	s12 =	sshll.u32 s12, $0x9  }
0x47: {  	s12 =	sadd.s32 s4, s12  }
0x48: {  	[hbm4b:s12+s8] =	stream.linear.scatter [tilespmem:s15], [sflag:$0x2], $0x4000, $0x38;
	[tilespmem:$0x10000] =	vst v63  }
.LBB1_10:
0x49: {  	_ =	sfence.sel $0x180000  }
0x4a: {  	s2 =	simm.s32 $0x1;
	[bflag:$0x0] =	sbarrier.arrive $0xFFFF  }
0x4b: {  	s31 =	simm.s32 $0x2;
	[sflag:s2] =	ssyncpa.u1 $0x1  }
0x4c: {  	[sflag:s31] =	ssyncpa.u1 $0x1  }
0x4d: {  	p0 =	sne.s32 s0, $0x0;
	_ =	strace $0x90000047  }
0x4e: {  	s0 =	sadd.s32 @!p0 $0x100000, s1;
	[bflag:$0x2] =	sbarrier.arrive $0xFFFF  }
0x4f: {  	[sflag:s0] =	ssyncadd.tile.s32 @!p0 $0x1;
	_ =	shalt  }
.Lfunc_end1:
_tile_overlayer_lowered:
.L_overlay_start_2:
0x50: {  	(tag) =	ssettag $0x2  }
0x51: {  	s0 =	rddreg [dreg:$0x0];
	s2 =	stileid.u32  }
0x52: {  	s1 =	rddreg [dreg:$0x1];
	p0 =	sne.s32 s2, $0x0  }
0x53: {  	s3 =	rddreg [dreg:$0x2];
	[bflag:$0x3] =	sbarrier.arrive $0xFFFF;
	s2 =	simm.s32 @!p0 $0x1C01  }
0x54: {  	[timem:s3], [sflag:s2] =	dma.local @!p0 [hbm:s0], s1  }
0x55: {  	s0 =	simm.s32 @!p0 $0x1  }
0x56: {  	_ =	swait.ge @!p0 [sflag:s0], s1  }
0x57: {  	s1 =	ssub.s32 @!p0 $0x0, s1;
	[sflag:s0] =	ssyncset.done @!p0 $0x0  }
0x58: {  	[sflag:s0] =	ssyncadd.s32 @!p0 s1  }
0x59: {  	[bflag:$0x3] =	sbarrier.arrive $0xFFFF  }
0x5a: {  	_ =	shalt  }

</sc_bundles>
